<compile_context>
chip_gen: v7x
topology: tpu7x:2x2x1
jax: 0.10.2.dev20260603
libtpu: 0.0.44.dev20260713+nightly
codegen_flags: <defaults>
</compile_context>

<pallas_src>
import jax
import jax.numpy as jnp
from jax import lax
from jax.experimental import pallas as pl
from jax.experimental.pallas import tpu as pltpu
from jax.experimental.pallas import tpu_sc as plsc

N = 10000
D = 128
H = 8
HD = D // H
NC = 2
NS = 16
NW = NC * NS
CH = 64
ACC_R = 10016
ACC_C = 144
ROWS_PER_TILE = ACC_R // NS
NEG_SLOPE = 0.2

E_RAW = 320000
EP = E_RAW + N
NBUF = 2
N_CHUNKS = -(-EP // (NW * CH * NBUF)) * NBUF
EPT = N_CHUNKS * CH
E_PAD = EPT * NW


def _front_body(x_ref, w_ref, sa_ref, h_ref, a2_ref):
    xb = x_ref[...]
    h = lax.dot_general(xb, w_ref[...], (((1,), (1,)), ((), ())),
                        preferred_element_type=jnp.float32)
    h_ref[...] = h
    a2_ref[...] = jnp.dot(h, sa_ref[...], preferred_element_type=jnp.float32)


def _combine_body(p_ref, o_ref):
    s = p_ref[0] + p_ref[1]
    num = s[:, :D]
    den = s[:, D:D + H]
    den_b = jnp.broadcast_to(den[:, :, None], (num.shape[0], H, HD))
    o_ref[...] = num / den_b.reshape(num.shape[0], D)


def _sc_body(rows_hbm, cols_hbm, h_hbm, a_hbm, b_hbm, out_hbm, *refs):
    cid = lax.axis_index("c")
    sid = lax.axis_index("s")
    wid = sid * NC + cid

    bufs = tuple(refs[4 * b:4 * b + 4] for b in range(NBUF))
    st = refs[4 * NBUF]
    acc = refs[4 * NBUF + 1]
    gsems = refs[4 * NBUF + 2:4 * NBUF + 2 + NBUF]

    zeros16 = jnp.zeros((16,), jnp.float32)
    st0 = st

    def zrow(i, carry):
        for j in range(ACC_C // 16):
            st0[i, pl.ds(j * 16, 16)] = zeros16
        return carry
    lax.fori_loop(0, CH, zrow, 0)
    r0 = sid * ROWS_PER_TILE
    for k in range(ROWS_PER_TILE // CH):
        pltpu.sync_copy(st0, acc.at[pl.ds(r0 + k * CH, CH)])
    rem = ROWS_PER_TILE % CH
    if rem:
        base = r0 + (ROWS_PER_TILE // CH) * CH
        pltpu.sync_copy(st0.at[pl.ds(0, rem)], acc.at[pl.ds(base, rem)])
    plsc.subcore_barrier()

    def start_gathers(c, b):
        idx, gr, gc, hr = bufs[b]
        base = wid * EPT + c * CH
        pltpu.sync_copy(rows_hbm.at[pl.ds(base, CH)], idx.at[0])
        pltpu.sync_copy(cols_hbm.at[pl.ds(base, CH)], idx.at[1])
        pltpu.async_copy(h_hbm.at[idx.at[1]], hr, gsems[b])
        pltpu.async_copy(a_hbm.at[idx.at[0]], gr, gsems[b])
        pltpu.async_copy(b_hbm.at[idx.at[1]], gc, gsems[b])

    def wait_gathers(b):
        idx, gr, gc, hr = bufs[b]
        pltpu.make_async_copy(h_hbm.at[idx.at[1]], hr, gsems[b]).wait()
        pltpu.make_async_copy(a_hbm.at[idx.at[0]], gr, gsems[b]).wait()
        pltpu.make_async_copy(b_hbm.at[idx.at[1]], gc, gsems[b]).wait()

    def scatter(b):
        idx = bufs[b][0]
        pltpu.sync_copy(st, acc.at[idx.at[0]], add=True)

    def compute(b):
        _, gr, gc, hr = bufs[b]

        @plsc.parallel_loop(0, CH, unroll=4)
        def edge_body(e):
            ev = gr[e, :] + gc[e, :]
            ev = jnp.maximum(ev, ev * NEG_SLOPE)
            pv = jnp.exp(ev)
            st[e, pl.ds(D, 16)] = pv
            for j in range(H):
                st[e, pl.ds(j * HD, HD)] = hr[e, pl.ds(j * HD, HD)] * pv[j]

    start_gathers(0, 0)

    def round_body(r, carry):
        for off in range(2):
            c = r * 2 + off
            wait_gathers(off)
            start_gathers(jnp.minimum(c + 1, N_CHUNKS - 1), 1 - off)
            compute(off)
            scatter(off)
        return carry
    lax.fori_loop(0, N_CHUNKS // 2, round_body, 0)
    wait_gathers(0)

    plsc.subcore_barrier()
    pltpu.sync_copy(acc.at[pl.ds(r0, ROWS_PER_TILE)],
                    out_hbm.at[cid, pl.ds(r0, ROWS_PER_TILE)])


def kernel(x, edge_indices, W, src_attn, dst_attn):
    n = x.shape[0]
    loops = jnp.arange(n, dtype=jnp.int32)
    pad = E_PAD - EP
    rows = jnp.concatenate([edge_indices[0].astype(jnp.int32), loops,
                            jnp.full((pad,), n, jnp.int32)])
    cols = jnp.concatenate([edge_indices[1].astype(jnp.int32), loops,
                            jnp.zeros((pad,), jnp.int32)])
    eyeh = jnp.repeat(jnp.eye(H, dtype=jnp.float32), HD, axis=0)
    sa = jnp.concatenate([eyeh * src_attn.reshape(D, 1),
                          eyeh * dst_attn.reshape(D, 1)], axis=1)

    blk = 1000
    h, a2 = pl.pallas_call(
        _front_body,
        grid=(n // blk,),
        in_specs=[
            pl.BlockSpec((blk, D), lambda i: (i, 0)),
            pl.BlockSpec((D, D), lambda i: (0, 0)),
            pl.BlockSpec((D, 2 * H), lambda i: (0, 0)),
        ],
        out_specs=[
            pl.BlockSpec((blk, D), lambda i: (i, 0)),
            pl.BlockSpec((blk, 2 * H), lambda i: (i, 0)),
        ],
        out_shape=[
            jax.ShapeDtypeStruct((n, D), jnp.float32),
            jax.ShapeDtypeStruct((n, 2 * H), jnp.float32),
        ],
    )(x, W, sa)

    zrow = jnp.zeros((1, 2 * H), jnp.float32)
    a_tbl = jnp.concatenate([a2, zrow])
    b_tbl = jnp.concatenate([a2[:, H:], a2[:, :H]], axis=1)
    b_tbl = jnp.concatenate([b_tbl, zrow])

    mesh = plsc.VectorSubcoreMesh(core_axis_name="c", subcore_axis_name="s",
                                  num_cores=NC, num_subcores=NS)
    sc_fn = pl.kernel(
        _sc_body,
        out_type=jax.ShapeDtypeStruct((NC, ACC_R, ACC_C), jnp.float32),
        mesh=mesh,
        scratch_types=(
            [t for _ in range(NBUF)
             for t in (pltpu.VMEM((2, CH), jnp.int32),
                       pltpu.VMEM((CH, 2 * H), jnp.float32),
                       pltpu.VMEM((CH, 2 * H), jnp.float32),
                       pltpu.VMEM((CH, D), jnp.float32))]
            + [pltpu.VMEM((CH, ACC_C), jnp.float32)]
            + [pltpu.VMEM_SHARED((ACC_R, ACC_C), jnp.float32)]
            + [pltpu.SemaphoreType.DMA for _ in range(NBUF)]
        ),
        compiler_params=pltpu.CompilerParams(use_tc_tiling_on_sc=False),
    )
    partial = sc_fn(rows, cols, h, a_tbl, b_tbl)

    cblk = 256
    out_pad = pl.pallas_call(
        _combine_body,
        grid=(-(-ACC_R // cblk),),
        in_specs=[pl.BlockSpec((NC, cblk, ACC_C), lambda i: (0, i, 0))],
        out_specs=pl.BlockSpec((cblk, D), lambda i: (i, 0)),
        out_shape=jax.ShapeDtypeStruct((ACC_R, D), jnp.float32),
    )(partial)
    return out_pad[:n]

# --- scband reference (transcript-rebuilt; emitter-appended) ---
"""Pipeline reference for scband-gatlayer-17789754540237 (READ-ONLY COPY).

The authoritative reference and input builder live on the scoring server;
editing this copy changes nothing except your own understanding.
"""

import jax, jax.numpy as jnp
import numpy as np

N = 10000
E = 320000
D = 128
H = 8
HD = D // H


def setup_inputs(seed: int = 0) -> dict:
    key = jax.random.key(seed)
    k1, k2, k3, k4, k5 = jax.random.split(key, 5)
    x = jax.random.normal(k1, (N, D), dtype=jnp.float32)
    edge_indices = jax.random.randint(k2, (2, E), 0, N)
    # nn.Linear weight (out, in), kaiming-uniform-ish scale
    W = jax.random.normal(k3, (D, D), dtype=jnp.float32) * (1.0 / np.sqrt(D))
    # kaiming_normal_(nonlinearity='linear') on (1, H, HD): std = 1/sqrt(fan_in)
    src_attn = jax.random.normal(k4, (1, H, HD), dtype=jnp.float32) * (1.0 / np.sqrt(HD))
    dst_attn = jax.random.normal(k5, (1, H, HD), dtype=jnp.float32) * (1.0 / np.sqrt(HD))
    return {"x": x, "edge_indices": edge_indices, "W": W, "src_attn": src_attn, "dst_attn": dst_attn}


def reference(x, edge_indices, W, src_attn, dst_attn):
    n = x.shape[0]
    # add self loops
    loops = jnp.arange(n, dtype=edge_indices.dtype)
    ei = jnp.concatenate([edge_indices, jnp.stack([loops, loops])], axis=1)
    row = ei[0]
    col = ei[1]
    # linear projection (no bias), reshape to heads
    h = (x @ W.T).reshape(-1, H, HD)
    # dropout p=0 -> identity
    src_e = (h * src_attn).sum(axis=-1)[row]   # (E', H)
    dst_e = (h * dst_attn).sum(axis=-1)[col]   # (E', H)
    e = jax.nn.leaky_relu(src_e + dst_e, negative_slope=0.2)
    # sparse softmax over dim=1 (columns) per row index = segment softmax by row.
    # coalesce (summing duplicate entries) commutes with the final sparse matmul
    # by linearity, so it is omitted without changing the result.
    m = jax.ops.segment_max(e, row, num_segments=n)
    ex = jnp.exp(e - m[row])
    denom = jax.ops.segment_sum(ex, row, num_segments=n)
    w = ex / denom[row]                         # (E', H)
    # per-head sparse matmul: out[r] += w_e * h[col_e]; heads concatenated along dim 1
    out = jax.ops.segment_sum(w[:, :, None] * h[col], row, num_segments=n)  # (N, H, HD)
    return out.reshape(n, H * HD)

if __name__ == "__main__":
    import jax
    _d = setup_inputs()
    print(jax.jit(kernel)(*tuple(_d.values())))

</pallas_src>

<mosaic_0001>
#map = affine_map<(d0, d1) -> (0)>
#map1 = affine_map<(d0, d1) -> (0, 0)>
#map2 = affine_map<(d0, d1) -> (0, 0, 0)>
module attributes {stable_mosaic.version = 14 : i64} {
  func.func @_sc_body(%arg0: i32, %arg1: i32, %arg2: memref<331776xi32, #tpu.memory_space<hbm>>, %arg3: memref<331776xi32, #tpu.memory_space<hbm>>, %arg4: memref<10000x128xf32, #tpu.memory_space<hbm>>, %arg5: memref<10001x16xf32, #tpu.memory_space<hbm>>, %arg6: memref<10001x16xf32, #tpu.memory_space<hbm>>, %arg7: memref<2x10016x144xf32, #tpu.memory_space<hbm>>, %arg8: memref<2x64xi32, #tpu.memory_space<vmem>>, %arg9: memref<64x16xf32, #tpu.memory_space<vmem>>, %arg10: memref<64x16xf32, #tpu.memory_space<vmem>>, %arg11: memref<64x128xf32, #tpu.memory_space<vmem>>, %arg12: memref<2x64xi32, #tpu.memory_space<vmem>>, %arg13: memref<64x16xf32, #tpu.memory_space<vmem>>, %arg14: memref<64x16xf32, #tpu.memory_space<vmem>>, %arg15: memref<64x128xf32, #tpu.memory_space<vmem>>, %arg16: memref<64x144xf32, #tpu.memory_space<vmem>>, %arg17: memref<10016x144xf32, #tpu.memory_space<vmem_shared>>, %arg18: memref<!tpu.dma_semaphore, #tpu.memory_space<semaphore_mem>>, %arg19: memref<!tpu.dma_semaphore, #tpu.memory_space<semaphore_mem>>) attributes {dimension_semantics = [#tpu.dimension_semantics<core_parallel>, #tpu.dimension_semantics<subcore_parallel>], iteration_bounds = array<i64: 2, 16>, scalar_prefetch = 0 : i64, scratch_operands = 12 : i64, tpu.core_type = #tpu.core_type<sc_vector_subcore>, window_params = [{transform_indices = #map}, {transform_indices = #map}, {transform_indices = #map1}, {transform_indices = #map1}, {transform_indices = #map1}, {transform_indices = #map2}]} {
    %mul3A = arith.constant 2 : i32
    %mul3A_0 = arith.muli %arg1, %mul3A : i32
    %add3A = arith.addi %mul3A_0, %arg0 : i32
    %broadcast_in_dim3A = arith.constant 0.000000e+00 : f32
    %broadcast_in_dim3A_1 = vector.broadcast %broadcast_in_dim3A : f32 to vector<16xf32>
    %scan3A = arith.constant 0 : i32
    %scan3A_2 = arith.constant 0 : i32
    %scan3A_3 = arith.constant 64 : i32
    %scan3A_4 = arith.addi %scan3A_2, %scan3A_3 : i32
    %scan3A_5 = arith.constant 1 : i32
    scf.for %scan3A_81 = %scan3A_2 to %scan3A_4 step %scan3A_5  : i32 {
      %swap3A = arith.index_cast %scan3A_81 : i32 to index
      %swap3A_82 = arith.constant 0 : index
      %swap3A_83 = tpu.vector_load %arg16[%swap3A, %swap3A_82] {strides = array<i32>} : memref<64x144xf32, #tpu.memory_space<vmem>>, vector<1x16xf32>,
      %swap3A_84 = vector.shape_cast %swap3A_83 : vector<1x16xf32> to vector<16xf32>
      %swap3A_85 = vector.shape_cast %broadcast_in_dim3A_1 : vector<16xf32> to vector<1x16xf32>
      tpu.vector_store %arg16[%swap3A, %swap3A_82], %swap3A_85 {strides = array<i32>} : memref<64x144xf32, #tpu.memory_space<vmem>>, vector<1x16xf32>,
      %swap3A_86 = arith.index_cast %scan3A_81 : i32 to index
      %swap3A_87 = arith.constant 16 : index
      %swap3A_88 = tpu.vector_load %arg16[%swap3A_86, %swap3A_87] {strides = array<i32>} : memref<64x144xf32, #tpu.memory_space<vmem>>, vector<1x16xf32>,
      %swap3A_89 = vector.shape_cast %swap3A_88 : vector<1x16xf32> to vector<16xf32>
      %swap3A_90 = vector.shape_cast %broadcast_in_dim3A_1 : vector<16xf32> to vector<1x16xf32>
      tpu.vector_store %arg16[%swap3A_86, %swap3A_87], %swap3A_90 {strides = array<i32>} : memref<64x144xf32, #tpu.memory_space<vmem>>, vector<1x16xf32>,
      %swap3A_91 = arith.index_cast %scan3A_81 : i32 to index
      %swap3A_92 = arith.constant 32 : index
      %swap3A_93 = tpu.vector_load %arg16[%swap3A_91, %swap3A_92] {strides = array<i32>} : memref<64x144xf32, #tpu.memory_space<vmem>>, vector<1x16xf32>,
      %swap3A_94 = vector.shape_cast %swap3A_93 : vector<1x16xf32> to vector<16xf32>
      %swap3A_95 = vector.shape_cast %broadcast_in_dim3A_1 : vector<16xf32> to vector<1x16xf32>
      tpu.vector_store %arg16[%swap3A_91, %swap3A_92], %swap3A_95 {strides = array<i32>} : memref<64x144xf32, #tpu.memory_space<vmem>>, vector<1x16xf32>,
      %swap3A_96 = arith.index_cast %scan3A_81 : i32 to index
      %swap3A_97 = arith.constant 48 : index
      %swap3A_98 = tpu.vector_load %arg16[%swap3A_96, %swap3A_97] {strides = array<i32>} : memref<64x144xf32, #tpu.memory_space<vmem>>, vector<1x16xf32>,
      %swap3A_99 = vector.shape_cast %swap3A_98 : vector<1x16xf32> to vector<16xf32>
      %swap3A_100 = vector.shape_cast %broadcast_in_dim3A_1 : vector<16xf32> to vector<1x16xf32>
      tpu.vector_store %arg16[%swap3A_96, %swap3A_97], %swap3A_100 {strides = array<i32>} : memref<64x144xf32, #tpu.memory_space<vmem>>, vector<1x16xf32>,
      %swap3A_101 = arith.index_cast %scan3A_81 : i32 to index
      %swap3A_102 = arith.constant 64 : index
      %swap3A_103 = tpu.vector_load %arg16[%swap3A_101, %swap3A_102] {strides = array<i32>} : memref<64x144xf32, #tpu.memory_space<vmem>>, vector<1x16xf32>,
      %swap3A_104 = vector.shape_cast %swap3A_103 : vector<1x16xf32> to vector<16xf32>
      %swap3A_105 = vector.shape_cast %broadcast_in_dim3A_1 : vector<16xf32> to vector<1x16xf32>
      tpu.vector_store %arg16[%swap3A_101, %swap3A_102], %swap3A_105 {strides = array<i32>} : memref<64x144xf32, #tpu.memory_space<vmem>>, vector<1x16xf32>,
      %swap3A_106 = arith.index_cast %scan3A_81 : i32 to index
      %swap3A_107 = arith.constant 80 : index
      %swap3A_108 = tpu.vector_load %arg16[%swap3A_106, %swap3A_107] {strides = array<i32>} : memref<64x144xf32, #tpu.memory_space<vmem>>, vector<1x16xf32>,
      %swap3A_109 = vector.shape_cast %swap3A_108 : vector<1x16xf32> to vector<16xf32>
      %swap3A_110 = vector.shape_cast %broadcast_in_dim3A_1 : vector<16xf32> to vector<1x16xf32>
      tpu.vector_store %arg16[%swap3A_106, %swap3A_107], %swap3A_110 {strides = array<i32>} : memref<64x144xf32, #tpu.memory_space<vmem>>, vector<1x16xf32>,
      %swap3A_111 = arith.index_cast %scan3A_81 : i32 to index
      %swap3A_112 = arith.constant 96 : index
      %swap3A_113 = tpu.vector_load %arg16[%swap3A_111, %swap3A_112] {strides = array<i32>} : memref<64x144xf32, #tpu.memory_space<vmem>>, vector<1x16xf32>,
      %swap3A_114 = vector.shape_cast %swap3A_113 : vector<1x16xf32> to vector<16xf32>
      %swap3A_115 = vector.shape_cast %broadcast_in_dim3A_1 : vector<16xf32> to vector<1x16xf32>
      tpu.vector_store %arg16[%swap3A_111, %swap3A_112], %swap3A_115 {strides = array<i32>} : memref<64x144xf32, #tpu.memory_space<vmem>>, vector<1x16xf32>,
      %swap3A_116 = arith.index_cast %scan3A_81 : i32 to index
      %swap3A_117 = arith.constant 112 : index
      %swap3A_118 = tpu.vector_load %arg16[%swap3A_116, %swap3A_117] {strides = array<i32>} : memref<64x144xf32, #tpu.memory_space<vmem>>, vector<1x16xf32>,
      %swap3A_119 = vector.shape_cast %swap3A_118 : vector<1x16xf32> to vector<16xf32>
      %swap3A_120 = vector.shape_cast %broadcast_in_dim3A_1 : vector<16xf32> to vector<1x16xf32>
      tpu.vector_store %arg16[%swap3A_116, %swap3A_117], %swap3A_120 {strides = array<i32>} : memref<64x144xf32, #tpu.memory_space<vmem>>, vector<1x16xf32>,
      %swap3A_121 = arith.index_cast %scan3A_81 : i32 to index
      %swap3A_122 = arith.constant 128 : index
      %swap3A_123 = tpu.vector_load %arg16[%swap3A_121, %swap3A_122] {strides = array<i32>} : memref<64x144xf32, #tpu.memory_space<vmem>>, vector<1x16xf32>,
      %swap3A_124 = vector.shape_cast %swap3A_123 : vector<1x16xf32> to vector<16xf32>
      %swap3A_125 = vector.shape_cast %broadcast_in_dim3A_1 : vector<16xf32> to vector<1x16xf32>
      tpu.vector_store %arg16[%swap3A_121, %swap3A_122], %swap3A_125 {strides = array<i32>} : memref<64x144xf32, #tpu.memory_space<vmem>>, vector<1x16xf32>,
    }
    %scan3A_6 = arith.constant 64 : i32
    %mul3A_7 = arith.constant 626 : i32
    %mul3A_8 = arith.muli %arg1, %mul3A_7 : i32
    %add3A_9 = arith.constant 0 : i32
    %add3A_10 = arith.addi %mul3A_8, %add3A_9 : i32
    "tpu.region"() ({
      %run_scoped3A_81 = tpu.sem_alloc : memref<!tpu.dma_semaphore, #tpu.memory_space<semaphore_mem>>
      %dma_start3A_82 = arith.constant 0 : i32
      %dma_start3A_83 = tpu.memref_slice %arg17[%add3A_10, %dma_start3A_82] : memref<10016x144xf32, #tpu.memory_space<vmem_shared>> -> memref<64x144xf32, #tpu.memory_space<vmem_shared>>
      %dma_start3A_84 = arith.constant 0 : i32
      %dma_start3A_85 = tpu.memref_slice %arg17[%add3A_10, %dma_start3A_84] : memref<10016x144xf32, #tpu.memory_space<vmem_shared>> -> memref<64x144xf32, #tpu.memory_space<vmem_shared>>
      tpu.enqueue_dma source(%arg16 : memref<64x144xf32, #tpu.memory_space<vmem>>) target(%dma_start3A_85 : memref<64x144xf32, #tpu.memory_space<vmem_shared>>) target_semaphore(%run_scoped3A_81 : memref<!tpu.dma_semaphore, #tpu.memory_space<semaphore_mem>>)
      %dma_wait3A_86 = arith.constant 0 : i32
      %dma_wait3A_87 = tpu.memref_slice %arg17[%add3A_10, %dma_wait3A_86] : memref<10016x144xf32, #tpu.memory_space<vmem_shared>> -> memref<64x144xf32, #tpu.memory_space<vmem_shared>>
      %dma_wait3A_88 = arith.constant 0 : i32
      %dma_wait3A_89 = tpu.memref_slice %arg17[%add3A_10, %dma_wait3A_88] : memref<10016x144xf32, #tpu.memory_space<vmem_shared>> -> memref<64x144xf32, #tpu.memory_space<vmem_shared>>
      tpu.wait_dma2 semaphore(%run_scoped3A_81 : memref<!tpu.dma_semaphore, #tpu.memory_space<semaphore_mem>>) src(%arg16 : memref<64x144xf32, #tpu.memory_space<vmem>>) dst(%dma_wait3A_89 : memref<64x144xf32, #tpu.memory_space<vmem_shared>>)
      tpu.yield
    }) : () -> ()
    %add3A_11 = arith.constant 64 : i32
    %add3A_12 = arith.addi %mul3A_8, %add3A_11 : i32
    "tpu.region"() ({
      %run_scoped3A_81 = tpu.sem_alloc : memref<!tpu.dma_semaphore, #tpu.memory_space<semaphore_mem>>
      %dma_start3A_82 = arith.constant 0 : i32
      %dma_start3A_83 = tpu.memref_slice %arg17[%add3A_12, %dma_start3A_82] : memref<10016x144xf32, #tpu.memory_space<vmem_shared>> -> memref<64x144xf32, #tpu.memory_space<vmem_shared>>
      %dma_start3A_84 = arith.constant 0 : i32
      %dma_start3A_85 = tpu.memref_slice %arg17[%add3A_12, %dma_start3A_84] : memref<10016x144xf32, #tpu.memory_space<vmem_shared>> -> memref<64x144xf32, #tpu.memory_space<vmem_shared>>
      tpu.enqueue_dma source(%arg16 : memref<64x144xf32, #tpu.memory_space<vmem>>) target(%dma_start3A_85 : memref<64x144xf32, #tpu.memory_space<vmem_shared>>) target_semaphore(%run_scoped3A_81 : memref<!tpu.dma_semaphore, #tpu.memory_space<semaphore_mem>>)
      %dma_wait3A_86 = arith.constant 0 : i32
      %dma_wait3A_87 = tpu.memref_slice %arg17[%add3A_12, %dma_wait3A_86] : memref<10016x144xf32, #tpu.memory_space<vmem_shared>> -> memref<64x144xf32, #tpu.memory_space<vmem_shared>>
      %dma_wait3A_88 = arith.constant 0 : i32
      %dma_wait3A_89 = tpu.memref_slice %arg17[%add3A_12, %dma_wait3A_88] : memref<10016x144xf32, #tpu.memory_space<vmem_shared>> -> memref<64x144xf32, #tpu.memory_space<vmem_shared>>
      tpu.wait_dma2 semaphore(%run_scoped3A_81 : memref<!tpu.dma_semaphore, #tpu.memory_space<semaphore_mem>>) src(%arg16 : memref<64x144xf32, #tpu.memory_space<vmem>>) dst(%dma_wait3A_89 : memref<64x144xf32, #tpu.memory_space<vmem_shared>>)
      tpu.yield
    }) : () -> ()
    %add3A_13 = arith.constant 128 : i32
    %add3A_14 = arith.addi %mul3A_8, %add3A_13 : i32
    "tpu.region"() ({
      %run_scoped3A_81 = tpu.sem_alloc : memref<!tpu.dma_semaphore, #tpu.memory_space<semaphore_mem>>
      %dma_start3A_82 = arith.constant 0 : i32
      %dma_start3A_83 = tpu.memref_slice %arg17[%add3A_14, %dma_start3A_82] : memref<10016x144xf32, #tpu.memory_space<vmem_shared>> -> memref<64x144xf32, #tpu.memory_space<vmem_shared>>
      %dma_start3A_84 = arith.constant 0 : i32
      %dma_start3A_85 = tpu.memref_slice %arg17[%add3A_14, %dma_start3A_84] : memref<10016x144xf32, #tpu.memory_space<vmem_shared>> -> memref<64x144xf32, #tpu.memory_space<vmem_shared>>
      tpu.enqueue_dma source(%arg16 : memref<64x144xf32, #tpu.memory_space<vmem>>) target(%dma_start3A_85 : memref<64x144xf32, #tpu.memory_space<vmem_shared>>) target_semaphore(%run_scoped3A_81 : memref<!tpu.dma_semaphore, #tpu.memory_space<semaphore_mem>>)
      %dma_wait3A_86 = arith.constant 0 : i32
      %dma_wait3A_87 = tpu.memref_slice %arg17[%add3A_14, %dma_wait3A_86] : memref<10016x144xf32, #tpu.memory_space<vmem_shared>> -> memref<64x144xf32, #tpu.memory_space<vmem_shared>>
      %dma_wait3A_88 = arith.constant 0 : i32
      %dma_wait3A_89 = tpu.memref_slice %arg17[%add3A_14, %dma_wait3A_88] : memref<10016x144xf32, #tpu.memory_space<vmem_shared>> -> memref<64x144xf32, #tpu.memory_space<vmem_shared>>
      tpu.wait_dma2 semaphore(%run_scoped3A_81 : memref<!tpu.dma_semaphore, #tpu.memory_space<semaphore_mem>>) src(%arg16 : memref<64x144xf32, #tpu.memory_space<vmem>>) dst(%dma_wait3A_89 : memref<64x144xf32, #tpu.memory_space<vmem_shared>>)
      tpu.yield
    }) : () -> ()
    %add3A_15 = arith.constant 192 : i32
    %add3A_16 = arith.addi %mul3A_8, %add3A_15 : i32
    "tpu.region"() ({
      %run_scoped3A_81 = tpu.sem_alloc : memref<!tpu.dma_semaphore, #tpu.memory_space<semaphore_mem>>
      %dma_start3A_82 = arith.constant 0 : i32
      %dma_start3A_83 = tpu.memref_slice %arg17[%add3A_16, %dma_start3A_82] : memref<10016x144xf32, #tpu.memory_space<vmem_shared>> -> memref<64x144xf32, #tpu.memory_space<vmem_shared>>
      %dma_start3A_84 = arith.constant 0 : i32
      %dma_start3A_85 = tpu.memref_slice %arg17[%add3A_16, %dma_start3A_84] : memref<10016x144xf32, #tpu.memory_space<vmem_shared>> -> memref<64x144xf32, #tpu.memory_space<vmem_shared>>
      tpu.enqueue_dma source(%arg16 : memref<64x144xf32, #tpu.memory_space<vmem>>) target(%dma_start3A_85 : memref<64x144xf32, #tpu.memory_space<vmem_shared>>) target_semaphore(%run_scoped3A_81 : memref<!tpu.dma_semaphore, #tpu.memory_space<semaphore_mem>>)
      %dma_wait3A_86 = arith.constant 0 : i32
      %dma_wait3A_87 = tpu.memref_slice %arg17[%add3A_16, %dma_wait3A_86] : memref<10016x144xf32, #tpu.memory_space<vmem_shared>> -> memref<64x144xf32, #tpu.memory_space<vmem_shared>>
      %dma_wait3A_88 = arith.constant 0 : i32
      %dma_wait3A_89 = tpu.memref_slice %arg17[%add3A_16, %dma_wait3A_88] : memref<10016x144xf32, #tpu.memory_space<vmem_shared>> -> memref<64x144xf32, #tpu.memory_space<vmem_shared>>
      tpu.wait_dma2 semaphore(%run_scoped3A_81 : memref<!tpu.dma_semaphore, #tpu.memory_space<semaphore_mem>>) src(%arg16 : memref<64x144xf32, #tpu.memory_space<vmem>>) dst(%dma_wait3A_89 : memref<64x144xf32, #tpu.memory_space<vmem_shared>>)
      tpu.yield
    }) : () -> ()
    %add3A_17 = arith.constant 256 : i32
    %add3A_18 = arith.addi %mul3A_8, %add3A_17 : i32
    "tpu.region"() ({
      %run_scoped3A_81 = tpu.sem_alloc : memref<!tpu.dma_semaphore, #tpu.memory_space<semaphore_mem>>
      %dma_start3A_82 = arith.constant 0 : i32
      %dma_start3A_83 = tpu.memref_slice %arg17[%add3A_18, %dma_start3A_82] : memref<10016x144xf32, #tpu.memory_space<vmem_shared>> -> memref<64x144xf32, #tpu.memory_space<vmem_shared>>
      %dma_start3A_84 = arith.constant 0 : i32
      %dma_start3A_85 = tpu.memref_slice %arg17[%add3A_18, %dma_start3A_84] : memref<10016x144xf32, #tpu.memory_space<vmem_shared>> -> memref<64x144xf32, #tpu.memory_space<vmem_shared>>
      tpu.enqueue_dma source(%arg16 : memref<64x144xf32, #tpu.memory_space<vmem>>) target(%dma_start3A_85 : memref<64x144xf32, #tpu.memory_space<vmem_shared>>) target_semaphore(%run_scoped3A_81 : memref<!tpu.dma_semaphore, #tpu.memory_space<semaphore_mem>>)
      %dma_wait3A_86 = arith.constant 0 : i32
      %dma_wait3A_87 = tpu.memref_slice %arg17[%add3A_18, %dma_wait3A_86] : memref<10016x144xf32, #tpu.memory_space<vmem_shared>> -> memref<64x144xf32, #tpu.memory_space<vmem_shared>>
      %dma_wait3A_88 = arith.constant 0 : i32
      %dma_wait3A_89 = tpu.memref_slice %arg17[%add3A_18, %dma_wait3A_88] : memref<10016x144xf32, #tpu.memory_space<vmem_shared>> -> memref<64x144xf32, #tpu.memory_space<vmem_shared>>
      tpu.wait_dma2 semaphore(%run_scoped3A_81 : memref<!tpu.dma_semaphore, #tpu.memory_space<semaphore_mem>>) src(%arg16 : memref<64x144xf32, #tpu.memory_space<vmem>>) dst(%dma_wait3A_89 : memref<64x144xf32, #tpu.memory_space<vmem_shared>>)
      tpu.yield
    }) : () -> ()
    %add3A_19 = arith.constant 320 : i32
    %add3A_20 = arith.addi %mul3A_8, %add3A_19 : i32
    "tpu.region"() ({
      %run_scoped3A_81 = tpu.sem_alloc : memref<!tpu.dma_semaphore, #tpu.memory_space<semaphore_mem>>
      %dma_start3A_82 = arith.constant 0 : i32
      %dma_start3A_83 = tpu.memref_slice %arg17[%add3A_20, %dma_start3A_82] : memref<10016x144xf32, #tpu.memory_space<vmem_shared>> -> memref<64x144xf32, #tpu.memory_space<vmem_shared>>
      %dma_start3A_84 = arith.constant 0 : i32
      %dma_start3A_85 = tpu.memref_slice %arg17[%add3A_20, %dma_start3A_84] : memref<10016x144xf32, #tpu.memory_space<vmem_shared>> -> memref<64x144xf32, #tpu.memory_space<vmem_shared>>
      tpu.enqueue_dma source(%arg16 : memref<64x144xf32, #tpu.memory_space<vmem>>) target(%dma_start3A_85 : memref<64x144xf32, #tpu.memory_space<vmem_shared>>) target_semaphore(%run_scoped3A_81 : memref<!tpu.dma_semaphore, #tpu.memory_space<semaphore_mem>>)
      %dma_wait3A_86 = arith.constant 0 : i32
      %dma_wait3A_87 = tpu.memref_slice %arg17[%add3A_20, %dma_wait3A_86] : memref<10016x144xf32, #tpu.memory_space<vmem_shared>> -> memref<64x144xf32, #tpu.memory_space<vmem_shared>>
      %dma_wait3A_88 = arith.constant 0 : i32
      %dma_wait3A_89 = tpu.memref_slice %arg17[%add3A_20, %dma_wait3A_88] : memref<10016x144xf32, #tpu.memory_space<vmem_shared>> -> memref<64x144xf32, #tpu.memory_space<vmem_shared>>
      tpu.wait_dma2 semaphore(%run_scoped3A_81 : memref<!tpu.dma_semaphore, #tpu.memory_space<semaphore_mem>>) src(%arg16 : memref<64x144xf32, #tpu.memory_space<vmem>>) dst(%dma_wait3A_89 : memref<64x144xf32, #tpu.memory_space<vmem_shared>>)
      tpu.yield
    }) : () -> ()
    %add3A_21 = arith.constant 384 : i32
    %add3A_22 = arith.addi %mul3A_8, %add3A_21 : i32
    "tpu.region"() ({
      %run_scoped3A_81 = tpu.sem_alloc : memref<!tpu.dma_semaphore, #tpu.memory_space<semaphore_mem>>
      %dma_start3A_82 = arith.constant 0 : i32
      %dma_start3A_83 = tpu.memref_slice %arg17[%add3A_22, %dma_start3A_82] : memref<10016x144xf32, #tpu.memory_space<vmem_shared>> -> memref<64x144xf32, #tpu.memory_space<vmem_shared>>
      %dma_start3A_84 = arith.constant 0 : i32
      %dma_start3A_85 = tpu.memref_slice %arg17[%add3A_22, %dma_start3A_84] : memref<10016x144xf32, #tpu.memory_space<vmem_shared>> -> memref<64x144xf32, #tpu.memory_space<vmem_shared>>
      tpu.enqueue_dma source(%arg16 : memref<64x144xf32, #tpu.memory_space<vmem>>) target(%dma_start3A_85 : memref<64x144xf32, #tpu.memory_space<vmem_shared>>) target_semaphore(%run_scoped3A_81 : memref<!tpu.dma_semaphore, #tpu.memory_space<semaphore_mem>>)
      %dma_wait3A_86 = arith.constant 0 : i32
      %dma_wait3A_87 = tpu.memref_slice %arg17[%add3A_22, %dma_wait3A_86] : memref<10016x144xf32, #tpu.memory_space<vmem_shared>> -> memref<64x144xf32, #tpu.memory_space<vmem_shared>>
      %dma_wait3A_88 = arith.constant 0 : i32
      %dma_wait3A_89 = tpu.memref_slice %arg17[%add3A_22, %dma_wait3A_88] : memref<10016x144xf32, #tpu.memory_space<vmem_shared>> -> memref<64x144xf32, #tpu.memory_space<vmem_shared>>
      tpu.wait_dma2 semaphore(%run_scoped3A_81 : memref<!tpu.dma_semaphore, #tpu.memory_space<semaphore_mem>>) src(%arg16 : memref<64x144xf32, #tpu.memory_space<vmem>>) dst(%dma_wait3A_89 : memref<64x144xf32, #tpu.memory_space<vmem_shared>>)
      tpu.yield
    }) : () -> ()
    %add3A_23 = arith.constant 448 : i32
    %add3A_24 = arith.addi %mul3A_8, %add3A_23 : i32
    "tpu.region"() ({
      %run_scoped3A_81 = tpu.sem_alloc : memref<!tpu.dma_semaphore, #tpu.memory_space<semaphore_mem>>
      %dma_start3A_82 = arith.constant 0 : i32
      %dma_start3A_83 = tpu.memref_slice %arg17[%add3A_24, %dma_start3A_82] : memref<10016x144xf32, #tpu.memory_space<vmem_shared>> -> memref<64x144xf32, #tpu.memory_space<vmem_shared>>
      %dma_start3A_84 = arith.constant 0 : i32
      %dma_start3A_85 = tpu.memref_slice %arg17[%add3A_24, %dma_start3A_84] : memref<10016x144xf32, #tpu.memory_space<vmem_shared>> -> memref<64x144xf32, #tpu.memory_space<vmem_shared>>
      tpu.enqueue_dma source(%arg16 : memref<64x144xf32, #tpu.memory_space<vmem>>) target(%dma_start3A_85 : memref<64x144xf32, #tpu.memory_space<vmem_shared>>) target_semaphore(%run_scoped3A_81 : memref<!tpu.dma_semaphore, #tpu.memory_space<semaphore_mem>>)
      %dma_wait3A_86 = arith.constant 0 : i32
      %dma_wait3A_87 = tpu.memref_slice %arg17[%add3A_24, %dma_wait3A_86] : memref<10016x144xf32, #tpu.memory_space<vmem_shared>> -> memref<64x144xf32, #tpu.memory_space<vmem_shared>>
      %dma_wait3A_88 = arith.constant 0 : i32
      %dma_wait3A_89 = tpu.memref_slice %arg17[%add3A_24, %dma_wait3A_88] : memref<10016x144xf32, #tpu.memory_space<vmem_shared>> -> memref<64x144xf32, #tpu.memory_space<vmem_shared>>
      tpu.wait_dma2 semaphore(%run_scoped3A_81 : memref<!tpu.dma_semaphore, #tpu.memory_space<semaphore_mem>>) src(%arg16 : memref<64x144xf32, #tpu.memory_space<vmem>>) dst(%dma_wait3A_89 : memref<64x144xf32, #tpu.memory_space<vmem_shared>>)
      tpu.yield
    }) : () -> ()
    %add3A_25 = arith.constant 512 : i32
    %add3A_26 = arith.addi %mul3A_8, %add3A_25 : i32
    "tpu.region"() ({
      %run_scoped3A_81 = tpu.sem_alloc : memref<!tpu.dma_semaphore, #tpu.memory_space<semaphore_mem>>
      %dma_start3A_82 = arith.constant 0 : i32
      %dma_start3A_83 = tpu.memref_slice %arg17[%add3A_26, %dma_start3A_82] : memref<10016x144xf32, #tpu.memory_space<vmem_shared>> -> memref<64x144xf32, #tpu.memory_space<vmem_shared>>
      %dma_start3A_84 = arith.constant 0 : i32
      %dma_start3A_85 = tpu.memref_slice %arg17[%add3A_26, %dma_start3A_84] : memref<10016x144xf32, #tpu.memory_space<vmem_shared>> -> memref<64x144xf32, #tpu.memory_space<vmem_shared>>
      tpu.enqueue_dma source(%arg16 : memref<64x144xf32, #tpu.memory_space<vmem>>) target(%dma_start3A_85 : memref<64x144xf32, #tpu.memory_space<vmem_shared>>) target_semaphore(%run_scoped3A_81 : memref<!tpu.dma_semaphore, #tpu.memory_space<semaphore_mem>>)
      %dma_wait3A_86 = arith.constant 0 : i32
      %dma_wait3A_87 = tpu.memref_slice %arg17[%add3A_26, %dma_wait3A_86] : memref<10016x144xf32, #tpu.memory_space<vmem_shared>> -> memref<64x144xf32, #tpu.memory_space<vmem_shared>>
      %dma_wait3A_88 = arith.constant 0 : i32
      %dma_wait3A_89 = tpu.memref_slice %arg17[%add3A_26, %dma_wait3A_88] : memref<10016x144xf32, #tpu.memory_space<vmem_shared>> -> memref<64x144xf32, #tpu.memory_space<vmem_shared>>
      tpu.wait_dma2 semaphore(%run_scoped3A_81 : memref<!tpu.dma_semaphore, #tpu.memory_space<semaphore_mem>>) src(%arg16 : memref<64x144xf32, #tpu.memory_space<vmem>>) dst(%dma_wait3A_89 : memref<64x144xf32, #tpu.memory_space<vmem_shared>>)
      tpu.yield
    }) : () -> ()
    %add3A_27 = arith.constant 576 : i32
    %add3A_28 = arith.addi %mul3A_8, %add3A_27 : i32
    "tpu.region"() ({
      %run_scoped3A_81 = tpu.sem_alloc : memref<!tpu.dma_semaphore, #tpu.memory_space<semaphore_mem>>
      %dma_start3A_82 = arith.constant 0 : i32
      %dma_start3A_83 = arith.constant 0 : i32
      %dma_start3A_84 = tpu.memref_slice %arg16[%dma_start3A_82, %dma_start3A_83] : memref<64x144xf32, #tpu.memory_space<vmem>> -> memref<50x144xf32, #tpu.memory_space<vmem>>
      %dma_start3A_85 = arith.constant 0 : i32
      %dma_start3A_86 = tpu.memref_slice %arg17[%add3A_28, %dma_start3A_85] : memref<10016x144xf32, #tpu.memory_space<vmem_shared>> -> memref<50x144xf32, #tpu.memory_space<vmem_shared>>
      %dma_start3A_87 = arith.constant 0 : i32
      %dma_start3A_88 = tpu.memref_slice %arg17[%add3A_28, %dma_start3A_87] : memref<10016x144xf32, #tpu.memory_space<vmem_shared>> -> memref<50x144xf32, #tpu.memory_space<vmem_shared>>
      %dma_start3A_89 = arith.constant 0 : i32
      %dma_start3A_90 = arith.constant 0 : i32
      %dma_start3A_91 = tpu.memref_slice %arg16[%dma_start3A_89, %dma_start3A_90] : memref<64x144xf32, #tpu.memory_space<vmem>> -> memref<50x144xf32, #tpu.memory_space<vmem>>
      tpu.enqueue_dma source(%dma_start3A_91 : memref<50x144xf32, #tpu.memory_space<vmem>>) target(%dma_start3A_88 : memref<50x144xf32, #tpu.memory_space<vmem_shared>>) target_semaphore(%run_scoped3A_81 : memref<!tpu.dma_semaphore, #tpu.memory_space<semaphore_mem>>)
      %dma_wait3A_92 = arith.constant 0 : i32
      %dma_wait3A_93 = arith.constant 0 : i32
      %dma_wait3A_94 = tpu.memref_slice %arg16[%dma_wait3A_92, %dma_wait3A_93] : memref<64x144xf32, #tpu.memory_space<vmem>> -> memref<50x144xf32, #tpu.memory_space<vmem>>
      %dma_wait3A_95 = arith.constant 0 : i32
      %dma_wait3A_96 = tpu.memref_slice %arg17[%add3A_28, %dma_wait3A_95] : memref<10016x144xf32, #tpu.memory_space<vmem_shared>> -> memref<50x144xf32, #tpu.memory_space<vmem_shared>>
      %dma_wait3A_97 = arith.constant 0 : i32
      %dma_wait3A_98 = tpu.memref_slice %arg17[%add3A_28, %dma_wait3A_97] : memref<10016x144xf32, #tpu.memory_space<vmem_shared>> -> memref<50x144xf32, #tpu.memory_space<vmem_shared>>
      %dma_wait3A_99 = arith.constant 0 : i32
      %dma_wait3A_100 = arith.constant 0 : i32
      %dma_wait3A_101 = tpu.memref_slice %arg16[%dma_wait3A_99, %dma_wait3A_100] : memref<64x144xf32, #tpu.memory_space<vmem>> -> memref<50x144xf32, #tpu.memory_space<vmem>>
      tpu.wait_dma2 semaphore(%run_scoped3A_81 : memref<!tpu.dma_semaphore, #tpu.memory_space<semaphore_mem>>) src(%dma_wait3A_101 : memref<50x144xf32, #tpu.memory_space<vmem>>) dst(%dma_wait3A_98 : memref<50x144xf32, #tpu.memory_space<vmem_shared>>)
      tpu.yield
    }) : () -> ()
    %barrier3A = arith.constant 0 : index
    tpu.barrier barrier_id(%barrier3A)
    %mul3A_29 = arith.constant 10368 : i32
    %mul3A_30 = arith.muli %add3A, %mul3A_29 : i32
    %add3A_31 = arith.constant 0 : i32
    %add3A_32 = arith.addi %mul3A_30, %add3A_31 : i32
    %run_scoped3A = arith.constant 0 : i32
    "tpu.region"() ({
      %run_scoped3A_81 = tpu.sem_alloc : memref<!tpu.dma_semaphore, #tpu.memory_space<semaphore_mem>>
      %dma_start3A_82 = arith.constant 0 : i32
      %dma_start3A_83 = tpu.memref_slice %arg8[%run_scoped3A, %dma_start3A_82] : memref<2x64xi32, #tpu.memory_space<vmem>> -> memref<1x64xi32, #tpu.memory_space<vmem>>
      %dma_start3A_84 = tpu.memref_squeeze %dma_start3A_83 : memref<1x64xi32, #tpu.memory_space<vmem>> -> memref<64xi32, #tpu.memory_space<vmem>>
      %dma_start3A_85 = tpu.memref_slice %arg2[%add3A_32] : memref<331776xi32, #tpu.memory_space<hbm>> -> memref<64xi32, #tpu.memory_space<hbm>>
      %dma_start3A_86 = arith.constant 0 : i32
      %dma_start3A_87 = tpu.memref_slice %arg8[%run_scoped3A, %dma_start3A_86] : memref<2x64xi32, #tpu.memory_space<vmem>> -> memref<1x64xi32, #tpu.memory_space<vmem>>
      %dma_start3A_88 = tpu.memref_squeeze %dma_start3A_87 : memref<1x64xi32, #tpu.memory_space<vmem>> -> memref<64xi32, #tpu.memory_space<vmem>>
      %dma_start3A_89 = tpu.memref_slice %arg2[%add3A_32] : memref<331776xi32, #tpu.memory_space<hbm>> -> memref<64xi32, #tpu.memory_space<hbm>>
      tpu.enqueue_dma source(%dma_start3A_89 : memref<64xi32, #tpu.memory_space<hbm>>) target(%dma_start3A_88 : memref<64xi32, #tpu.memory_space<vmem>>) target_semaphore(%run_scoped3A_81 : memref<!tpu.dma_semaphore, #tpu.memory_space<semaphore_mem>>)
      %dma_wait3A_90 = arith.constant 0 : i32
      %dma_wait3A_91 = tpu.memref_slice %arg8[%run_scoped3A, %dma_wait3A_90] : memref<2x64xi32, #tpu.memory_space<vmem>> -> memref<1x64xi32, #tpu.memory_space<vmem>>
      %dma_wait3A_92 = tpu.memref_squeeze %dma_wait3A_91 : memref<1x64xi32, #tpu.memory_space<vmem>> -> memref<64xi32, #tpu.memory_space<vmem>>
      %dma_wait3A_93 = tpu.memref_slice %arg2[%add3A_32] : memref<331776xi32, #tpu.memory_space<hbm>> -> memref<64xi32, #tpu.memory_space<hbm>>
      %dma_wait3A_94 = arith.constant 0 : i32
      %dma_wait3A_95 = tpu.memref_slice %arg8[%run_scoped3A, %dma_wait3A_94] : memref<2x64xi32, #tpu.memory_space<vmem>> -> memref<1x64xi32, #tpu.memory_space<vmem>>
      %dma_wait3A_96 = tpu.memref_squeeze %dma_wait3A_95 : memref<1x64xi32, #tpu.memory_space<vmem>> -> memref<64xi32, #tpu.memory_space<vmem>>
      %dma_wait3A_97 = tpu.memref_slice %arg2[%add3A_32] : memref<331776xi32, #tpu.memory_space<hbm>> -> memref<64xi32, #tpu.memory_space<hbm>>
      tpu.wait_dma2 semaphore(%run_scoped3A_81 : memref<!tpu.dma_semaphore, #tpu.memory_space<semaphore_mem>>) src(%dma_wait3A_97 : memref<64xi32, #tpu.memory_space<hbm>>) dst(%dma_wait3A_96 : memref<64xi32, #tpu.memory_space<vmem>>)
      tpu.yield
    }) : () -> ()
    %run_scoped3A_33 = arith.constant 1 : i32
    "tpu.region"() ({
      %run_scoped3A_81 = tpu.sem_alloc : memref<!tpu.dma_semaphore, #tpu.memory_space<semaphore_mem>>
      %dma_start3A_82 = arith.constant 0 : i32
      %dma_start3A_83 = tpu.memref_slice %arg8[%run_scoped3A_33, %dma_start3A_82] : memref<2x64xi32, #tpu.memory_space<vmem>> -> memref<1x64xi32, #tpu.memory_space<vmem>>
      %dma_start3A_84 = tpu.memref_squeeze %dma_start3A_83 : memref<1x64xi32, #tpu.memory_space<vmem>> -> memref<64xi32, #tpu.memory_space<vmem>>
      %dma_start3A_85 = tpu.memref_slice %arg3[%add3A_32] : memref<331776xi32, #tpu.memory_space<hbm>> -> memref<64xi32, #tpu.memory_space<hbm>>
      %dma_start3A_86 = arith.constant 0 : i32
      %dma_start3A_87 = tpu.memref_slice %arg8[%run_scoped3A_33, %dma_start3A_86] : memref<2x64xi32, #tpu.memory_space<vmem>> -> memref<1x64xi32, #tpu.memory_space<vmem>>
      %dma_start3A_88 = tpu.memref_squeeze %dma_start3A_87 : memref<1x64xi32, #tpu.memory_space<vmem>> -> memref<64xi32, #tpu.memory_space<vmem>>
      %dma_start3A_89 = tpu.memref_slice %arg3[%add3A_32] : memref<331776xi32, #tpu.memory_space<hbm>> -> memref<64xi32, #tpu.memory_space<hbm>>
      tpu.enqueue_dma source(%dma_start3A_89 : memref<64xi32, #tpu.memory_space<hbm>>) target(%dma_start3A_88 : memref<64xi32, #tpu.memory_space<vmem>>) target_semaphore(%run_scoped3A_81 : memref<!tpu.dma_semaphore, #tpu.memory_space<semaphore_mem>>)
      %dma_wait3A_90 = arith.constant 0 : i32
      %dma_wait3A_91 = tpu.memref_slice %arg8[%run_scoped3A_33, %dma_wait3A_90] : memref<2x64xi32, #tpu.memory_space<vmem>> -> memref<1x64xi32, #tpu.memory_space<vmem>>
      %dma_wait3A_92 = tpu.memref_squeeze %dma_wait3A_91 : memref<1x64xi32, #tpu.memory_space<vmem>> -> memref<64xi32, #tpu.memory_space<vmem>>
      %dma_wait3A_93 = tpu.memref_slice %arg3[%add3A_32] : memref<331776xi32, #tpu.memory_space<hbm>> -> memref<64xi32, #tpu.memory_space<hbm>>
      %dma_wait3A_94 = arith.constant 0 : i32
      %dma_wait3A_95 = tpu.memref_slice %arg8[%run_scoped3A_33, %dma_wait3A_94] : memref<2x64xi32, #tpu.memory_space<vmem>> -> memref<1x64xi32, #tpu.memory_space<vmem>>
      %dma_wait3A_96 = tpu.memref_squeeze %dma_wait3A_95 : memref<1x64xi32, #tpu.memory_space<vmem>> -> memref<64xi32, #tpu.memory_space<vmem>>
      %dma_wait3A_97 = tpu.memref_slice %arg3[%add3A_32] : memref<331776xi32, #tpu.memory_space<hbm>> -> memref<64xi32, #tpu.memory_space<hbm>>
      tpu.wait_dma2 semaphore(%run_scoped3A_81 : memref<!tpu.dma_semaphore, #tpu.memory_space<semaphore_mem>>) src(%dma_wait3A_97 : memref<64xi32, #tpu.memory_space<hbm>>) dst(%dma_wait3A_96 : memref<64xi32, #tpu.memory_space<vmem>>)
      tpu.yield
    }) : () -> ()
    %dma_start3A = arith.constant 1 : i32
    %dma_start3A_34 = arith.constant 0 : i32
    %dma_start3A_35 = tpu.memref_slice %arg8[%dma_start3A, %dma_start3A_34] : memref<2x64xi32, #tpu.memory_space<vmem>> -> memref<1x64xi32, #tpu.memory_space<vmem>>
    %dma_start3A_36 = tpu.memref_squeeze %dma_start3A_35 : memref<1x64xi32, #tpu.memory_space<vmem>> -> memref<64xi32, #tpu.memory_space<vmem>>
    %dma_start3A_37 = arith.constant 0 : i32
    %dma_start3A_38 = arith.constant 0 : i32
    %dma_start3A_39 = tpu.memref_slice %arg4[%dma_start3A_37, %dma_start3A_38] : memref<10000x128xf32, #tpu.memory_space<hbm>> -> memref<10000x128xf32, #tpu.memory_space<hbm>>
    tpu.enqueue_indirect_dma source(%dma_start3A_39 : memref<10000x128xf32, #tpu.memory_space<hbm>>) target(%arg11 : memref<64x128xf32, #tpu.memory_space<vmem>>) offsets(%dma_start3A_36 : memref<64xi32, #tpu.memory_space<vmem>>) semaphore(%arg18 : memref<!tpu.dma_semaphore, #tpu.memory_space<semaphore_mem>>)
    %dma_start3A_40 = arith.constant 0 : i32
    %dma_start3A_41 = arith.constant 0 : i32
    %dma_start3A_42 = tpu.memref_slice %arg8[%dma_start3A_40, %dma_start3A_41] : memref<2x64xi32, #tpu.memory_space<vmem>> -> memref<1x64xi32, #tpu.memory_space<vmem>>
    %dma_start3A_43 = tpu.memref_squeeze %dma_start3A_42 : memref<1x64xi32, #tpu.memory_space<vmem>> -> memref<64xi32, #tpu.memory_space<vmem>>
    %dma_start3A_44 = arith.constant 0 : i32
    %dma_start3A_45 = arith.constant 0 : i32
    %dma_start3A_46 = tpu.memref_slice %arg5[%dma_start3A_44, %dma_start3A_45] : memref<10001x16xf32, #tpu.memory_space<hbm>> -> memref<10001x16xf32, #tpu.memory_space<hbm>>
    tpu.enqueue_indirect_dma source(%dma_start3A_46 : memref<10001x16xf32, #tpu.memory_space<hbm>>) target(%arg9 : memref<64x16xf32, #tpu.memory_space<vmem>>) offsets(%dma_start3A_43 : memref<64xi32, #tpu.memory_space<vmem>>) semaphore(%arg18 : memref<!tpu.dma_semaphore, #tpu.memory_space<semaphore_mem>>)
    %dma_start3A_47 = arith.constant 1 : i32
    %dma_start3A_48 = arith.constant 0 : i32
    %dma_start3A_49 = tpu.memref_slice %arg8[%dma_start3A_47, %dma_start3A_48] : memref<2x64xi32, #tpu.memory_space<vmem>> -> memref<1x64xi32, #tpu.memory_space<vmem>>
    %dma_start3A_50 = tpu.memref_squeeze %dma_start3A_49 : memref<1x64xi32, #tpu.memory_space<vmem>> -> memref<64xi32, #tpu.memory_space<vmem>>
    %dma_start3A_51 = arith.constant 0 : i32
    %dma_start3A_52 = arith.constant 0 : i32
    %dma_start3A_53 = tpu.memref_slice %arg6[%dma_start3A_51, %dma_start3A_52] : memref<10001x16xf32, #tpu.memory_space<hbm>> -> memref<10001x16xf32, #tpu.memory_space<hbm>>
    tpu.enqueue_indirect_dma source(%dma_start3A_53 : memref<10001x16xf32, #tpu.memory_space<hbm>>) target(%arg10 : memref<64x16xf32, #tpu.memory_space<vmem>>) offsets(%dma_start3A_50 : memref<64xi32, #tpu.memory_space<vmem>>) semaphore(%arg18 : memref<!tpu.dma_semaphore, #tpu.memory_space<semaphore_mem>>)
    %scan3A_54 = arith.constant 0 : i32
    %scan3A_55 = arith.constant 0 : i32
    %scan3A_56 = arith.constant 81 : i32
    %scan3A_57 = arith.addi %scan3A_55, %scan3A_56 : i32
    %scan3A_58 = arith.constant 1 : i32
    scf.for %scan3A_81 = %scan3A_55 to %scan3A_57 step %scan3A_58  : i32 {
      %mul3A_82 = arith.constant 2 : i32
      %mul3A_83 = arith.muli %scan3A_81, %mul3A_82 : i32
      %add3A_84 = arith.constant 0 : i32
      %add3A_85 = arith.addi %mul3A_83, %add3A_84 : i32
      %dma_wait3A_86 = arith.constant 1 : i32
      %dma_wait3A_87 = arith.constant 0 : i32
      %dma_wait3A_88 = tpu.memref_slice %arg8[%dma_wait3A_86, %dma_wait3A_87] : memref<2x64xi32, #tpu.memory_space<vmem>> -> memref<1x64xi32, #tpu.memory_space<vmem>>
      %dma_wait3A_89 = tpu.memref_squeeze %dma_wait3A_88 : memref<1x64xi32, #tpu.memory_space<vmem>> -> memref<64xi32, #tpu.memory_space<vmem>>
      %dma_wait3A_90 = arith.constant 0 : i32
      %dma_wait3A_91 = arith.constant 0 : i32
      %dma_wait3A_92 = tpu.memref_slice %arg4[%dma_wait3A_90, %dma_wait3A_91] : memref<10000x128xf32, #tpu.memory_space<hbm>> -> memref<10000x128xf32, #tpu.memory_space<hbm>>
      tpu.wait_indirect_dma semaphore(%arg18 : memref<!tpu.dma_semaphore, #tpu.memory_space<semaphore_mem>>) src(%dma_wait3A_92 : memref<10000x128xf32, #tpu.memory_space<hbm>>) dst(%arg11 : memref<64x128xf32, #tpu.memory_space<vmem>>)
      %dma_wait3A_93 = arith.constant 0 : i32
      %dma_wait3A_94 = arith.constant 0 : i32
      %dma_wait3A_95 = tpu.memref_slice %arg8[%dma_wait3A_93, %dma_wait3A_94] : memref<2x64xi32, #tpu.memory_space<vmem>> -> memref<1x64xi32, #tpu.memory_space<vmem>>
      %dma_wait3A_96 = tpu.memref_squeeze %dma_wait3A_95 : memref<1x64xi32, #tpu.memory_space<vmem>> -> memref<64xi32, #tpu.memory_space<vmem>>
      %dma_wait3A_97 = arith.constant 0 : i32
      %dma_wait3A_98 = arith.constant 0 : i32
      %dma_wait3A_99 = tpu.memref_slice %arg5[%dma_wait3A_97, %dma_wait3A_98] : memref<10001x16xf32, #tpu.memory_space<hbm>> -> memref<10001x16xf32, #tpu.memory_space<hbm>>
      tpu.wait_indirect_dma semaphore(%arg18 : memref<!tpu.dma_semaphore, #tpu.memory_space<semaphore_mem>>) src(%dma_wait3A_99 : memref<10001x16xf32, #tpu.memory_space<hbm>>) dst(%arg9 : memref<64x16xf32, #tpu.memory_space<vmem>>)
      %dma_wait3A_100 = arith.constant 1 : i32
      %dma_wait3A_101 = arith.constant 0 : i32
      %dma_wait3A_102 = tpu.memref_slice %arg8[%dma_wait3A_100, %dma_wait3A_101] : memref<2x64xi32, #tpu.memory_space<vmem>> -> memref<1x64xi32, #tpu.memory_space<vmem>>
      %dma_wait3A_103 = tpu.memref_squeeze %dma_wait3A_102 : memref<1x64xi32, #tpu.memory_space<vmem>> -> memref<64xi32, #tpu.memory_space<vmem>>
      %dma_wait3A_104 = arith.constant 0 : i32
      %dma_wait3A_105 = arith.constant 0 : i32
      %dma_wait3A_106 = tpu.memref_slice %arg6[%dma_wait3A_104, %dma_wait3A_105] : memref<10001x16xf32, #tpu.memory_space<hbm>> -> memref<10001x16xf32, #tpu.memory_space<hbm>>
      tpu.wait_indirect_dma semaphore(%arg18 : memref<!tpu.dma_semaphore, #tpu.memory_space<semaphore_mem>>) src(%dma_wait3A_106 : memref<10001x16xf32, #tpu.memory_space<hbm>>) dst(%arg10 : memref<64x16xf32, #tpu.memory_space<vmem>>)
      %add3A_107 = arith.constant 1 : i32
      %add3A_108 = arith.addi %add3A_85, %add3A_107 : i32
      %min3A = arith.constant 161 : i32
      %min3A_109 = arith.minsi %add3A_108, %min3A : i32
      %mul3A_110 = arith.constant 10368 : i32
      %mul3A_111 = arith.muli %add3A, %mul3A_110 : i32
      %mul3A_112 = arith.constant 64 : i32
      %mul3A_113 = arith.muli %min3A_109, %mul3A_112 : i32
      %add3A_114 = arith.addi %mul3A_111, %mul3A_113 : i32
      %run_scoped3A_115 = arith.constant 0 : i32
      "tpu.region"() ({
        %run_scoped3A_202 = tpu.sem_alloc : memref<!tpu.dma_semaphore, #tpu.memory_space<semaphore_mem>>
        %dma_start3A_203 = arith.constant 0 : i32
        %dma_start3A_204 = tpu.memref_slice %arg12[%run_scoped3A_115, %dma_start3A_203] : memref<2x64xi32, #tpu.memory_space<vmem>> -> memref<1x64xi32, #tpu.memory_space<vmem>>
        %dma_start3A_205 = tpu.memref_squeeze %dma_start3A_204 : memref<1x64xi32, #tpu.memory_space<vmem>> -> memref<64xi32, #tpu.memory_space<vmem>>
        %dma_start3A_206 = tpu.memref_slice %arg2[%add3A_114] : memref<331776xi32, #tpu.memory_space<hbm>> -> memref<64xi32, #tpu.memory_space<hbm>>
        %dma_start3A_207 = arith.constant 0 : i32
        %dma_start3A_208 = tpu.memref_slice %arg12[%run_scoped3A_115, %dma_start3A_207] : memref<2x64xi32, #tpu.memory_space<vmem>> -> memref<1x64xi32, #tpu.memory_space<vmem>>
        %dma_start3A_209 = tpu.memref_squeeze %dma_start3A_208 : memref<1x64xi32, #tpu.memory_space<vmem>> -> memref<64xi32, #tpu.memory_space<vmem>>
        %dma_start3A_210 = tpu.memref_slice %arg2[%add3A_114] : memref<331776xi32, #tpu.memory_space<hbm>> -> memref<64xi32, #tpu.memory_space<hbm>>
        tpu.enqueue_dma source(%dma_start3A_210 : memref<64xi32, #tpu.memory_space<hbm>>) target(%dma_start3A_209 : memref<64xi32, #tpu.memory_space<vmem>>) target_semaphore(%run_scoped3A_202 : memref<!tpu.dma_semaphore, #tpu.memory_space<semaphore_mem>>)
        %dma_wait3A_211 = arith.constant 0 : i32
        %dma_wait3A_212 = tpu.memref_slice %arg12[%run_scoped3A_115, %dma_wait3A_211] : memref<2x64xi32, #tpu.memory_space<vmem>> -> memref<1x64xi32, #tpu.memory_space<vmem>>
        %dma_wait3A_213 = tpu.memref_squeeze %dma_wait3A_212 : memref<1x64xi32, #tpu.memory_space<vmem>> -> memref<64xi32, #tpu.memory_space<vmem>>
        %dma_wait3A_214 = tpu.memref_slice %arg2[%add3A_114] : memref<331776xi32, #tpu.memory_space<hbm>> -> memref<64xi32, #tpu.memory_space<hbm>>
        %dma_wait3A_215 = arith.constant 0 : i32
        %dma_wait3A_216 = tpu.memref_slice %arg12[%run_scoped3A_115, %dma_wait3A_215] : memref<2x64xi32, #tpu.memory_space<vmem>> -> memref<1x64xi32, #tpu.memory_space<vmem>>
        %dma_wait3A_217 = tpu.memref_squeeze %dma_wait3A_216 : memref<1x64xi32, #tpu.memory_space<vmem>> -> memref<64xi32, #tpu.memory_space<vmem>>
        %dma_wait3A_218 = tpu.memref_slice %arg2[%add3A_114] : memref<331776xi32, #tpu.memory_space<hbm>> -> memref<64xi32, #tpu.memory_space<hbm>>
        tpu.wait_dma2 semaphore(%run_scoped3A_202 : memref<!tpu.dma_semaphore, #tpu.memory_space<semaphore_mem>>) src(%dma_wait3A_218 : memref<64xi32, #tpu.memory_space<hbm>>) dst(%dma_wait3A_217 : memref<64xi32, #tpu.memory_space<vmem>>)
        tpu.yield
      }) : () -> ()
      %run_scoped3A_116 = arith.constant 1 : i32
      "tpu.region"() ({
        %run_scoped3A_202 = tpu.sem_alloc : memref<!tpu.dma_semaphore, #tpu.memory_space<semaphore_mem>>
        %dma_start3A_203 = arith.constant 0 : i32
        %dma_start3A_204 = tpu.memref_slice %arg12[%run_scoped3A_116, %dma_start3A_203] : memref<2x64xi32, #tpu.memory_space<vmem>> -> memref<1x64xi32, #tpu.memory_space<vmem>>
        %dma_start3A_205 = tpu.memref_squeeze %dma_start3A_204 : memref<1x64xi32, #tpu.memory_space<vmem>> -> memref<64xi32, #tpu.memory_space<vmem>>
        %dma_start3A_206 = tpu.memref_slice %arg3[%add3A_114] : memref<331776xi32, #tpu.memory_space<hbm>> -> memref<64xi32, #tpu.memory_space<hbm>>
        %dma_start3A_207 = arith.constant 0 : i32
        %dma_start3A_208 = tpu.memref_slice %arg12[%run_scoped3A_116, %dma_start3A_207] : memref<2x64xi32, #tpu.memory_space<vmem>> -> memref<1x64xi32, #tpu.memory_space<vmem>>
        %dma_start3A_209 = tpu.memref_squeeze %dma_start3A_208 : memref<1x64xi32, #tpu.memory_space<vmem>> -> memref<64xi32, #tpu.memory_space<vmem>>
        %dma_start3A_210 = tpu.memref_slice %arg3[%add3A_114] : memref<331776xi32, #tpu.memory_space<hbm>> -> memref<64xi32, #tpu.memory_space<hbm>>
        tpu.enqueue_dma source(%dma_start3A_210 : memref<64xi32, #tpu.memory_space<hbm>>) target(%dma_start3A_209 : memref<64xi32, #tpu.memory_space<vmem>>) target_semaphore(%run_scoped3A_202 : memref<!tpu.dma_semaphore, #tpu.memory_space<semaphore_mem>>)
        %dma_wait3A_211 = arith.constant 0 : i32
        %dma_wait3A_212 = tpu.memref_slice %arg12[%run_scoped3A_116, %dma_wait3A_211] : memref<2x64xi32, #tpu.memory_space<vmem>> -> memref<1x64xi32, #tpu.memory_space<vmem>>
        %dma_wait3A_213 = tpu.memref_squeeze %dma_wait3A_212 : memref<1x64xi32, #tpu.memory_space<vmem>> -> memref<64xi32, #tpu.memory_space<vmem>>
        %dma_wait3A_214 = tpu.memref_slice %arg3[%add3A_114] : memref<331776xi32, #tpu.memory_space<hbm>> -> memref<64xi32, #tpu.memory_space<hbm>>
        %dma_wait3A_215 = arith.constant 0 : i32
        %dma_wait3A_216 = tpu.memref_slice %arg12[%run_scoped3A_116, %dma_wait3A_215] : memref<2x64xi32, #tpu.memory_space<vmem>> -> memref<1x64xi32, #tpu.memory_space<vmem>>
        %dma_wait3A_217 = tpu.memref_squeeze %dma_wait3A_216 : memref<1x64xi32, #tpu.memory_space<vmem>> -> memref<64xi32, #tpu.memory_space<vmem>>
        %dma_wait3A_218 = tpu.memref_slice %arg3[%add3A_114] : memref<331776xi32, #tpu.memory_space<hbm>> -> memref<64xi32, #tpu.memory_space<hbm>>
        tpu.wait_dma2 semaphore(%run_scoped3A_202 : memref<!tpu.dma_semaphore, #tpu.memory_space<semaphore_mem>>) src(%dma_wait3A_218 : memref<64xi32, #tpu.memory_space<hbm>>) dst(%dma_wait3A_217 : memref<64xi32, #tpu.memory_space<vmem>>)
        tpu.yield
      }) : () -> ()
      %dma_start3A_117 = arith.constant 1 : i32
      %dma_start3A_118 = arith.constant 0 : i32
      %dma_start3A_119 = tpu.memref_slice %arg12[%dma_start3A_117, %dma_start3A_118] : memref<2x64xi32, #tpu.memory_space<vmem>> -> memref<1x64xi32, #tpu.memory_space<vmem>>
      %dma_start3A_120 = tpu.memref_squeeze %dma_start3A_119 : memref<1x64xi32, #tpu.memory_space<vmem>> -> memref<64xi32, #tpu.memory_space<vmem>>
      %dma_start3A_121 = arith.constant 0 : i32
      %dma_start3A_122 = arith.constant 0 : i32
      %dma_start3A_123 = tpu.memref_slice %arg4[%dma_start3A_121, %dma_start3A_122] : memref<10000x128xf32, #tpu.memory_space<hbm>> -> memref<10000x128xf32, #tpu.memory_space<hbm>>
      tpu.enqueue_indirect_dma source(%dma_start3A_123 : memref<10000x128xf32, #tpu.memory_space<hbm>>) target(%arg15 : memref<64x128xf32, #tpu.memory_space<vmem>>) offsets(%dma_start3A_120 : memref<64xi32, #tpu.memory_space<vmem>>) semaphore(%arg19 : memref<!tpu.dma_semaphore, #tpu.memory_space<semaphore_mem>>)
      %dma_start3A_124 = arith.constant 0 : i32
      %dma_start3A_125 = arith.constant 0 : i32
      %dma_start3A_126 = tpu.memref_slice %arg12[%dma_start3A_124, %dma_start3A_125] : memref<2x64xi32, #tpu.memory_space<vmem>> -> memref<1x64xi32, #tpu.memory_space<vmem>>
      %dma_start3A_127 = tpu.memref_squeeze %dma_start3A_126 : memref<1x64xi32, #tpu.memory_space<vmem>> -> memref<64xi32, #tpu.memory_space<vmem>>
      %dma_start3A_128 = arith.constant 0 : i32
      %dma_start3A_129 = arith.constant 0 : i32
      %dma_start3A_130 = tpu.memref_slice %arg5[%dma_start3A_128, %dma_start3A_129] : memref<10001x16xf32, #tpu.memory_space<hbm>> -> memref<10001x16xf32, #tpu.memory_space<hbm>>
      tpu.enqueue_indirect_dma source(%dma_start3A_130 : memref<10001x16xf32, #tpu.memory_space<hbm>>) target(%arg13 : memref<64x16xf32, #tpu.memory_space<vmem>>) offsets(%dma_start3A_127 : memref<64xi32, #tpu.memory_space<vmem>>) semaphore(%arg19 : memref<!tpu.dma_semaphore, #tpu.memory_space<semaphore_mem>>)
      %dma_start3A_131 = arith.constant 1 : i32
      %dma_start3A_132 = arith.constant 0 : i32
      %dma_start3A_133 = tpu.memref_slice %arg12[%dma_start3A_131, %dma_start3A_132] : memref<2x64xi32, #tpu.memory_space<vmem>> -> memref<1x64xi32, #tpu.memory_space<vmem>>
      %dma_start3A_134 = tpu.memref_squeeze %dma_start3A_133 : memref<1x64xi32, #tpu.memory_space<vmem>> -> memref<64xi32, #tpu.memory_space<vmem>>
      %dma_start3A_135 = arith.constant 0 : i32
      %dma_start3A_136 = arith.constant 0 : i32
      %dma_start3A_137 = tpu.memref_slice %arg6[%dma_start3A_135, %dma_start3A_136] : memref<10001x16xf32, #tpu.memory_space<hbm>> -> memref<10001x16xf32, #tpu.memory_space<hbm>>
      tpu.enqueue_indirect_dma source(%dma_start3A_137 : memref<10001x16xf32, #tpu.memory_space<hbm>>) target(%arg14 : memref<64x16xf32, #tpu.memory_space<vmem>>) offsets(%dma_start3A_134 : memref<64xi32, #tpu.memory_space<vmem>>) semaphore(%arg19 : memref<!tpu.dma_semaphore, #tpu.memory_space<semaphore_mem>>)
      %parallel_loop3A = arith.constant 0 : i32
      %parallel_loop3A_138 = arith.constant 64 : i32
      %parallel_loop3A_139 = arith.constant 1 : i32
      scf.for %parallel_loop3A_202 = %parallel_loop3A to %parallel_loop3A_138 step %parallel_loop3A_139  : i32 {
        %parallel_loop3A_203 = arith.index_cast %parallel_loop3A_202 : i32 to index
        %parallel_loop3A_204 = arith.constant 0 : index
        %parallel_loop3A_205 = tpu.vector_load %arg9[%parallel_loop3A_203, %parallel_loop3A_204] {strides = array<i32>} : memref<64x16xf32, #tpu.memory_space<vmem>>, vector<1x16xf32>,
        %parallel_loop3A_206 = vector.shape_cast %parallel_loop3A_205 : vector<1x16xf32> to vector<16xf32>
        %parallel_loop3A_207 = arith.index_cast %parallel_loop3A_202 : i32 to index
        %parallel_loop3A_208 = arith.constant 0 : index
        %parallel_loop3A_209 = tpu.vector_load %arg10[%parallel_loop3A_207, %parallel_loop3A_208] {strides = array<i32>} : memref<64x16xf32, #tpu.memory_space<vmem>>, vector<1x16xf32>,
        %parallel_loop3A_210 = vector.shape_cast %parallel_loop3A_209 : vector<1x16xf32> to vector<16xf32>
        %parallel_loop3A_211 = arith.addf %parallel_loop3A_206, %parallel_loop3A_210 : vector<16xf32>
        %parallel_loop3A_212 = arith.constant 2.000000e-01 : f32
        %parallel_loop3A_213 = vector.broadcast %parallel_loop3A_212 : f32 to vector<16xf32>
        %parallel_loop3A_214 = arith.mulf %parallel_loop3A_211, %parallel_loop3A_213 : vector<16xf32>
        %parallel_loop3A_215 = arith.maximumf %parallel_loop3A_211, %parallel_loop3A_214 : vector<16xf32>
        %parallel_loop3A_216 = math.exp %parallel_loop3A_215 : vector<16xf32>
        %parallel_loop3A_217 = arith.index_cast %parallel_loop3A_202 : i32 to index
        %parallel_loop3A_218 = arith.constant 128 : index
        %parallel_loop3A_219 = tpu.vector_load %arg16[%parallel_loop3A_217, %parallel_loop3A_218] {strides = array<i32>} : memref<64x144xf32, #tpu.memory_space<vmem>>, vector<1x16xf32>,
        %parallel_loop3A_220 = vector.shape_cast %parallel_loop3A_219 : vector<1x16xf32> to vector<16xf32>
        %parallel_loop3A_221 = vector.shape_cast %parallel_loop3A_216 : vector<16xf32> to vector<1x16xf32>
        tpu.vector_store %arg16[%parallel_loop3A_217, %parallel_loop3A_218], %parallel_loop3A_221 {strides = array<i32>} : memref<64x144xf32, #tpu.memory_space<vmem>>, vector<1x16xf32>,
        %parallel_loop3A_222 = arith.index_cast %parallel_loop3A_202 : i32 to index
        %parallel_loop3A_223 = arith.constant 0 : index
        %parallel_loop3A_224 = tpu.vector_load %arg11[%parallel_loop3A_222, %parallel_loop3A_223] {strides = array<i32>} : memref<64x128xf32, #tpu.memory_space<vmem>>, vector<1x16xf32>,
        %parallel_loop3A_225 = vector.shape_cast %parallel_loop3A_224 : vector<1x16xf32> to vector<16xf32>
        %parallel_loop3A_226 = vector.extract_strided_slice %parallel_loop3A_216 {offsets = [0], sizes = [1], strides = [1]} : vector<16xf32> to vector<1xf32>
        %parallel_loop3A_227 = vector.extract %parallel_loop3A_226[0] : f32 from vector<1xf32>
        %parallel_loop3A_228 = vector.broadcast %parallel_loop3A_227 : f32 to vector<16xf32>
        %parallel_loop3A_229 = arith.mulf %parallel_loop3A_225, %parallel_loop3A_228 : vector<16xf32>
        %parallel_loop3A_230 = arith.index_cast %parallel_loop3A_202 : i32 to index
        %parallel_loop3A_231 = arith.constant 0 : index
        %parallel_loop3A_232 = tpu.vector_load %arg16[%parallel_loop3A_230, %parallel_loop3A_231] {strides = array<i32>} : memref<64x144xf32, #tpu.memory_space<vmem>>, vector<1x16xf32>,
        %parallel_loop3A_233 = vector.shape_cast %parallel_loop3A_232 : vector<1x16xf32> to vector<16xf32>
        %parallel_loop3A_234 = vector.shape_cast %parallel_loop3A_229 : vector<16xf32> to vector<1x16xf32>
        tpu.vector_store %arg16[%parallel_loop3A_230, %parallel_loop3A_231], %parallel_loop3A_234 {strides = array<i32>} : memref<64x144xf32, #tpu.memory_space<vmem>>, vector<1x16xf32>,
        %parallel_loop3A_235 = arith.index_cast %parallel_loop3A_202 : i32 to index
        %parallel_loop3A_236 = arith.constant 16 : index
        %parallel_loop3A_237 = tpu.vector_load %arg11[%parallel_loop3A_235, %parallel_loop3A_236] {strides = array<i32>} : memref<64x128xf32, #tpu.memory_space<vmem>>, vector<1x16xf32>,
        %parallel_loop3A_238 = vector.shape_cast %parallel_loop3A_237 : vector<1x16xf32> to vector<16xf32>
        %parallel_loop3A_239 = vector.extract_strided_slice %parallel_loop3A_216 {offsets = [1], sizes = [1], strides = [1]} : vector<16xf32> to vector<1xf32>
        %parallel_loop3A_240 = vector.extract %parallel_loop3A_239[0] : f32 from vector<1xf32>
        %parallel_loop3A_241 = vector.broadcast %parallel_loop3A_240 : f32 to vector<16xf32>
        %parallel_loop3A_242 = arith.mulf %parallel_loop3A_238, %parallel_loop3A_241 : vector<16xf32>
        %parallel_loop3A_243 = arith.index_cast %parallel_loop3A_202 : i32 to index
        %parallel_loop3A_244 = arith.constant 16 : index
        %parallel_loop3A_245 = tpu.vector_load %arg16[%parallel_loop3A_243, %parallel_loop3A_244] {strides = array<i32>} : memref<64x144xf32, #tpu.memory_space<vmem>>, vector<1x16xf32>,
        %parallel_loop3A_246 = vector.shape_cast %parallel_loop3A_245 : vector<1x16xf32> to vector<16xf32>
        %parallel_loop3A_247 = vector.shape_cast %parallel_loop3A_242 : vector<16xf32> to vector<1x16xf32>
        tpu.vector_store %arg16[%parallel_loop3A_243, %parallel_loop3A_244], %parallel_loop3A_247 {strides = array<i32>} : memref<64x144xf32, #tpu.memory_space<vmem>>, vector<1x16xf32>,
        %parallel_loop3A_248 = arith.index_cast %parallel_loop3A_202 : i32 to index
        %parallel_loop3A_249 = arith.constant 32 : index
        %parallel_loop3A_250 = tpu.vector_load %arg11[%parallel_loop3A_248, %parallel_loop3A_249] {strides = array<i32>} : memref<64x128xf32, #tpu.memory_space<vmem>>, vector<1x16xf32>,
        %parallel_loop3A_251 = vector.shape_cast %parallel_loop3A_250 : vector<1x16xf32> to vector<16xf32>
        %parallel_loop3A_252 = vector.extract_strided_slice %parallel_loop3A_216 {offsets = [2], sizes = [1], strides = [1]} : vector<16xf32> to vector<1xf32>
        %parallel_loop3A_253 = vector.extract %parallel_loop3A_252[0] : f32 from vector<1xf32>
        %parallel_loop3A_254 = vector.broadcast %parallel_loop3A_253 : f32 to vector<16xf32>
        %parallel_loop3A_255 = arith.mulf %parallel_loop3A_251, %parallel_loop3A_254 : vector<16xf32>
        %parallel_loop3A_256 = arith.index_cast %parallel_loop3A_202 : i32 to index
        %parallel_loop3A_257 = arith.constant 32 : index
        %parallel_loop3A_258 = tpu.vector_load %arg16[%parallel_loop3A_256, %parallel_loop3A_257] {strides = array<i32>} : memref<64x144xf32, #tpu.memory_space<vmem>>, vector<1x16xf32>,
        %parallel_loop3A_259 = vector.shape_cast %parallel_loop3A_258 : vector<1x16xf32> to vector<16xf32>
        %parallel_loop3A_260 = vector.shape_cast %parallel_loop3A_255 : vector<16xf32> to vector<1x16xf32>
        tpu.vector_store %arg16[%parallel_loop3A_256, %parallel_loop3A_257], %parallel_loop3A_260 {strides = array<i32>} : memref<64x144xf32, #tpu.memory_space<vmem>>, vector<1x16xf32>,
        %parallel_loop3A_261 = arith.index_cast %parallel_loop3A_202 : i32 to index
        %parallel_loop3A_262 = arith.constant 48 : index
        %parallel_loop3A_263 = tpu.vector_load %arg11[%parallel_loop3A_261, %parallel_loop3A_262] {strides = array<i32>} : memref<64x128xf32, #tpu.memory_space<vmem>>, vector<1x16xf32>,
        %parallel_loop3A_264 = vector.shape_cast %parallel_loop3A_263 : vector<1x16xf32> to vector<16xf32>
        %parallel_loop3A_265 = vector.extract_strided_slice %parallel_loop3A_216 {offsets = [3], sizes = [1], strides = [1]} : vector<16xf32> to vector<1xf32>
        %parallel_loop3A_266 = vector.extract %parallel_loop3A_265[0] : f32 from vector<1xf32>
        %parallel_loop3A_267 = vector.broadcast %parallel_loop3A_266 : f32 to vector<16xf32>
        %parallel_loop3A_268 = arith.mulf %parallel_loop3A_264, %parallel_loop3A_267 : vector<16xf32>
        %parallel_loop3A_269 = arith.index_cast %parallel_loop3A_202 : i32 to index
        %parallel_loop3A_270 = arith.constant 48 : index
        %parallel_loop3A_271 = tpu.vector_load %arg16[%parallel_loop3A_269, %parallel_loop3A_270] {strides = array<i32>} : memref<64x144xf32, #tpu.memory_space<vmem>>, vector<1x16xf32>,
        %parallel_loop3A_272 = vector.shape_cast %parallel_loop3A_271 : vector<1x16xf32> to vector<16xf32>
        %parallel_loop3A_273 = vector.shape_cast %parallel_loop3A_268 : vector<16xf32> to vector<1x16xf32>
        tpu.vector_store %arg16[%parallel_loop3A_269, %parallel_loop3A_270], %parallel_loop3A_273 {strides = array<i32>} : memref<64x144xf32, #tpu.memory_space<vmem>>, vector<1x16xf32>,
        %parallel_loop3A_274 = arith.index_cast %parallel_loop3A_202 : i32 to index
        %parallel_loop3A_275 = arith.constant 64 : index
        %parallel_loop3A_276 = tpu.vector_load %arg11[%parallel_loop3A_274, %parallel_loop3A_275] {strides = array<i32>} : memref<64x128xf32, #tpu.memory_space<vmem>>, vector<1x16xf32>,
        %parallel_loop3A_277 = vector.shape_cast %parallel_loop3A_276 : vector<1x16xf32> to vector<16xf32>
        %parallel_loop3A_278 = vector.extract_strided_slice %parallel_loop3A_216 {offsets = [4], sizes = [1], strides = [1]} : vector<16xf32> to vector<1xf32>
        %parallel_loop3A_279 = vector.extract %parallel_loop3A_278[0] : f32 from vector<1xf32>
        %parallel_loop3A_280 = vector.broadcast %parallel_loop3A_279 : f32 to vector<16xf32>
        %parallel_loop3A_281 = arith.mulf %parallel_loop3A_277, %parallel_loop3A_280 : vector<16xf32>
        %parallel_loop3A_282 = arith.index_cast %parallel_loop3A_202 : i32 to index
        %parallel_loop3A_283 = arith.constant 64 : index
        %parallel_loop3A_284 = tpu.vector_load %arg16[%parallel_loop3A_282, %parallel_loop3A_283] {strides = array<i32>} : memref<64x144xf32, #tpu.memory_space<vmem>>, vector<1x16xf32>,
        %parallel_loop3A_285 = vector.shape_cast %parallel_loop3A_284 : vector<1x16xf32> to vector<16xf32>
        %parallel_loop3A_286 = vector.shape_cast %parallel_loop3A_281 : vector<16xf32> to vector<1x16xf32>
        tpu.vector_store %arg16[%parallel_loop3A_282, %parallel_loop3A_283], %parallel_loop3A_286 {strides = array<i32>} : memref<64x144xf32, #tpu.memory_space<vmem>>, vector<1x16xf32>,
        %parallel_loop3A_287 = arith.index_cast %parallel_loop3A_202 : i32 to index
        %parallel_loop3A_288 = arith.constant 80 : index
        %parallel_loop3A_289 = tpu.vector_load %arg11[%parallel_loop3A_287, %parallel_loop3A_288] {strides = array<i32>} : memref<64x128xf32, #tpu.memory_space<vmem>>, vector<1x16xf32>,
        %parallel_loop3A_290 = vector.shape_cast %parallel_loop3A_289 : vector<1x16xf32> to vector<16xf32>
        %parallel_loop3A_291 = vector.extract_strided_slice %parallel_loop3A_216 {offsets = [5], sizes = [1], strides = [1]} : vector<16xf32> to vector<1xf32>
        %parallel_loop3A_292 = vector.extract %parallel_loop3A_291[0] : f32 from vector<1xf32>
        %parallel_loop3A_293 = vector.broadcast %parallel_loop3A_292 : f32 to vector<16xf32>
        %parallel_loop3A_294 = arith.mulf %parallel_loop3A_290, %parallel_loop3A_293 : vector<16xf32>
        %parallel_loop3A_295 = arith.index_cast %parallel_loop3A_202 : i32 to index
        %parallel_loop3A_296 = arith.constant 80 : index
        %parallel_loop3A_297 = tpu.vector_load %arg16[%parallel_loop3A_295, %parallel_loop3A_296] {strides = array<i32>} : memref<64x144xf32, #tpu.memory_space<vmem>>, vector<1x16xf32>,
        %parallel_loop3A_298 = vector.shape_cast %parallel_loop3A_297 : vector<1x16xf32> to vector<16xf32>
        %parallel_loop3A_299 = vector.shape_cast %parallel_loop3A_294 : vector<16xf32> to vector<1x16xf32>
        tpu.vector_store %arg16[%parallel_loop3A_295, %parallel_loop3A_296], %parallel_loop3A_299 {strides = array<i32>} : memref<64x144xf32, #tpu.memory_space<vmem>>, vector<1x16xf32>,
        %parallel_loop3A_300 = arith.index_cast %parallel_loop3A_202 : i32 to index
        %parallel_loop3A_301 = arith.constant 96 : index
        %parallel_loop3A_302 = tpu.vector_load %arg11[%parallel_loop3A_300, %parallel_loop3A_301] {strides = array<i32>} : memref<64x128xf32, #tpu.memory_space<vmem>>, vector<1x16xf32>,
        %parallel_loop3A_303 = vector.shape_cast %parallel_loop3A_302 : vector<1x16xf32> to vector<16xf32>
        %parallel_loop3A_304 = vector.extract_strided_slice %parallel_loop3A_216 {offsets = [6], sizes = [1], strides = [1]} : vector<16xf32> to vector<1xf32>
        %parallel_loop3A_305 = vector.extract %parallel_loop3A_304[0] : f32 from vector<1xf32>
        %parallel_loop3A_306 = vector.broadcast %parallel_loop3A_305 : f32 to vector<16xf32>
        %parallel_loop3A_307 = arith.mulf %parallel_loop3A_303, %parallel_loop3A_306 : vector<16xf32>
        %parallel_loop3A_308 = arith.index_cast %parallel_loop3A_202 : i32 to index
        %parallel_loop3A_309 = arith.constant 96 : index
        %parallel_loop3A_310 = tpu.vector_load %arg16[%parallel_loop3A_308, %parallel_loop3A_309] {strides = array<i32>} : memref<64x144xf32, #tpu.memory_space<vmem>>, vector<1x16xf32>,
        %parallel_loop3A_311 = vector.shape_cast %parallel_loop3A_310 : vector<1x16xf32> to vector<16xf32>
        %parallel_loop3A_312 = vector.shape_cast %parallel_loop3A_307 : vector<16xf32> to vector<1x16xf32>
        tpu.vector_store %arg16[%parallel_loop3A_308, %parallel_loop3A_309], %parallel_loop3A_312 {strides = array<i32>} : memref<64x144xf32, #tpu.memory_space<vmem>>, vector<1x16xf32>,
        %parallel_loop3A_313 = arith.index_cast %parallel_loop3A_202 : i32 to index
        %parallel_loop3A_314 = arith.constant 112 : index
        %parallel_loop3A_315 = tpu.vector_load %arg11[%parallel_loop3A_313, %parallel_loop3A_314] {strides = array<i32>} : memref<64x128xf32, #tpu.memory_space<vmem>>, vector<1x16xf32>,
        %parallel_loop3A_316 = vector.shape_cast %parallel_loop3A_315 : vector<1x16xf32> to vector<16xf32>
        %parallel_loop3A_317 = vector.extract_strided_slice %parallel_loop3A_216 {offsets = [7], sizes = [1], strides = [1]} : vector<16xf32> to vector<1xf32>
        %parallel_loop3A_318 = vector.extract %parallel_loop3A_317[0] : f32 from vector<1xf32>
        %parallel_loop3A_319 = vector.broadcast %parallel_loop3A_318 : f32 to vector<16xf32>
        %parallel_loop3A_320 = arith.mulf %parallel_loop3A_316, %parallel_loop3A_319 : vector<16xf32>
        %parallel_loop3A_321 = arith.index_cast %parallel_loop3A_202 : i32 to index
        %parallel_loop3A_322 = arith.constant 112 : index
        %parallel_loop3A_323 = tpu.vector_load %arg16[%parallel_loop3A_321, %parallel_loop3A_322] {strides = array<i32>} : memref<64x144xf32, #tpu.memory_space<vmem>>, vector<1x16xf32>,
        %parallel_loop3A_324 = vector.shape_cast %parallel_loop3A_323 : vector<1x16xf32> to vector<16xf32>
        %parallel_loop3A_325 = vector.shape_cast %parallel_loop3A_320 : vector<16xf32> to vector<1x16xf32>
        tpu.vector_store %arg16[%parallel_loop3A_321, %parallel_loop3A_322], %parallel_loop3A_325 {strides = array<i32>} : memref<64x144xf32, #tpu.memory_space<vmem>>, vector<1x16xf32>,
      } {sc.loop_unroll_factor = 4 : i64, sc.parallel_access}
      %run_scoped3A_140 = arith.constant 0 : i32
      "tpu.region"() ({
        %run_scoped3A_202 = tpu.sem_alloc : memref<!tpu.dma_semaphore, #tpu.memory_space<semaphore_mem>>
        %dma_start3A_203 = arith.constant 0 : i32
        %dma_start3A_204 = tpu.memref_slice %arg8[%run_scoped3A_140, %dma_start3A_203] : memref<2x64xi32, #tpu.memory_space<vmem>> -> memref<1x64xi32, #tpu.memory_space<vmem>>
        %dma_start3A_205 = tpu.memref_squeeze %dma_start3A_204 : memref<1x64xi32, #tpu.memory_space<vmem>> -> memref<64xi32, #tpu.memory_space<vmem>>
        %dma_start3A_206 = arith.constant 0 : i32
        %dma_start3A_207 = arith.constant 0 : i32
        %dma_start3A_208 = tpu.memref_slice %arg17[%dma_start3A_206, %dma_start3A_207] : memref<10016x144xf32, #tpu.memory_space<vmem_shared>> -> memref<10016x144xf32, #tpu.memory_space<vmem_shared>>
        tpu.enqueue_indirect_dma source(%arg16 : memref<64x144xf32, #tpu.memory_space<vmem>>) target(%dma_start3A_208 : memref<10016x144xf32, #tpu.memory_space<vmem_shared>>) offsets(%dma_start3A_205 : memref<64xi32, #tpu.memory_space<vmem>>) semaphore(%run_scoped3A_202 : memref<!tpu.dma_semaphore, #tpu.memory_space<semaphore_mem>>) {add = true}
        %dma_wait3A_209 = arith.constant 0 : i32
        %dma_wait3A_210 = tpu.memref_slice %arg8[%run_scoped3A_140, %dma_wait3A_209] : memref<2x64xi32, #tpu.memory_space<vmem>> -> memref<1x64xi32, #tpu.memory_space<vmem>>
        %dma_wait3A_211 = tpu.memref_squeeze %dma_wait3A_210 : memref<1x64xi32, #tpu.memory_space<vmem>> -> memref<64xi32, #tpu.memory_space<vmem>>
        %dma_wait3A_212 = arith.constant 0 : i32
        %dma_wait3A_213 = arith.constant 0 : i32
        %dma_wait3A_214 = tpu.memref_slice %arg17[%dma_wait3A_212, %dma_wait3A_213] : memref<10016x144xf32, #tpu.memory_space<vmem_shared>> -> memref<10016x144xf32, #tpu.memory_space<vmem_shared>>
        tpu.wait_indirect_dma semaphore(%run_scoped3A_202 : memref<!tpu.dma_semaphore, #tpu.memory_space<semaphore_mem>>) src(%arg16 : memref<64x144xf32, #tpu.memory_space<vmem>>) dst(%dma_wait3A_214 : memref<10016x144xf32, #tpu.memory_space<vmem_shared>>)
        tpu.yield
      }) : () -> ()
      %mul3A_141 = arith.constant 2 : i32
      %mul3A_142 = arith.muli %scan3A_81, %mul3A_141 : i32
      %add3A_143 = arith.constant 1 : i32
      %add3A_144 = arith.addi %mul3A_142, %add3A_143 : i32
      %dma_wait3A_145 = arith.constant 1 : i32
      %dma_wait3A_146 = arith.constant 0 : i32
      %dma_wait3A_147 = tpu.memref_slice %arg12[%dma_wait3A_145, %dma_wait3A_146] : memref<2x64xi32, #tpu.memory_space<vmem>> -> memref<1x64xi32, #tpu.memory_space<vmem>>
      %dma_wait3A_148 = tpu.memref_squeeze %dma_wait3A_147 : memref<1x64xi32, #tpu.memory_space<vmem>> -> memref<64xi32, #tpu.memory_space<vmem>>
      %dma_wait3A_149 = arith.constant 0 : i32
      %dma_wait3A_150 = arith.constant 0 : i32
      %dma_wait3A_151 = tpu.memref_slice %arg4[%dma_wait3A_149, %dma_wait3A_150] : memref<10000x128xf32, #tpu.memory_space<hbm>> -> memref<10000x128xf32, #tpu.memory_space<hbm>>
      tpu.wait_indirect_dma semaphore(%arg19 : memref<!tpu.dma_semaphore, #tpu.memory_space<semaphore_mem>>) src(%dma_wait3A_151 : memref<10000x128xf32, #tpu.memory_space<hbm>>) dst(%arg15 : memref<64x128xf32, #tpu.memory_space<vmem>>)
      %dma_wait3A_152 = arith.constant 0 : i32
      %dma_wait3A_153 = arith.constant 0 : i32
      %dma_wait3A_154 = tpu.memref_slice %arg12[%dma_wait3A_152, %dma_wait3A_153] : memref<2x64xi32, #tpu.memory_space<vmem>> -> memref<1x64xi32, #tpu.memory_space<vmem>>
      %dma_wait3A_155 = tpu.memref_squeeze %dma_wait3A_154 : memref<1x64xi32, #tpu.memory_space<vmem>> -> memref<64xi32, #tpu.memory_space<vmem>>
      %dma_wait3A_156 = arith.constant 0 : i32
      %dma_wait3A_157 = arith.constant 0 : i32
      %dma_wait3A_158 = tpu.memref_slice %arg5[%dma_wait3A_156, %dma_wait3A_157] : memref<10001x16xf32, #tpu.memory_space<hbm>> -> memref<10001x16xf32, #tpu.memory_space<hbm>>
      tpu.wait_indirect_dma semaphore(%arg19 : memref<!tpu.dma_semaphore, #tpu.memory_space<semaphore_mem>>) src(%dma_wait3A_158 : memref<10001x16xf32, #tpu.memory_space<hbm>>) dst(%arg13 : memref<64x16xf32, #tpu.memory_space<vmem>>)
      %dma_wait3A_159 = arith.constant 1 : i32
      %dma_wait3A_160 = arith.constant 0 : i32
      %dma_wait3A_161 = tpu.memref_slice %arg12[%dma_wait3A_159, %dma_wait3A_160] : memref<2x64xi32, #tpu.memory_space<vmem>> -> memref<1x64xi32, #tpu.memory_space<vmem>>
      %dma_wait3A_162 = tpu.memref_squeeze %dma_wait3A_161 : memref<1x64xi32, #tpu.memory_space<vmem>> -> memref<64xi32, #tpu.memory_space<vmem>>
      %dma_wait3A_163 = arith.constant 0 : i32
      %dma_wait3A_164 = arith.constant 0 : i32
      %dma_wait3A_165 = tpu.memref_slice %arg6[%dma_wait3A_163, %dma_wait3A_164] : memref<10001x16xf32, #tpu.memory_space<hbm>> -> memref<10001x16xf32, #tpu.memory_space<hbm>>
      tpu.wait_indirect_dma semaphore(%arg19 : memref<!tpu.dma_semaphore, #tpu.memory_space<semaphore_mem>>) src(%dma_wait3A_165 : memref<10001x16xf32, #tpu.memory_space<hbm>>) dst(%arg14 : memref<64x16xf32, #tpu.memory_space<vmem>>)
      %add3A_166 = arith.constant 1 : i32
      %add3A_167 = arith.addi %add3A_144, %add3A_166 : i32
      %min3A_168 = arith.constant 161 : i32
      %min3A_169 = arith.minsi %add3A_167, %min3A_168 : i32
      %mul3A_170 = arith.constant 10368 : i32
      %mul3A_171 = arith.muli %add3A, %mul3A_170 : i32
      %mul3A_172 = arith.constant 64 : i32
      %mul3A_173 = arith.muli %min3A_169, %mul3A_172 : i32
      %add3A_174 = arith.addi %mul3A_171, %mul3A_173 : i32
      %run_scoped3A_175 = arith.constant 0 : i32
      "tpu.region"() ({
        %run_scoped3A_202 = tpu.sem_alloc : memref<!tpu.dma_semaphore, #tpu.memory_space<semaphore_mem>>
        %dma_start3A_203 = arith.constant 0 : i32
        %dma_start3A_204 = tpu.memref_slice %arg8[%run_scoped3A_175, %dma_start3A_203] : memref<2x64xi32, #tpu.memory_space<vmem>> -> memref<1x64xi32, #tpu.memory_space<vmem>>
        %dma_start3A_205 = tpu.memref_squeeze %dma_start3A_204 : memref<1x64xi32, #tpu.memory_space<vmem>> -> memref<64xi32, #tpu.memory_space<vmem>>
        %dma_start3A_206 = tpu.memref_slice %arg2[%add3A_174] : memref<331776xi32, #tpu.memory_space<hbm>> -> memref<64xi32, #tpu.memory_space<hbm>>
        %dma_start3A_207 = arith.constant 0 : i32
        %dma_start3A_208 = tpu.memref_slice %arg8[%run_scoped3A_175, %dma_start3A_207] : memref<2x64xi32, #tpu.memory_space<vmem>> -> memref<1x64xi32, #tpu.memory_space<vmem>>
        %dma_start3A_209 = tpu.memref_squeeze %dma_start3A_208 : memref<1x64xi32, #tpu.memory_space<vmem>> -> memref<64xi32, #tpu.memory_space<vmem>>
        %dma_start3A_210 = tpu.memref_slice %arg2[%add3A_174] : memref<331776xi32, #tpu.memory_space<hbm>> -> memref<64xi32, #tpu.memory_space<hbm>>
        tpu.enqueue_dma source(%dma_start3A_210 : memref<64xi32, #tpu.memory_space<hbm>>) target(%dma_start3A_209 : memref<64xi32, #tpu.memory_space<vmem>>) target_semaphore(%run_scoped3A_202 : memref<!tpu.dma_semaphore, #tpu.memory_space<semaphore_mem>>)
        %dma_wait3A_211 = arith.constant 0 : i32
        %dma_wait3A_212 = tpu.memref_slice %arg8[%run_scoped3A_175, %dma_wait3A_211] : memref<2x64xi32, #tpu.memory_space<vmem>> -> memref<1x64xi32, #tpu.memory_space<vmem>>
        %dma_wait3A_213 = tpu.memref_squeeze %dma_wait3A_212 : memref<1x64xi32, #tpu.memory_space<vmem>> -> memref<64xi32, #tpu.memory_space<vmem>>
        %dma_wait3A_214 = tpu.memref_slice %arg2[%add3A_174] : memref<331776xi32, #tpu.memory_space<hbm>> -> memref<64xi32, #tpu.memory_space<hbm>>
        %dma_wait3A_215 = arith.constant 0 : i32
        %dma_wait3A_216 = tpu.memref_slice %arg8[%run_scoped3A_175, %dma_wait3A_215] : memref<2x64xi32, #tpu.memory_space<vmem>> -> memref<1x64xi32, #tpu.memory_space<vmem>>
        %dma_wait3A_217 = tpu.memref_squeeze %dma_wait3A_216 : memref<1x64xi32, #tpu.memory_space<vmem>> -> memref<64xi32, #tpu.memory_space<vmem>>
        %dma_wait3A_218 = tpu.memref_slice %arg2[%add3A_174] : memref<331776xi32, #tpu.memory_space<hbm>> -> memref<64xi32, #tpu.memory_space<hbm>>
        tpu.wait_dma2 semaphore(%run_scoped3A_202 : memref<!tpu.dma_semaphore, #tpu.memory_space<semaphore_mem>>) src(%dma_wait3A_218 : memref<64xi32, #tpu.memory_space<hbm>>) dst(%dma_wait3A_217 : memref<64xi32, #tpu.memory_space<vmem>>)
        tpu.yield
      }) : () -> ()
      %run_scoped3A_176 = arith.constant 1 : i32
      "tpu.region"() ({
        %run_scoped3A_202 = tpu.sem_alloc : memref<!tpu.dma_semaphore, #tpu.memory_space<semaphore_mem>>
        %dma_start3A_203 = arith.constant 0 : i32
        %dma_start3A_204 = tpu.memref_slice %arg8[%run_scoped3A_176, %dma_start3A_203] : memref<2x64xi32, #tpu.memory_space<vmem>> -> memref<1x64xi32, #tpu.memory_space<vmem>>
        %dma_start3A_205 = tpu.memref_squeeze %dma_start3A_204 : memref<1x64xi32, #tpu.memory_space<vmem>> -> memref<64xi32, #tpu.memory_space<vmem>>
        %dma_start3A_206 = tpu.memref_slice %arg3[%add3A_174] : memref<331776xi32, #tpu.memory_space<hbm>> -> memref<64xi32, #tpu.memory_space<hbm>>
        %dma_start3A_207 = arith.constant 0 : i32
        %dma_start3A_208 = tpu.memref_slice %arg8[%run_scoped3A_176, %dma_start3A_207] : memref<2x64xi32, #tpu.memory_space<vmem>> -> memref<1x64xi32, #tpu.memory_space<vmem>>
        %dma_start3A_209 = tpu.memref_squeeze %dma_start3A_208 : memref<1x64xi32, #tpu.memory_space<vmem>> -> memref<64xi32, #tpu.memory_space<vmem>>
        %dma_start3A_210 = tpu.memref_slice %arg3[%add3A_174] : memref<331776xi32, #tpu.memory_space<hbm>> -> memref<64xi32, #tpu.memory_space<hbm>>
        tpu.enqueue_dma source(%dma_start3A_210 : memref<64xi32, #tpu.memory_space<hbm>>) target(%dma_start3A_209 : memref<64xi32, #tpu.memory_space<vmem>>) target_semaphore(%run_scoped3A_202 : memref<!tpu.dma_semaphore, #tpu.memory_space<semaphore_mem>>)
        %dma_wait3A_211 = arith.constant 0 : i32
        %dma_wait3A_212 = tpu.memref_slice %arg8[%run_scoped3A_176, %dma_wait3A_211] : memref<2x64xi32, #tpu.memory_space<vmem>> -> memref<1x64xi32, #tpu.memory_space<vmem>>
        %dma_wait3A_213 = tpu.memref_squeeze %dma_wait3A_212 : memref<1x64xi32, #tpu.memory_space<vmem>> -> memref<64xi32, #tpu.memory_space<vmem>>
        %dma_wait3A_214 = tpu.memref_slice %arg3[%add3A_174] : memref<331776xi32, #tpu.memory_space<hbm>> -> memref<64xi32, #tpu.memory_space<hbm>>
        %dma_wait3A_215 = arith.constant 0 : i32
        %dma_wait3A_216 = tpu.memref_slice %arg8[%run_scoped3A_176, %dma_wait3A_215] : memref<2x64xi32, #tpu.memory_space<vmem>> -> memref<1x64xi32, #tpu.memory_space<vmem>>
        %dma_wait3A_217 = tpu.memref_squeeze %dma_wait3A_216 : memref<1x64xi32, #tpu.memory_space<vmem>> -> memref<64xi32, #tpu.memory_space<vmem>>
        %dma_wait3A_218 = tpu.memref_slice %arg3[%add3A_174] : memref<331776xi32, #tpu.memory_space<hbm>> -> memref<64xi32, #tpu.memory_space<hbm>>
        tpu.wait_dma2 semaphore(%run_scoped3A_202 : memref<!tpu.dma_semaphore, #tpu.memory_space<semaphore_mem>>) src(%dma_wait3A_218 : memref<64xi32, #tpu.memory_space<hbm>>) dst(%dma_wait3A_217 : memref<64xi32, #tpu.memory_space<vmem>>)
        tpu.yield
      }) : () -> ()
      %dma_start3A_177 = arith.constant 1 : i32
      %dma_start3A_178 = arith.constant 0 : i32
      %dma_start3A_179 = tpu.memref_slice %arg8[%dma_start3A_177, %dma_start3A_178] : memref<2x64xi32, #tpu.memory_space<vmem>> -> memref<1x64xi32, #tpu.memory_space<vmem>>
      %dma_start3A_180 = tpu.memref_squeeze %dma_start3A_179 : memref<1x64xi32, #tpu.memory_space<vmem>> -> memref<64xi32, #tpu.memory_space<vmem>>
      %dma_start3A_181 = arith.constant 0 : i32
      %dma_start3A_182 = arith.constant 0 : i32
      %dma_start3A_183 = tpu.memref_slice %arg4[%dma_start3A_181, %dma_start3A_182] : memref<10000x128xf32, #tpu.memory_space<hbm>> -> memref<10000x128xf32, #tpu.memory_space<hbm>>
      tpu.enqueue_indirect_dma source(%dma_start3A_183 : memref<10000x128xf32, #tpu.memory_space<hbm>>) target(%arg11 : memref<64x128xf32, #tpu.memory_space<vmem>>) offsets(%dma_start3A_180 : memref<64xi32, #tpu.memory_space<vmem>>) semaphore(%arg18 : memref<!tpu.dma_semaphore, #tpu.memory_space<semaphore_mem>>)
      %dma_start3A_184 = arith.constant 0 : i32
      %dma_start3A_185 = arith.constant 0 : i32
      %dma_start3A_186 = tpu.memref_slice %arg8[%dma_start3A_184, %dma_start3A_185] : memref<2x64xi32, #tpu.memory_space<vmem>> -> memref<1x64xi32, #tpu.memory_space<vmem>>
      %dma_start3A_187 = tpu.memref_squeeze %dma_start3A_186 : memref<1x64xi32, #tpu.memory_space<vmem>> -> memref<64xi32, #tpu.memory_space<vmem>>
      %dma_start3A_188 = arith.constant 0 : i32
      %dma_start3A_189 = arith.constant 0 : i32
      %dma_start3A_190 = tpu.memref_slice %arg5[%dma_start3A_188, %dma_start3A_189] : memref<10001x16xf32, #tpu.memory_space<hbm>> -> memref<10001x16xf32, #tpu.memory_space<hbm>>
      tpu.enqueue_indirect_dma source(%dma_start3A_190 : memref<10001x16xf32, #tpu.memory_space<hbm>>) target(%arg9 : memref<64x16xf32, #tpu.memory_space<vmem>>) offsets(%dma_start3A_187 : memref<64xi32, #tpu.memory_space<vmem>>) semaphore(%arg18 : memref<!tpu.dma_semaphore, #tpu.memory_space<semaphore_mem>>)
      %dma_start3A_191 = arith.constant 1 : i32
      %dma_start3A_192 = arith.constant 0 : i32
      %dma_start3A_193 = tpu.memref_slice %arg8[%dma_start3A_191, %dma_start3A_192] : memref<2x64xi32, #tpu.memory_space<vmem>> -> memref<1x64xi32, #tpu.memory_space<vmem>>
      %dma_start3A_194 = tpu.memref_squeeze %dma_start3A_193 : memref<1x64xi32, #tpu.memory_space<vmem>> -> memref<64xi32, #tpu.memory_space<vmem>>
      %dma_start3A_195 = arith.constant 0 : i32
      %dma_start3A_196 = arith.constant 0 : i32
      %dma_start3A_197 = tpu.memref_slice %arg6[%dma_start3A_195, %dma_start3A_196] : memref<10001x16xf32, #tpu.memory_space<hbm>> -> memref<10001x16xf32, #tpu.memory_space<hbm>>
      tpu.enqueue_indirect_dma source(%dma_start3A_197 : memref<10001x16xf32, #tpu.memory_space<hbm>>) target(%arg10 : memref<64x16xf32, #tpu.memory_space<vmem>>) offsets(%dma_start3A_194 : memref<64xi32, #tpu.memory_space<vmem>>) semaphore(%arg18 : memref<!tpu.dma_semaphore, #tpu.memory_space<semaphore_mem>>)
      %parallel_loop3A_198 = arith.constant 0 : i32
      %parallel_loop3A_199 = arith.constant 64 : i32
      %parallel_loop3A_200 = arith.constant 1 : i32
      scf.for %parallel_loop3A_202 = %parallel_loop3A_198 to %parallel_loop3A_199 step %parallel_loop3A_200  : i32 {
        %parallel_loop3A_203 = arith.index_cast %parallel_loop3A_202 : i32 to index
        %parallel_loop3A_204 = arith.constant 0 : index
        %parallel_loop3A_205 = tpu.vector_load %arg13[%parallel_loop3A_203, %parallel_loop3A_204] {strides = array<i32>} : memref<64x16xf32, #tpu.memory_space<vmem>>, vector<1x16xf32>,
        %parallel_loop3A_206 = vector.shape_cast %parallel_loop3A_205 : vector<1x16xf32> to vector<16xf32>
        %parallel_loop3A_207 = arith.index_cast %parallel_loop3A_202 : i32 to index
        %parallel_loop3A_208 = arith.constant 0 : index
        %parallel_loop3A_209 = tpu.vector_load %arg14[%parallel_loop3A_207, %parallel_loop3A_208] {strides = array<i32>} : memref<64x16xf32, #tpu.memory_space<vmem>>, vector<1x16xf32>,
        %parallel_loop3A_210 = vector.shape_cast %parallel_loop3A_209 : vector<1x16xf32> to vector<16xf32>
        %parallel_loop3A_211 = arith.addf %parallel_loop3A_206, %parallel_loop3A_210 : vector<16xf32>
        %parallel_loop3A_212 = arith.constant 2.000000e-01 : f32
        %parallel_loop3A_213 = vector.broadcast %parallel_loop3A_212 : f32 to vector<16xf32>
        %parallel_loop3A_214 = arith.mulf %parallel_loop3A_211, %parallel_loop3A_213 : vector<16xf32>
        %parallel_loop3A_215 = arith.maximumf %parallel_loop3A_211, %parallel_loop3A_214 : vector<16xf32>
        %parallel_loop3A_216 = math.exp %parallel_loop3A_215 : vector<16xf32>
        %parallel_loop3A_217 = arith.index_cast %parallel_loop3A_202 : i32 to index
        %parallel_loop3A_218 = arith.constant 128 : index
        %parallel_loop3A_219 = tpu.vector_load %arg16[%parallel_loop3A_217, %parallel_loop3A_218] {strides = array<i32>} : memref<64x144xf32, #tpu.memory_space<vmem>>, vector<1x16xf32>,
        %parallel_loop3A_220 = vector.shape_cast %parallel_loop3A_219 : vector<1x16xf32> to vector<16xf32>
        %parallel_loop3A_221 = vector.shape_cast %parallel_loop3A_216 : vector<16xf32> to vector<1x16xf32>
        tpu.vector_store %arg16[%parallel_loop3A_217, %parallel_loop3A_218], %parallel_loop3A_221 {strides = array<i32>} : memref<64x144xf32, #tpu.memory_space<vmem>>, vector<1x16xf32>,
        %parallel_loop3A_222 = arith.index_cast %parallel_loop3A_202 : i32 to index
        %parallel_loop3A_223 = arith.constant 0 : index
        %parallel_loop3A_224 = tpu.vector_load %arg15[%parallel_loop3A_222, %parallel_loop3A_223] {strides = array<i32>} : memref<64x128xf32, #tpu.memory_space<vmem>>, vector<1x16xf32>,
        %parallel_loop3A_225 = vector.shape_cast %parallel_loop3A_224 : vector<1x16xf32> to vector<16xf32>
        %parallel_loop3A_226 = vector.extract_strided_slice %parallel_loop3A_216 {offsets = [0], sizes = [1], strides = [1]} : vector<16xf32> to vector<1xf32>
        %parallel_loop3A_227 = vector.extract %parallel_loop3A_226[0] : f32 from vector<1xf32>
        %parallel_loop3A_228 = vector.broadcast %parallel_loop3A_227 : f32 to vector<16xf32>
        %parallel_loop3A_229 = arith.mulf %parallel_loop3A_225, %parallel_loop3A_228 : vector<16xf32>
        %parallel_loop3A_230 = arith.index_cast %parallel_loop3A_202 : i32 to index
        %parallel_loop3A_231 = arith.constant 0 : index
        %parallel_loop3A_232 = tpu.vector_load %arg16[%parallel_loop3A_230, %parallel_loop3A_231] {strides = array<i32>} : memref<64x144xf32, #tpu.memory_space<vmem>>, vector<1x16xf32>,
        %parallel_loop3A_233 = vector.shape_cast %parallel_loop3A_232 : vector<1x16xf32> to vector<16xf32>
        %parallel_loop3A_234 = vector.shape_cast %parallel_loop3A_229 : vector<16xf32> to vector<1x16xf32>
        tpu.vector_store %arg16[%parallel_loop3A_230, %parallel_loop3A_231], %parallel_loop3A_234 {strides = array<i32>} : memref<64x144xf32, #tpu.memory_space<vmem>>, vector<1x16xf32>,
        %parallel_loop3A_235 = arith.index_cast %parallel_loop3A_202 : i32 to index
        %parallel_loop3A_236 = arith.constant 16 : index
        %parallel_loop3A_237 = tpu.vector_load %arg15[%parallel_loop3A_235, %parallel_loop3A_236] {strides = array<i32>} : memref<64x128xf32, #tpu.memory_space<vmem>>, vector<1x16xf32>,
        %parallel_loop3A_238 = vector.shape_cast %parallel_loop3A_237 : vector<1x16xf32> to vector<16xf32>
        %parallel_loop3A_239 = vector.extract_strided_slice %parallel_loop3A_216 {offsets = [1], sizes = [1], strides = [1]} : vector<16xf32> to vector<1xf32>
        %parallel_loop3A_240 = vector.extract %parallel_loop3A_239[0] : f32 from vector<1xf32>
        %parallel_loop3A_241 = vector.broadcast %parallel_loop3A_240 : f32 to vector<16xf32>
        %parallel_loop3A_242 = arith.mulf %parallel_loop3A_238, %parallel_loop3A_241 : vector<16xf32>
        %parallel_loop3A_243 = arith.index_cast %parallel_loop3A_202 : i32 to index
        %parallel_loop3A_244 = arith.constant 16 : index
        %parallel_loop3A_245 = tpu.vector_load %arg16[%parallel_loop3A_243, %parallel_loop3A_244] {strides = array<i32>} : memref<64x144xf32, #tpu.memory_space<vmem>>, vector<1x16xf32>,
        %parallel_loop3A_246 = vector.shape_cast %parallel_loop3A_245 : vector<1x16xf32> to vector<16xf32>
        %parallel_loop3A_247 = vector.shape_cast %parallel_loop3A_242 : vector<16xf32> to vector<1x16xf32>
        tpu.vector_store %arg16[%parallel_loop3A_243, %parallel_loop3A_244], %parallel_loop3A_247 {strides = array<i32>} : memref<64x144xf32, #tpu.memory_space<vmem>>, vector<1x16xf32>,
        %parallel_loop3A_248 = arith.index_cast %parallel_loop3A_202 : i32 to index
        %parallel_loop3A_249 = arith.constant 32 : index
        %parallel_loop3A_250 = tpu.vector_load %arg15[%parallel_loop3A_248, %parallel_loop3A_249] {strides = array<i32>} : memref<64x128xf32, #tpu.memory_space<vmem>>, vector<1x16xf32>,
        %parallel_loop3A_251 = vector.shape_cast %parallel_loop3A_250 : vector<1x16xf32> to vector<16xf32>
        %parallel_loop3A_252 = vector.extract_strided_slice %parallel_loop3A_216 {offsets = [2], sizes = [1], strides = [1]} : vector<16xf32> to vector<1xf32>
        %parallel_loop3A_253 = vector.extract %parallel_loop3A_252[0] : f32 from vector<1xf32>
        %parallel_loop3A_254 = vector.broadcast %parallel_loop3A_253 : f32 to vector<16xf32>
        %parallel_loop3A_255 = arith.mulf %parallel_loop3A_251, %parallel_loop3A_254 : vector<16xf32>
        %parallel_loop3A_256 = arith.index_cast %parallel_loop3A_202 : i32 to index
        %parallel_loop3A_257 = arith.constant 32 : index
        %parallel_loop3A_258 = tpu.vector_load %arg16[%parallel_loop3A_256, %parallel_loop3A_257] {strides = array<i32>} : memref<64x144xf32, #tpu.memory_space<vmem>>, vector<1x16xf32>,
        %parallel_loop3A_259 = vector.shape_cast %parallel_loop3A_258 : vector<1x16xf32> to vector<16xf32>
        %parallel_loop3A_260 = vector.shape_cast %parallel_loop3A_255 : vector<16xf32> to vector<1x16xf32>
        tpu.vector_store %arg16[%parallel_loop3A_256, %parallel_loop3A_257], %parallel_loop3A_260 {strides = array<i32>} : memref<64x144xf32, #tpu.memory_space<vmem>>, vector<1x16xf32>,
        %parallel_loop3A_261 = arith.index_cast %parallel_loop3A_202 : i32 to index
        %parallel_loop3A_262 = arith.constant 48 : index
        %parallel_loop3A_263 = tpu.vector_load %arg15[%parallel_loop3A_261, %parallel_loop3A_262] {strides = array<i32>} : memref<64x128xf32, #tpu.memory_space<vmem>>, vector<1x16xf32>,
        %parallel_loop3A_264 = vector.shape_cast %parallel_loop3A_263 : vector<1x16xf32> to vector<16xf32>
        %parallel_loop3A_265 = vector.extract_strided_slice %parallel_loop3A_216 {offsets = [3], sizes = [1], strides = [1]} : vector<16xf32> to vector<1xf32>
        %parallel_loop3A_266 = vector.extract %parallel_loop3A_265[0] : f32 from vector<1xf32>
        %parallel_loop3A_267 = vector.broadcast %parallel_loop3A_266 : f32 to vector<16xf32>
        %parallel_loop3A_268 = arith.mulf %parallel_loop3A_264, %parallel_loop3A_267 : vector<16xf32>
        %parallel_loop3A_269 = arith.index_cast %parallel_loop3A_202 : i32 to index
        %parallel_loop3A_270 = arith.constant 48 : index
        %parallel_loop3A_271 = tpu.vector_load %arg16[%parallel_loop3A_269, %parallel_loop3A_270] {strides = array<i32>} : memref<64x144xf32, #tpu.memory_space<vmem>>, vector<1x16xf32>,
        %parallel_loop3A_272 = vector.shape_cast %parallel_loop3A_271 : vector<1x16xf32> to vector<16xf32>
        %parallel_loop3A_273 = vector.shape_cast %parallel_loop3A_268 : vector<16xf32> to vector<1x16xf32>
        tpu.vector_store %arg16[%parallel_loop3A_269, %parallel_loop3A_270], %parallel_loop3A_273 {strides = array<i32>} : memref<64x144xf32, #tpu.memory_space<vmem>>, vector<1x16xf32>,
        %parallel_loop3A_274 = arith.index_cast %parallel_loop3A_202 : i32 to index
        %parallel_loop3A_275 = arith.constant 64 : index
        %parallel_loop3A_276 = tpu.vector_load %arg15[%parallel_loop3A_274, %parallel_loop3A_275] {strides = array<i32>} : memref<64x128xf32, #tpu.memory_space<vmem>>, vector<1x16xf32>,
        %parallel_loop3A_277 = vector.shape_cast %parallel_loop3A_276 : vector<1x16xf32> to vector<16xf32>
        %parallel_loop3A_278 = vector.extract_strided_slice %parallel_loop3A_216 {offsets = [4], sizes = [1], strides = [1]} : vector<16xf32> to vector<1xf32>
        %parallel_loop3A_279 = vector.extract %parallel_loop3A_278[0] : f32 from vector<1xf32>
        %parallel_loop3A_280 = vector.broadcast %parallel_loop3A_279 : f32 to vector<16xf32>
        %parallel_loop3A_281 = arith.mulf %parallel_loop3A_277, %parallel_loop3A_280 : vector<16xf32>
        %parallel_loop3A_282 = arith.index_cast %parallel_loop3A_202 : i32 to index
        %parallel_loop3A_283 = arith.constant 64 : index
        %parallel_loop3A_284 = tpu.vector_load %arg16[%parallel_loop3A_282, %parallel_loop3A_283] {strides = array<i32>} : memref<64x144xf32, #tpu.memory_space<vmem>>, vector<1x16xf32>,
        %parallel_loop3A_285 = vector.shape_cast %parallel_loop3A_284 : vector<1x16xf32> to vector<16xf32>
        %parallel_loop3A_286 = vector.shape_cast %parallel_loop3A_281 : vector<16xf32> to vector<1x16xf32>
        tpu.vector_store %arg16[%parallel_loop3A_282, %parallel_loop3A_283], %parallel_loop3A_286 {strides = array<i32>} : memref<64x144xf32, #tpu.memory_space<vmem>>, vector<1x16xf32>,
        %parallel_loop3A_287 = arith.index_cast %parallel_loop3A_202 : i32 to index
        %parallel_loop3A_288 = arith.constant 80 : index
        %parallel_loop3A_289 = tpu.vector_load %arg15[%parallel_loop3A_287, %parallel_loop3A_288] {strides = array<i32>} : memref<64x128xf32, #tpu.memory_space<vmem>>, vector<1x16xf32>,
        %parallel_loop3A_290 = vector.shape_cast %parallel_loop3A_289 : vector<1x16xf32> to vector<16xf32>
        %parallel_loop3A_291 = vector.extract_strided_slice %parallel_loop3A_216 {offsets = [5], sizes = [1], strides = [1]} : vector<16xf32> to vector<1xf32>
        %parallel_loop3A_292 = vector.extract %parallel_loop3A_291[0] : f32 from vector<1xf32>
        %parallel_loop3A_293 = vector.broadcast %parallel_loop3A_292 : f32 to vector<16xf32>
        %parallel_loop3A_294 = arith.mulf %parallel_loop3A_290, %parallel_loop3A_293 : vector<16xf32>
        %parallel_loop3A_295 = arith.index_cast %parallel_loop3A_202 : i32 to index
        %parallel_loop3A_296 = arith.constant 80 : index
        %parallel_loop3A_297 = tpu.vector_load %arg16[%parallel_loop3A_295, %parallel_loop3A_296] {strides = array<i32>} : memref<64x144xf32, #tpu.memory_space<vmem>>, vector<1x16xf32>,
        %parallel_loop3A_298 = vector.shape_cast %parallel_loop3A_297 : vector<1x16xf32> to vector<16xf32>
        %parallel_loop3A_299 = vector.shape_cast %parallel_loop3A_294 : vector<16xf32> to vector<1x16xf32>
        tpu.vector_store %arg16[%parallel_loop3A_295, %parallel_loop3A_296], %parallel_loop3A_299 {strides = array<i32>} : memref<64x144xf32, #tpu.memory_space<vmem>>, vector<1x16xf32>,
        %parallel_loop3A_300 = arith.index_cast %parallel_loop3A_202 : i32 to index
        %parallel_loop3A_301 = arith.constant 96 : index
        %parallel_loop3A_302 = tpu.vector_load %arg15[%parallel_loop3A_300, %parallel_loop3A_301] {strides = array<i32>} : memref<64x128xf32, #tpu.memory_space<vmem>>, vector<1x16xf32>,
        %parallel_loop3A_303 = vector.shape_cast %parallel_loop3A_302 : vector<1x16xf32> to vector<16xf32>
        %parallel_loop3A_304 = vector.extract_strided_slice %parallel_loop3A_216 {offsets = [6], sizes = [1], strides = [1]} : vector<16xf32> to vector<1xf32>
        %parallel_loop3A_305 = vector.extract %parallel_loop3A_304[0] : f32 from vector<1xf32>
        %parallel_loop3A_306 = vector.broadcast %parallel_loop3A_305 : f32 to vector<16xf32>
        %parallel_loop3A_307 = arith.mulf %parallel_loop3A_303, %parallel_loop3A_306 : vector<16xf32>
        %parallel_loop3A_308 = arith.index_cast %parallel_loop3A_202 : i32 to index
        %parallel_loop3A_309 = arith.constant 96 : index
        %parallel_loop3A_310 = tpu.vector_load %arg16[%parallel_loop3A_308, %parallel_loop3A_309] {strides = array<i32>} : memref<64x144xf32, #tpu.memory_space<vmem>>, vector<1x16xf32>,
        %parallel_loop3A_311 = vector.shape_cast %parallel_loop3A_310 : vector<1x16xf32> to vector<16xf32>
        %parallel_loop3A_312 = vector.shape_cast %parallel_loop3A_307 : vector<16xf32> to vector<1x16xf32>
        tpu.vector_store %arg16[%parallel_loop3A_308, %parallel_loop3A_309], %parallel_loop3A_312 {strides = array<i32>} : memref<64x144xf32, #tpu.memory_space<vmem>>, vector<1x16xf32>,
        %parallel_loop3A_313 = arith.index_cast %parallel_loop3A_202 : i32 to index
        %parallel_loop3A_314 = arith.constant 112 : index
        %parallel_loop3A_315 = tpu.vector_load %arg15[%parallel_loop3A_313, %parallel_loop3A_314] {strides = array<i32>} : memref<64x128xf32, #tpu.memory_space<vmem>>, vector<1x16xf32>,
        %parallel_loop3A_316 = vector.shape_cast %parallel_loop3A_315 : vector<1x16xf32> to vector<16xf32>
        %parallel_loop3A_317 = vector.extract_strided_slice %parallel_loop3A_216 {offsets = [7], sizes = [1], strides = [1]} : vector<16xf32> to vector<1xf32>
        %parallel_loop3A_318 = vector.extract %parallel_loop3A_317[0] : f32 from vector<1xf32>
        %parallel_loop3A_319 = vector.broadcast %parallel_loop3A_318 : f32 to vector<16xf32>
        %parallel_loop3A_320 = arith.mulf %parallel_loop3A_316, %parallel_loop3A_319 : vector<16xf32>
        %parallel_loop3A_321 = arith.index_cast %parallel_loop3A_202 : i32 to index
        %parallel_loop3A_322 = arith.constant 112 : index
        %parallel_loop3A_323 = tpu.vector_load %arg16[%parallel_loop3A_321, %parallel_loop3A_322] {strides = array<i32>} : memref<64x144xf32, #tpu.memory_space<vmem>>, vector<1x16xf32>,
        %parallel_loop3A_324 = vector.shape_cast %parallel_loop3A_323 : vector<1x16xf32> to vector<16xf32>
        %parallel_loop3A_325 = vector.shape_cast %parallel_loop3A_320 : vector<16xf32> to vector<1x16xf32>
        tpu.vector_store %arg16[%parallel_loop3A_321, %parallel_loop3A_322], %parallel_loop3A_325 {strides = array<i32>} : memref<64x144xf32, #tpu.memory_space<vmem>>, vector<1x16xf32>,
      } {sc.loop_unroll_factor = 4 : i64, sc.parallel_access}
      %run_scoped3A_201 = arith.constant 0 : i32
      "tpu.region"() ({
        %run_scoped3A_202 = tpu.sem_alloc : memref<!tpu.dma_semaphore, #tpu.memory_space<semaphore_mem>>
        %dma_start3A_203 = arith.constant 0 : i32
        %dma_start3A_204 = tpu.memref_slice %arg12[%run_scoped3A_201, %dma_start3A_203] : memref<2x64xi32, #tpu.memory_space<vmem>> -> memref<1x64xi32, #tpu.memory_space<vmem>>
        %dma_start3A_205 = tpu.memref_squeeze %dma_start3A_204 : memref<1x64xi32, #tpu.memory_space<vmem>> -> memref<64xi32, #tpu.memory_space<vmem>>
        %dma_start3A_206 = arith.constant 0 : i32
        %dma_start3A_207 = arith.constant 0 : i32
        %dma_start3A_208 = tpu.memref_slice %arg17[%dma_start3A_206, %dma_start3A_207] : memref<10016x144xf32, #tpu.memory_space<vmem_shared>> -> memref<10016x144xf32, #tpu.memory_space<vmem_shared>>
        tpu.enqueue_indirect_dma source(%arg16 : memref<64x144xf32, #tpu.memory_space<vmem>>) target(%dma_start3A_208 : memref<10016x144xf32, #tpu.memory_space<vmem_shared>>) offsets(%dma_start3A_205 : memref<64xi32, #tpu.memory_space<vmem>>) semaphore(%run_scoped3A_202 : memref<!tpu.dma_semaphore, #tpu.memory_space<semaphore_mem>>) {add = true}
        %dma_wait3A_209 = arith.constant 0 : i32
        %dma_wait3A_210 = tpu.memref_slice %arg12[%run_scoped3A_201, %dma_wait3A_209] : memref<2x64xi32, #tpu.memory_space<vmem>> -> memref<1x64xi32, #tpu.memory_space<vmem>>
        %dma_wait3A_211 = tpu.memref_squeeze %dma_wait3A_210 : memref<1x64xi32, #tpu.memory_space<vmem>> -> memref<64xi32, #tpu.memory_space<vmem>>
        %dma_wait3A_212 = arith.constant 0 : i32
        %dma_wait3A_213 = arith.constant 0 : i32
        %dma_wait3A_214 = tpu.memref_slice %arg17[%dma_wait3A_212, %dma_wait3A_213] : memref<10016x144xf32, #tpu.memory_space<vmem_shared>> -> memref<10016x144xf32, #tpu.memory_space<vmem_shared>>
        tpu.wait_indirect_dma semaphore(%run_scoped3A_202 : memref<!tpu.dma_semaphore, #tpu.memory_space<semaphore_mem>>) src(%arg16 : memref<64x144xf32, #tpu.memory_space<vmem>>) dst(%dma_wait3A_214 : memref<10016x144xf32, #tpu.memory_space<vmem_shared>>)
        tpu.yield
      }) : () -> ()
    }
    %scan3A_59 = arith.constant 81 : i32
    %dma_wait3A = arith.constant 1 : i32
    %dma_wait3A_60 = arith.constant 0 : i32
    %dma_wait3A_61 = tpu.memref_slice %arg8[%dma_wait3A, %dma_wait3A_60] : memref<2x64xi32, #tpu.memory_space<vmem>> -> memref<1x64xi32, #tpu.memory_space<vmem>>
    %dma_wait3A_62 = tpu.memref_squeeze %dma_wait3A_61 : memref<1x64xi32, #tpu.memory_space<vmem>> -> memref<64xi32, #tpu.memory_space<vmem>>
    %dma_wait3A_63 = arith.constant 0 : i32
    %dma_wait3A_64 = arith.constant 0 : i32
    %dma_wait3A_65 = tpu.memref_slice %arg4[%dma_wait3A_63, %dma_wait3A_64] : memref<10000x128xf32, #tpu.memory_space<hbm>> -> memref<10000x128xf32, #tpu.memory_space<hbm>>
    tpu.wait_indirect_dma semaphore(%arg18 : memref<!tpu.dma_semaphore, #tpu.memory_space<semaphore_mem>>) src(%dma_wait3A_65 : memref<10000x128xf32, #tpu.memory_space<hbm>>) dst(%arg11 : memref<64x128xf32, #tpu.memory_space<vmem>>)
    %dma_wait3A_66 = arith.constant 0 : i32
    %dma_wait3A_67 = arith.constant 0 : i32
    %dma_wait3A_68 = tpu.memref_slice %arg8[%dma_wait3A_66, %dma_wait3A_67] : memref<2x64xi32, #tpu.memory_space<vmem>> -> memref<1x64xi32, #tpu.memory_space<vmem>>
    %dma_wait3A_69 = tpu.memref_squeeze %dma_wait3A_68 : memref<1x64xi32, #tpu.memory_space<vmem>> -> memref<64xi32, #tpu.memory_space<vmem>>
    %dma_wait3A_70 = arith.constant 0 : i32
    %dma_wait3A_71 = arith.constant 0 : i32
    %dma_wait3A_72 = tpu.memref_slice %arg5[%dma_wait3A_70, %dma_wait3A_71] : memref<10001x16xf32, #tpu.memory_space<hbm>> -> memref<10001x16xf32, #tpu.memory_space<hbm>>
    tpu.wait_indirect_dma semaphore(%arg18 : memref<!tpu.dma_semaphore, #tpu.memory_space<semaphore_mem>>) src(%dma_wait3A_72 : memref<10001x16xf32, #tpu.memory_space<hbm>>) dst(%arg9 : memref<64x16xf32, #tpu.memory_space<vmem>>)
    %dma_wait3A_73 = arith.constant 1 : i32
    %dma_wait3A_74 = arith.constant 0 : i32
    %dma_wait3A_75 = tpu.memref_slice %arg8[%dma_wait3A_73, %dma_wait3A_74] : memref<2x64xi32, #tpu.memory_space<vmem>> -> memref<1x64xi32, #tpu.memory_space<vmem>>
    %dma_wait3A_76 = tpu.memref_squeeze %dma_wait3A_75 : memref<1x64xi32, #tpu.memory_space<vmem>> -> memref<64xi32, #tpu.memory_space<vmem>>
    %dma_wait3A_77 = arith.constant 0 : i32
    %dma_wait3A_78 = arith.constant 0 : i32
    %dma_wait3A_79 = tpu.memref_slice %arg6[%dma_wait3A_77, %dma_wait3A_78] : memref<10001x16xf32, #tpu.memory_space<hbm>> -> memref<10001x16xf32, #tpu.memory_space<hbm>>
    tpu.wait_indirect_dma semaphore(%arg18 : memref<!tpu.dma_semaphore, #tpu.memory_space<semaphore_mem>>) src(%dma_wait3A_79 : memref<10001x16xf32, #tpu.memory_space<hbm>>) dst(%arg10 : memref<64x16xf32, #tpu.memory_space<vmem>>)
    %barrier3A_80 = arith.constant 0 : index
    tpu.barrier barrier_id(%barrier3A_80)
    "tpu.region"() ({
      %run_scoped3A_81 = tpu.sem_alloc : memref<!tpu.dma_semaphore, #tpu.memory_space<semaphore_mem>>
      %dma_start3A_82 = arith.constant 0 : i32
      %dma_start3A_83 = tpu.memref_slice %arg7[%arg0, %mul3A_8, %dma_start3A_82] : memref<2x10016x144xf32, #tpu.memory_space<hbm>> -> memref<1x626x144xf32, #tpu.memory_space<hbm>>
      %dma_start3A_84 = tpu.memref_squeeze %dma_start3A_83 : memref<1x626x144xf32, #tpu.memory_space<hbm>> -> memref<626x144xf32, #tpu.memory_space<hbm>>
      %dma_start3A_85 = arith.constant 0 : i32
      %dma_start3A_86 = tpu.memref_slice %arg17[%mul3A_8, %dma_start3A_85] : memref<10016x144xf32, #tpu.memory_space<vmem_shared>> -> memref<626x144xf32, #tpu.memory_space<vmem_shared>>
      tpu.enqueue_dma source(%dma_start3A_86 : memref<626x144xf32, #tpu.memory_space<vmem_shared>>) target(%dma_start3A_84 : memref<626x144xf32, #tpu.memory_space<hbm>>) target_semaphore(%run_scoped3A_81 : memref<!tpu.dma_semaphore, #tpu.memory_space<semaphore_mem>>)
      %dma_wait3A_87 = arith.constant 0 : i32
      %dma_wait3A_88 = tpu.memref_slice %arg7[%arg0, %mul3A_8, %dma_wait3A_87] : memref<2x10016x144xf32, #tpu.memory_space<hbm>> -> memref<1x626x144xf32, #tpu.memory_space<hbm>>
      %dma_wait3A_89 = tpu.memref_squeeze %dma_wait3A_88 : memref<1x626x144xf32, #tpu.memory_space<hbm>> -> memref<626x144xf32, #tpu.memory_space<hbm>>
      %dma_wait3A_90 = arith.constant 0 : i32
      %dma_wait3A_91 = tpu.memref_slice %arg17[%mul3A_8, %dma_wait3A_90] : memref<10016x144xf32, #tpu.memory_space<vmem_shared>> -> memref<626x144xf32, #tpu.memory_space<vmem_shared>>
      tpu.wait_dma2 semaphore(%run_scoped3A_81 : memref<!tpu.dma_semaphore, #tpu.memory_space<semaphore_mem>>) src(%dma_wait3A_91 : memref<626x144xf32, #tpu.memory_space<vmem_shared>>) dst(%dma_wait3A_89 : memref<626x144xf32, #tpu.memory_space<hbm>>)
      tpu.yield
    }) : () -> ()
    return
  }
}

module attributes {stable_mosaic.version = 14 : i64} {
  func.func @_front_body(%arg0: i32, %arg1: memref<1000x128xf32, #tpu.memory_space<vmem>>, %arg2: memref<128x128xf32, #tpu.memory_space<vmem>>, %arg3: memref<128x16xf32, #tpu.memory_space<vmem>>, %arg4: memref<1000x128xf32, #tpu.memory_space<vmem>>, %arg5: memref<1000x16xf32, #tpu.memory_space<vmem>>) attributes {dimension_semantics = [#tpu.dimension_semantics<arbitrary>], iteration_bounds = array<i64: 10>, scalar_prefetch = 0 : i64, scratch_operands = 0 : i64, tpu.core_type = #tpu.core_type<tc>, window_params = [{transform_indices = @transform_0, window_bounds = array<i64: 1000, 128>}, {pipeline_mode = #tpu.pipeline_mode<synchronous>, transform_indices = @transform_1, window_bounds = array<i64: 128, 128>}, {pipeline_mode = #tpu.pipeline_mode<synchronous>, transform_indices = @transform_2, window_bounds = array<i64: 128, 16>}, {transform_indices = @transform_3, window_bounds = array<i64: 1000, 128>}, {transform_indices = @transform_4, window_bounds = array<i64: 1000, 16>}]} {
    %get3A = arith.constant 0 : index
    %get3A_0 = arith.constant 0 : index
    %get3A_1 = vector.load %arg1[%get3A, %get3A_0] : memref<1000x128xf32, #tpu.memory_space<vmem>>, vector<1000x128xf32>
    %get3A_2 = arith.constant 0 : index
    %get3A_3 = arith.constant 0 : index
    %get3A_4 = vector.load %arg2[%get3A_2, %get3A_3] : memref<128x128xf32, #tpu.memory_space<vmem>>, vector<128x128xf32>
    %dot_general3A = arith.constant dense<0.000000e+00> : vector<1000x128xf32>
    %dot_general3A_5 = tpu.matmul %get3A_1, %get3A_4, %dot_general3A {dimension_numbers = #tpu.dot_dimension_numbers<[1], [1], [0], [0], [0, 0, 1, 0], [], []>, transpose_lhs_hint = false} : vector<1000x128xf32>, vector<128x128xf32>, vector<1000x128xf32> -> vector<1000x128xf32>
    %swap3A = arith.constant 0 : index
    %swap3A_6 = arith.constant 0 : index
    %swap3A_7 = vector.load %arg4[%swap3A, %swap3A_6] : memref<1000x128xf32, #tpu.memory_space<vmem>>, vector<1000x128xf32>
    tpu.vector_store %arg4[%swap3A, %swap3A_6], %dot_general3A_5 {strides = array<i32>} : memref<1000x128xf32, #tpu.memory_space<vmem>>, vector<1000x128xf32>,
    %get3A_8 = arith.constant 0 : index
    %get3A_9 = arith.constant 0 : index
    %get3A_10 = vector.load %arg3[%get3A_8, %get3A_9] : memref<128x16xf32, #tpu.memory_space<vmem>>, vector<128x16xf32>
    %dot_general3A_11 = arith.constant dense<0.000000e+00> : vector<1000x16xf32>
    %dot_general3A_12 = tpu.matmul %dot_general3A_5, %get3A_10, %dot_general3A_11 {dimension_numbers = #tpu.dot_dimension_numbers<[1], [0], [0], [1], [0, 0, 1, 1], [], []>, transpose_lhs_hint = false} : vector<1000x128xf32>, vector<128x16xf32>, vector<1000x16xf32> -> vector<1000x16xf32>
    %swap3A_13 = arith.constant 0 : index
    %swap3A_14 = arith.constant 0 : index
    %swap3A_15 = vector.load %arg5[%swap3A_13, %swap3A_14] : memref<1000x16xf32, #tpu.memory_space<vmem>>, vector<1000x16xf32>
    tpu.vector_store %arg5[%swap3A_13, %swap3A_14], %dot_general3A_12 {strides = array<i32>} : memref<1000x16xf32, #tpu.memory_space<vmem>>, vector<1000x16xf32>,
    return
  }
  func.func @transform_0(%arg0: i32) -> (i32, i32) {
    %c0_i32 = arith.constant 0 : i32
    %c0_i32_0 = arith.constant 0 : i32
    return %arg0, %c0_i32 : i32, i32
  }
  func.func @transform_1(%arg0: i32) -> (i32, i32) {
    %c0_i32 = arith.constant 0 : i32
    %c0_i32_0 = arith.constant 0 : i32
    %c0_i32_1 = arith.constant 0 : i32
    return %c0_i32, %c0_i32_0 : i32, i32
  }
  func.func @transform_2(%arg0: i32) -> (i32, i32) {
    %c0_i32 = arith.constant 0 : i32
    %c0_i32_0 = arith.constant 0 : i32
    %c0_i32_1 = arith.constant 0 : i32
    return %c0_i32, %c0_i32_0 : i32, i32
  }
  func.func @transform_3(%arg0: i32) -> (i32, i32) {
    %c0_i32 = arith.constant 0 : i32
    %c0_i32_0 = arith.constant 0 : i32
    return %arg0, %c0_i32 : i32, i32
  }
  func.func @transform_4(%arg0: i32) -> (i32, i32) {
    %c0_i32 = arith.constant 0 : i32
    %c0_i32_0 = arith.constant 0 : i32
    return %arg0, %c0_i32 : i32, i32
  }
}

module attributes {stable_mosaic.version = 14 : i64} {
  func.func @_combine_body(%arg0: i32, %arg1: memref<2x256x144xf32, #tpu.memory_space<vmem>>, %arg2: memref<256x128xf32, #tpu.memory_space<vmem>>) attributes {dimension_semantics = [#tpu.dimension_semantics<arbitrary>], iteration_bounds = array<i64: 40>, scalar_prefetch = 0 : i64, scratch_operands = 0 : i64, tpu.core_type = #tpu.core_type<tc>, window_params = [{transform_indices = @transform_0, window_bounds = array<i64: 2, 256, 144>}, {transform_indices = @transform_1, window_bounds = array<i64: 256, 128>}]} {
    %get3A = arith.constant 0 : index
    %get3A_0 = arith.constant 0 : index
    %get3A_1 = arith.constant 0 : index
    %get3A_2 = vector.load %arg1[%get3A, %get3A_0, %get3A_1] : memref<2x256x144xf32, #tpu.memory_space<vmem>>, vector<1x256x144xf32>
    %get3A_3 = vector.shape_cast %get3A_2 : vector<1x256x144xf32> to vector<256x144xf32>
    %get3A_4 = arith.constant 1 : index
    %get3A_5 = arith.constant 0 : index
    %get3A_6 = arith.constant 0 : index
    %get3A_7 = vector.load %arg1[%get3A_4, %get3A_5, %get3A_6] : memref<2x256x144xf32, #tpu.memory_space<vmem>>, vector<1x256x144xf32>
    %get3A_8 = vector.shape_cast %get3A_7 : vector<1x256x144xf32> to vector<256x144xf32>
    %add3A = arith.addf %get3A_3, %get3A_8 : vector<256x144xf32>
    %slice3A = vector.extract_strided_slice %add3A {offsets = [0, 0], sizes = [256, 128], strides = [1, 1]} : vector<256x144xf32> to vector<256x128xf32>
    %slice3A_9 = vector.extract_strided_slice %add3A {offsets = [0, 128], sizes = [256, 8], strides = [1, 1]} : vector<256x144xf32> to vector<256x8xf32>
    %broadcast_in_dim3A = vector.shape_cast %slice3A_9 : vector<256x8xf32> to vector<256x8x1xf32>
    %broadcast_in_dim3A_10 = vector.shape_cast %broadcast_in_dim3A : vector<256x8x1xf32> to vector<256x8x1xf32>
    %broadcast_in_dim3A_11 = vector.broadcast %broadcast_in_dim3A_10 : vector<256x8x1xf32> to vector<256x8x16xf32>
    %reshape3A = vector.shape_cast %broadcast_in_dim3A_11 : vector<256x8x16xf32> to vector<256x128xf32>
    %div3A = arith.divf %slice3A, %reshape3A : vector<256x128xf32>
    %swap3A = arith.constant 0 : index
    %swap3A_12 = arith.constant 0 : index
    %swap3A_13 = vector.load %arg2[%swap3A, %swap3A_12] : memref<256x128xf32, #tpu.memory_space<vmem>>, vector<256x128xf32>
    tpu.vector_store %arg2[%swap3A, %swap3A_12], %div3A {strides = array<i32>} : memref<256x128xf32, #tpu.memory_space<vmem>>, vector<256x128xf32>,
    return
  }
  func.func @transform_0(%arg0: i32) -> (i32, i32, i32) {
    %c0_i32 = arith.constant 0 : i32
    %c0_i32_0 = arith.constant 0 : i32
    %c0_i32_1 = arith.constant 0 : i32
    return %c0_i32, %arg0, %c0_i32_0 : i32, i32, i32
  }
  func.func @transform_1(%arg0: i32) -> (i32, i32) {
    %c0_i32 = arith.constant 0 : i32
    %c0_i32_0 = arith.constant 0 : i32
    return %arg0, %c0_i32 : i32, i32
  }
}

</mosaic_0001>

<sc_bundles>
// kernel: kernel.5.cloned.1.call-start
scs
__scs_entry_jumppad:
0x0: {  	(pc) =	sbr.rel $0x88, $3  }
0x1: {  	(tag) =	ssettag $0x0;
	lr =	simm.s32 $0x1  }
0x2: {  	[smem:$0x3F9C] =	sst lr;
	_ =	strace $0xD0000000  }
0x3: {  	_ = 	snop  }
0x4: {  	_ = 	snop  }
0x5: {  	_ = 	snop  }
0x6: {  	_ = 	snop  }
0x7: {  	_ = 	snop  }
__scs_overlays_trampoline_lowered:
0x8: {  	[smem:$0x3FAB] =	sst s0  }
0x9: {  	[smem:$0x3FAC] =	sst s1  }
0xa: {  	[smem:$0x3FAD] =	sst s2  }
0xb: {  	[smem:$0x3FAE] =	sst s3  }
0xc: {  	[smem:$0x3FAF] =	sst s4  }
0xd: {  	[smem:$0x3FB0] =	sst s5  }
0xe: {  	[smem:$0x3FB1] =	sst s6  }
0xf: {  	[smem:$0x3FB2] =	sst s7  }
0x10: {  	[smem:$0x3FB3] =	sst s8  }
0x11: {  	[smem:$0x3FB4] =	sst s9;
	s0 =	simm.s32 @!p0 $0x0  }
0x12: {  	s1 =	sld [smem:$0x3F9A];
	s0 =	simm.s32 @p0 $0x1  }
0x13: {  	[smem:$0x3FB5] =	sst s0;
	s0 =	simm.s32 @!p1 $0x0  }
0x14: {  	s2 =	sld [smem:$0x3F99];
	s0 =	simm.s32 @p1 $0x1  }
0x15: {  	[smem:$0x3FB6] =	sst s0;
	s0 =	simm.s32 @!p2 $0x0  }
0x16: {  	s3 =	sld [smem:$0x3FDB];
	s0 =	simm.s32 @p2 $0x1  }
0x17: {  	s4 =	simm.s32 $0x1BF5;
	[smem:$0x3FB8] =	sst s0  }
0x18: {  	s0 =	sld [smem:$0x3F9B];
	_ =	swait.ge [sflag:s4], $0x0  }
0x19: {  	s7 =	sld [smem:$0x3F9C]  }
0x1a: {  	s8 =	sadd.s32 $0xFFFFE003, lr  }
0x1b: {  	s9 =	sadd.s32 $0xFFFFFEF7, lr;
	s5 =	simm.s32 $0xFFFFFFFF;
	p2 =	slt.u32 s8, $0xFFFFF086  }
0x1c: {  	p1 =	slt.u32 s9, $0xF7A;
	s5 =	simm.s32 @!p2 $0x0  }
0x1d: {  	s5 =	simm.s32 @p1 $0x1;
	p0 =	seq.s32 s7, s2  }
0x1e: {  	s7 =	smul.u32 @!p0 $0xF7A, s2;
	p2 =	seq.s32 @!p0 s5, $0x0  }
0x1f: {  	s9 =	smul.u32 $0xF7A, s1;
	s8 =	simm.s32 @!p0 $0x1BF5;
	p2 =	por !p2, p0  }
0x20: {  	[sflag:s8] =	ssyncset.s32 @!p0 $0xFFFFF086;
	s6 =	sadd.s32 @!p0 s3, s7;
	s7 =	simm.s32 @!p0 $0x108  }
0x21: {  	s3 =	sadd.s32 s3, s9;
	s6 =	sadd.s32 @!p0 $0x88, s6;
	s7 =	simm.s32 @p2 $0x1082  }
0x22: {  	[simem:s7], [sflag:s8] =	dma.local @!p0 [hbm:s6], $0xF7A  }
0x23: {  	s9 =	sor.u32 $0xD0000000, s2;
	s6 =	simm.s32 $0x108;
	_ =	swait.ge @!p0 [sflag:s8], $0x0  }
0x24: {  	s3 =	sadd.s32 $0x88, s3;
	s6 =	simm.s32 @!p1 $0x1082;
	[sflag:s4] =	ssyncset.s32 $0xFFFFF086  }
0x25: {  	[simem:s6], [sflag:s4] =	dma.local [hbm:s3], $0xF7A  }
0x26: {  	[smem:$0x3F9C] =	sst s1;
	(tag) =	ssettag s2;
	_ =	strace s9  }
0x27: {  	s1 =	sld [smem:$0x3FAC]  }
0x28: {  	s2 =	sld [smem:$0x3FAD]  }
0x29: {  	s4 =	sld [smem:$0x3FAF]  }
0x2a: {  	p0 =	seq.s32 s5, $0x0;
	s5 =	sld [smem:$0x3FB0]  }
0x2b: {  	s6 =	sld [smem:$0x3FB1]  }
0x2c: {  	s7 =	sld [smem:$0x3FB2]  }
0x2d: {  	s3 =	simm.s32 $0x108;
	s8 =	sld [smem:$0x3FB3]  }
0x2e: {  	s3 =	simm.s32 @!p0 $0x1082;
	s9 =	sld [smem:$0x3FB4]  }
0x2f: {  	lr =	sadd.s32 s0, s3;
	s0 =	sld [smem:$0x3FAB]  }
0x30: {  	s3 =	sld [smem:$0x3FAE]  }
0x31: {  	[smem:$0x3FB7] =	sst s10  }
0x32: {  	s10 =	sld [smem:$0x3FB5];
	_ =	sdelay $0x3  }
0x33: {  	p0 =	seq.s32 s10, $0x1;
	s10 =	sld [smem:$0x3FB7];
	_ =	sdelay $0x3  }
0x34: {  	[smem:$0x3FB7] =	sst s10  }
0x35: {  	s10 =	sld [smem:$0x3FB6];
	_ =	sdelay $0x3  }
0x36: {  	p1 =	seq.s32 s10, $0x1;
	s10 =	sld [smem:$0x3FB7];
	_ =	sdelay $0x3  }
0x37: {  	[smem:$0x3FB7] =	sst s10  }
0x38: {  	s10 =	sld [smem:$0x3FB8]  }
0x39: {  	_ = 	snop;
	(pc) =	sbr.ind lr, $3  }
0x3a: {  	_ = 	snop  }
0x3b: {  	_ = 	snop  }
0x3c: {  	p2 =	seq.s32 s10, $0x1;
	s10 =	sld [smem:$0x3FB7]  }
0x3d: {  	_ =	shalt  }
0x3e: {  	_ =	shalt  }
0x3f: {  	_ =	shalt  }
0x40: {  	_ =	shalt  }
0x41: {  	_ =	shalt  }
0x42: {  	_ =	shalt  }
0x43: {  	_ =	shalt  }
0x44: {  	_ =	shalt  }
0x45: {  	_ =	shalt  }
0x46: {  	_ =	shalt  }
0x47: {  	_ =	shalt  }
0x48: {  	_ =	shalt  }
0x49: {  	_ =	shalt  }
0x4a: {  	_ =	shalt  }
0x4b: {  	_ =	shalt  }
0x4c: {  	_ =	shalt  }
0x4d: {  	_ =	shalt  }
0x4e: {  	_ =	shalt  }
0x4f: {  	_ =	shalt  }
0x50: {  	_ =	shalt  }
0x51: {  	_ =	shalt  }
0x52: {  	_ =	shalt  }
0x53: {  	_ =	shalt  }
0x54: {  	_ =	shalt  }
0x55: {  	_ =	shalt  }
0x56: {  	_ =	shalt  }
0x57: {  	_ =	shalt  }
0x58: {  	_ =	shalt  }
0x59: {  	_ =	shalt  }
0x5a: {  	_ =	shalt  }
0x5b: {  	_ =	shalt  }
0x5c: {  	_ =	shalt  }
0x5d: {  	_ =	shalt  }
0x5e: {  	_ =	shalt  }
0x5f: {  	_ =	shalt  }
0x60: {  	_ =	shalt  }
0x61: {  	_ =	shalt  }
0x62: {  	_ =	shalt  }
0x63: {  	_ =	shalt  }
0x64: {  	_ =	shalt  }
0x65: {  	_ =	shalt  }
0x66: {  	_ =	shalt  }
0x67: {  	_ =	shalt  }
0x68: {  	_ =	shalt  }
0x69: {  	_ =	shalt  }
0x6a: {  	_ =	shalt  }
0x6b: {  	_ =	shalt  }
0x6c: {  	_ =	shalt  }
0x6d: {  	_ =	shalt  }
0x6e: {  	_ =	shalt  }
0x6f: {  	_ =	shalt  }
0x70: {  	_ =	shalt  }
0x71: {  	_ =	shalt  }
0x72: {  	_ =	shalt  }
0x73: {  	_ =	shalt  }
0x74: {  	_ =	shalt  }
0x75: {  	_ =	shalt  }
0x76: {  	_ =	shalt  }
0x77: {  	_ =	shalt  }
0x78: {  	_ =	shalt  }
0x79: {  	_ =	shalt  }
0x7a: {  	_ =	shalt  }
0x7b: {  	_ =	shalt  }
0x7c: {  	_ =	shalt  }
0x7d: {  	_ =	shalt  }
0x7e: {  	_ =	shalt  }
0x7f: {  	_ =	shalt  }
0x80: {  	_ =	shalt  }
0x81: {  	_ =	shalt  }
0x82: {  	_ =	shalt  }
0x83: {  	_ =	shalt  }
0x84: {  	_ =	shalt  }
0x85: {  	_ =	shalt  }
0x86: {  	_ =	shalt  }
0x87: {  	_ =	shalt  }
.Lfunc_end0:
.L_simem_size_0:
called_computation_lowered:
.L_overlay_start_0:
0x88: {  	s2 =	sld [smem:$0x3FD9]  }
0x89: {  	s3 =	sld [smem:$0x3FFE];
	_ =	sdelay $0x1  }
0x8a: {  	s1 =	srdreg.scid  }
0x8b: {  	s0 =	sand.u32 $0x1, s1  }
0x8c: {  	s17 =	sshll.u32 s0, $0xA;
	s2 =	sadd.s32 s3, s2  }
0x8d: {  	s2 =	sadd.s32 s2, s17  }
0x8e: {  	[smem:$0x3FC3] =	sst s2  }
0x8f: {  	_ = 	snop  }
0x90: {  	s2 =	sld [smem:$0x3FD0];
	(tm) =	ssettm $0x1  }
0x91: {  	s18 =	sld [smem:$0x3FFB];
	_ =	sdelay $0x3  }
0x92: {  	_ =	strace s18  }
0x93: {  	s3 =	sld [smem:$0x3FFC];
	_ =	sdelay $0x3  }
0x94: {  	_ =	strace s3  }
0x95: {  	s3 =	sld [smem:$0x3FFD];
	_ =	sdelay $0x3  }
0x96: {  	_ =	strace s3  }
0x97: {  	_ =	strace $0x8FFFFFFF  }
0x98: {  	s19 =	sld [smem:$0x3FDB];
	_ =	sdelay $0x1  }
0x99: {  	s4 =	simm.s32 $_scs_section_size  }
0x9a: {  	s5 =	simm.s32 $_size__tile_overlayer_lowered;
	s6 =	simm.s32 $_tile_overlayer_lowered  }
0x9b: {  	s22 =	simm.s32 $0x1BFF;
	s21 =	sshll.u32 s6, $0x1;
	s3 =	sadd.s32 s4, s19  }
0x9c: {  	s7 =	simm.s32 $0x0;
	s20 =	sshll.u32 s5, $0x1;
	s5 =	sadd.s32 s21, s3  }
0x9d: {  	[timem:s7], [sflag:s22] =	dma.local [hbm:s5], s20  }
0x9e: {  	_ =	swait.ge [sflag:s22], s20  }
0x9f: {  	s4 =	ssub.s32 $0x0, s20;
	[sflag:s22] =	ssyncset.done $0x0  }
0xa0: {  	[sflag:s22] =	ssyncadd.s32 s4;
	_ =	sdelay $0x1  }
0xa1: {  	s23 =	simm.s32 $0x1B8B  }
0xa2: {  	_ =	swait.ge [sflag:s23], $0x1  }
0xa3: {  	[sflag:s23] =	ssyncset.done $0x0  }
0xa4: {  	s25 =	simm.s32 $0x1B8E;
	s24 =	sld [smem:$0x3FFE];
	[sflag:s23] =	ssyncadd.s32 $0xFFFFFFFF  }
0xa5: {  	s26 =	simm.s32 $execute0_lowered;
	[smem:$0x3FD2] =	sst s25  }
0xa6: {  	s5 =	sshll.u32 s26, $0x1;
	_ =	strace $0x80000046;
	[dreg:$0x1] =	wrdreg $0xFFFFFFFF  }
0xa7: {  	s28 =	simm.s32 $_size_execute0_lowered;
	s3 =	sadd.s32 s3, s5;
	[dreg:$0x0] =	wrdreg $0x0  }
0xa8: {  	s5 =	sshll.u32 s28, $0x1;
	[dreg:$0x2] =	wrdreg s3  }
0xa9: {  	[dreg:$0x3] =	wrdreg s5  }
0xaa: {  	[dreg:$0x4] =	wrdreg $0xC0  }
0xab: {  	_ =	task [dreg:s7], $0x5FFFF  }
0xac: {  	[dreg:$0x1] =	wrdreg $0xFFFFFFFF  }
0xad: {  	[dreg:$0x0] =	wrdreg $0x60  }
0xae: {  	[dreg:$0x2] =	wrdreg s24  }
0xaf: {  	[dreg:$0x3] =	wrdreg s2  }
0xb0: {  	[dreg:$0x4] =	wrdreg $0x75000  }
0xb1: {  	[dreg:$0x5] =	wrdreg $0x9  }
0xb2: {  	_ =	task.clear_ibuf [dreg:s7], $0x6FFFF;
	_ =	strace $0x90000046  }
0xb3: {  	s29 =	simm.s32 $0x9;
	_ =	strace $0x80000048  }
0xb4: {  	_ =	swait.ge [sflag:s29], $0x1  }
0xb5: {  	[sflag:s29] =	ssyncadd.s32 $0xFFFFFFFF  }
0xb6: {  	_ =	strace $0x90000048  }
0xb7: {  	_ =	sfence  }
0xb8: {  	s30 =	sld [smem:$0x0];
	_ =	sdelay $0x2  }
0xb9: {  	s31 =	sshll.u32 s1, $0xD;
	s1 =	sshrl.u32 s1, $0x2  }
0xba: {  	s3 =	sand.u32 $0x4000, s31;
	s1 =	sadd.s32 s1, s30  }
0xbb: {  	s0 =	sor.u32 s3, s0;
	s1 =	sshll.u32 s1, $0x11  }
0xbc: {  	s0 =	sor.u32 s1, s0  }
0xbd: {  	s0 =	sadd.s32 $0x8F2B, s0  }
0xbe: {  	[sflag:s0] =	ssyncadd.remote.s32 $0x1  }
0xbf: {  	_ =	sfence.sel $0xFFFF  }
0xc0: {  	[dreg:$0x0] =	wrdreg $0xFFFFFFFF;
	(pc) =	sbr.abs _section_cstart, $3  }
0xc1: {  	[dreg:$0x1] =	wrdreg $0xFFFFFFFF  }
0xc2: {  	_ =	task.clear_ibuf [dreg:s7], $0x2FFFF;
	_ =	strace $0x9FFFFFFF  }
0xc3: {  	(tm) =	ssettm $0x7FFFFFFF  }
tec
execute0_lowered:
.L_overlay_start_1:
0x0: {  	(tag) =	ssettag $0x1  }
0x1: {  	s0 =	rddreg [dreg:$0x0]  }
0x2: {  	s2 =	rddreg [dreg:$0x1]  }
0x3: {  	s3 =	rddreg [dreg:$0x2]  }
0x4: {  	s1 =	srdreg.scid;
	s13 =	stileid.u32;
	s4 =	simm.s32 $0x0  }
0x5: {  	s28 =	simm.s32 $0x40;
	s29 =	simm.s32 $0x880;
	s30 =	simm.s32 $0x80  }
0x6: {  	s31 =	simm.s32 $0x480;
	s1 =	sand.u32 $0x1, s1;
	s11 =	smul.u32 $0x58080, s13  }
0x7: {  	s9 =	smul.u32 $0x16020, s13;
	[smem:$0x7FF] =	sst s4;
	s5 =	sadd.s32 $0x14A00, s0  }
0x8: {  	s6 =	sadd.s32 $0xA800, s0;
	s7 =	sadd.s32 $0x800, s0;
	s11 =	sshrl.u32 s11, $0x2  }
0x9: {  	s15 =	sshll.u32 s13, $0x1;
	s8 =	smul.u32 $0x160200, s1;
	s11 =	sadd.s32 s11, s3  }
0xa: {  	_ =	strace $0x80000047;
	s12 =	ssub.s32 $0x2, s1;
	s16 =	sadd.s32 $0x2400, s11  }
0xb: {  	s1 =	sor.u32 s1, s15;
	s17 =	sadd.s32 $0x4800, s11;
	[dreg:$0x5] =	wrdreg s16  }
0xc: {  	s14 =	sshrl.u32 s12, $0x1;
	s18 =	sadd.s32 $0x6C00, s11;
	[dreg:$0x6] =	wrdreg s17  }
0xd: {  	s1 =	smul.u32 $0x2880, s1;
	s19 =	sadd.s32 $0x9000, s11;
	[dreg:$0x7] =	wrdreg s18  }
0xe: {  	s10 =	sadd.s32 s9, s8;
	s20 =	sadd.s32 $0xB400, s11;
	[dreg:$0x8] =	wrdreg s19  }
0xf: {  	s8 =	sadd.s32 $0x5800, s0;
	s21 =	sadd.s32 $0xD800, s11;
	[dreg:$0x9] =	wrdreg s20  }
0x10: {  	s10 =	sshrl.u32 s10, $0x3;
	s22 =	sadd.s32 $0xFC00, s11;
	[dreg:$0xa] =	wrdreg s21  }
0x11: {  	s23 =	sadd.s32 $0x12000, s11;
	s24 =	sshrl.u32 s1, $0x3;
	[dreg:$0xb] =	wrdreg s22  }
0x12: {  	s11 =	sadd.s32 $0x14400, s11;
	s0 =	sadd.s32 s10, s0;
	[dreg:$0xc] =	wrdreg s23  }
0x13: {  	s10 =	ssub.s32 s12, s14;
	s12 =	sadd.s32 s9, s3;
	[dreg:$0xd] =	wrdreg s11  }
0x14: {  	s25 =	sadd.s32 s5, s24;
	s9 =	sadd.s32 s6, s24;
	s21 =	sor.u32 $0x40, s1  }
0x15: {  	s22 =	sadd.s32 $0x80, s1;
	s1 =	simm.s32 $0x2880;
	[dreg:$0xe] =	wrdreg s25  }
0x16: {  	s14 =	simm.s32 $0x2;
	s11 =	simm.s32 $0x0;
	[dreg:$0xf] =	wrdreg s9  }
0x17: {  	s0 =	sadd.s32 $0x1EC00, s0;
	s26 =	smax.u32 s10, $0x1;
	[dreg:$0x4] =	wrdreg s12  }
0x18: {  	s25 =	simm.s32 $0x5100;
	s10 =	simm.s32 $0x28C0;
	[dreg:$0x10] =	wrdreg s0  }
0x19: {  	v0 =	vimm.f32 $0.0e+00;
	[dreg:$0x11] =	wrdreg s26;
	s26 =	simm.s32 $0x3;
	s0 =	simm.s32 $0x1  }
.LBB2_1:
0x1a: {  	[dreg:$0x12] =	wrdreg s11;
	s9 =	simm.s32 $0x0;
	s11 =	simm.s32 $0x240  }
.LBB2_2:
0x1b: {  	p0 =	sne.s32 s11, $0x8DC0;
	[tilespmem:s9+$0x5180] =	vst v0  }
0x1c: {  	[tilespmem:s9+$0x5100] =	vst v0  }
0x1d: {  	[tilespmem:s9+$0x5110] =	vst v0  }
0x1e: {  	[tilespmem:s9+$0x5120] =	vst v0  }
.Ltmp0:
0x1f: {  	[tilespmem:s9+$0x5130] =	vst v0;
	(pc) =	sbr.rel @p0 .LBB2_2-.Ltmp0, $4  }
0x20: {  	[tilespmem:s9+$0x5140] =	vst v0  }
0x21: {  	[tilespmem:s9+$0x5150] =	vst v0  }
0x22: {  	[tilespmem:s9+$0x5160] =	vst v0  }
0x23: {  	[tilespmem:s9+$0x5170] =	vst v0;
	s9 =	sshra.s32 s11, $0x2;
	s11 =	sadd.s32 $0x240, s11  }
0x24: {  	[tilespmem:s9+$0x5180] =	vst v0  }
0x25: {  	[tilespmem:s9+$0x5100] =	vst v0  }
0x26: {  	[tilespmem:s9+$0x5110] =	vst v0  }
0x27: {  	[tilespmem:s9+$0x5120] =	vst v0  }
0x28: {  	[tilespmem:s9+$0x5130] =	vst v0  }
0x29: {  	[tilespmem:s9+$0x5140] =	vst v0  }
0x2a: {  	[tilespmem:s9+$0x5150] =	vst v0  }
0x2b: {  	[tilespmem:s9+$0x5160] =	vst v0  }
0x2c: {  	[tilespmem:s9+$0x5170] =	vst v0  }
0x2d: {  	[spmem:s12] =	stream.linear.scatter [tilespmem:s25], [sflag:$0x3], $0x2400, $0x38;
	[tilespmem:$0x1D520] =	vst v63  }
0x2e: {  	_ =	swait.ge [sflag:s26], $0x2400  }
0x2f: {  	[sflag:s26] =	ssyncset.done $0x0  }
0x30: {  	s11 =	rddreg [dreg:$0x5];
	[sflag:s26] =	ssyncadd.s32 $0xFFFFDC00  }
0x31: {  	[spmem:s11] =	stream.linear.scatter [tilespmem:s25], [sflag:$0x3], $0x2400, $0x38;
	[tilespmem:$0x1D520] =	vst v63  }
0x32: {  	_ =	swait.ge [sflag:s26], $0x2400  }
0x33: {  	[sflag:s26] =	ssyncset.done $0x0  }
0x34: {  	s12 =	rddreg [dreg:$0x6];
	[sflag:s26] =	ssyncadd.s32 $0xFFFFDC00  }
0x35: {  	[spmem:s12] =	stream.linear.scatter [tilespmem:s25], [sflag:$0x3], $0x2400, $0x38;
	[tilespmem:$0x1D520] =	vst v63  }
0x36: {  	_ =	swait.ge [sflag:s26], $0x2400  }
0x37: {  	[sflag:s26] =	ssyncset.done $0x0  }
0x38: {  	s13 =	rddreg [dreg:$0x7];
	[sflag:s26] =	ssyncadd.s32 $0xFFFFDC00  }
0x39: {  	[spmem:s13] =	stream.linear.scatter [tilespmem:s25], [sflag:$0x3], $0x2400, $0x38;
	[tilespmem:$0x1D520] =	vst v63  }
0x3a: {  	_ =	swait.ge [sflag:s26], $0x2400  }
0x3b: {  	[sflag:s26] =	ssyncset.done $0x0  }
0x3c: {  	s15 =	rddreg [dreg:$0x8];
	[sflag:s26] =	ssyncadd.s32 $0xFFFFDC00  }
0x3d: {  	[spmem:s15] =	stream.linear.scatter [tilespmem:s25], [sflag:$0x3], $0x2400, $0x38;
	[tilespmem:$0x1D520] =	vst v63  }
0x3e: {  	_ =	swait.ge [sflag:s26], $0x2400  }
0x3f: {  	[sflag:s26] =	ssyncset.done $0x0  }
0x40: {  	s16 =	rddreg [dreg:$0x9];
	[sflag:s26] =	ssyncadd.s32 $0xFFFFDC00  }
0x41: {  	[spmem:s16] =	stream.linear.scatter [tilespmem:s25], [sflag:$0x3], $0x2400, $0x38;
	[tilespmem:$0x1D520] =	vst v63  }
0x42: {  	_ =	swait.ge [sflag:s26], $0x2400  }
0x43: {  	[sflag:s26] =	ssyncset.done $0x0  }
0x44: {  	s17 =	rddreg [dreg:$0xa];
	[sflag:s26] =	ssyncadd.s32 $0xFFFFDC00  }
0x45: {  	[spmem:s17] =	stream.linear.scatter [tilespmem:s25], [sflag:$0x3], $0x2400, $0x38;
	[tilespmem:$0x1D520] =	vst v63  }
0x46: {  	_ =	swait.ge [sflag:s26], $0x2400  }
0x47: {  	[sflag:s26] =	ssyncset.done $0x0  }
0x48: {  	s18 =	rddreg [dreg:$0xb];
	[sflag:s26] =	ssyncadd.s32 $0xFFFFDC00  }
0x49: {  	[spmem:s18] =	stream.linear.scatter [tilespmem:s25], [sflag:$0x3], $0x2400, $0x38;
	[tilespmem:$0x1D520] =	vst v63  }
0x4a: {  	_ =	swait.ge [sflag:s26], $0x2400  }
0x4b: {  	[sflag:s26] =	ssyncset.done $0x0  }
0x4c: {  	s19 =	rddreg [dreg:$0xc];
	[sflag:s26] =	ssyncadd.s32 $0xFFFFDC00  }
0x4d: {  	[spmem:s19] =	stream.linear.scatter [tilespmem:s25], [sflag:$0x3], $0x2400, $0x38;
	[tilespmem:$0x1D520] =	vst v63  }
0x4e: {  	_ =	swait.ge [sflag:s26], $0x2400  }
0x4f: {  	[sflag:s26] =	ssyncset.done $0x0  }
0x50: {  	s20 =	rddreg [dreg:$0xd];
	[sflag:s26] =	ssyncadd.s32 $0xFFFFDC00  }
0x51: {  	[spmem:s20] =	stream.linear.scatter [tilespmem:s25], [sflag:$0x3], $0x1C20, $0x38;
	[tilespmem:$0x1D520] =	vst v63  }
0x52: {  	_ =	swait.ge [sflag:s26], $0x1C20  }
0x53: {  	[sflag:s26] =	ssyncset.done $0x0  }
0x54: {  	[sflag:s26] =	ssyncadd.s32 $0xFFFFE3E0  }
0x55: {  	[bflag:$0x0] =	sbarrier.arrive $0xFFFF  }
0x56: {  	s16 =	simm.s32 $0x0;
	s23 =	rddreg [dreg:$0xe]  }
0x57: {  	[tilespmem:s16], [sflag:$0x3] =	stream.linear.gather [hbm4b:s23+s16], $0x40, $0x38;
	[tilespmem:$0x1D520] =	vst v63  }
0x58: {  	_ =	swait.ge [sflag:s26], $0x40  }
0x59: {  	[sflag:s26] =	ssyncset.done $0x0  }
0x5a: {  	s24 =	rddreg [dreg:$0xf];
	[sflag:s26] =	ssyncadd.s32 $0xFFFFFFC0  }
0x5b: {  	[tilespmem:s28], [sflag:$0x3] =	stream.linear.gather [hbm4b:s24+s16], $0x40, $0x38;
	[tilespmem:$0x1D520] =	vst v63  }
0x5c: {  	_ =	swait.ge [sflag:s26], $0x40  }
0x5d: {  	[sflag:s26] =	ssyncset.done $0x0  }
0x5e: {  	[sflag:s26] =	ssyncadd.s32 $0xFFFFFFC0  }
0x5f: {  	[tilespmem:s29], [sflag:$0x1] =	stream.indirect.gather [hbm4b:s2+s28], $0x80, s28, s28, $0xb8;
	[tilespmem:$0x1D520] =	vst v63  }
0x60: {  	_ = 	snop  }
0x61: {  	[tilespmem:s30], [sflag:$0x1] =	stream.indirect.gather [hbm4b:s7+s28], $0x10, s16, s28, $0xb8;
	[tilespmem:$0x1D520] =	vst v63  }
0x62: {  	_ = 	snop  }
0x63: {  	[tilespmem:s31], [sflag:$0x1] =	stream.indirect.gather [hbm4b:s8+s28], $0x10, s28, s28, $0xb8;
	[tilespmem:$0x1D520] =	vst v63  }
.LBB2_4:
0x64: {  	_ =	swait.ge [sflag:s0], $0x2000  }
0x65: {  	[sflag:s0] =	ssyncset.done $0x0  }
0x66: {  	[sflag:s0] =	ssyncadd.s32 $0xFFFFE000  }
0x67: {  	_ =	swait.ge [sflag:s0], $0x400  }
0x68: {  	[sflag:s0] =	ssyncset.done $0x0  }
0x69: {  	s9 =	sshll.u32 s16, $0x7;
	[sflag:s0] =	ssyncadd.s32 $0xFFFFFC00  }
0x6a: {  	s9 =	sadd.s32 s9, s21;
	_ =	swait.ge [sflag:s0], $0x400  }
0x6b: {  	s9 =	sshrl.u32 s9, $0x3;
	[sflag:s0] =	ssyncset.done $0x0  }
0x6c: {  	s11 =	sadd.s32 s5, s9;
	[sflag:s0] =	ssyncadd.s32 $0xFFFFFC00  }
0x6d: {  	[tilespmem:s1], [sflag:$0x3] =	stream.linear.gather [hbm4b:s11+s4], $0x40, $0x38;
	[tilespmem:$0x1D520] =	vst v63  }
0x6e: {  	_ =	swait.ge [sflag:s26], $0x40  }
0x6f: {  	[sflag:s26] =	ssyncset.done $0x0  }
0x70: {  	s9 =	sadd.s32 s6, s9;
	[sflag:s26] =	ssyncadd.s32 $0xFFFFFFC0  }
0x71: {  	[tilespmem:s10], [sflag:$0x3] =	stream.linear.gather [hbm4b:s9+s4], $0x40, $0x38;
	[tilespmem:$0x1D520] =	vst v63  }
0x72: {  	_ =	swait.ge [sflag:s26], $0x40  }
0x73: {  	[sflag:s26] =	ssyncset.done $0x0  }
0x74: {  	s12 =	simm.s32 $0x3100;
	[sflag:s26] =	ssyncadd.s32 $0xFFFFFFC0  }
0x75: {  	[tilespmem:s12], [sflag:$0x2] =	stream.indirect.gather [hbm4b:s2+s28], $0x80, s10, s28, $0xb8;
	[tilespmem:$0x1D520] =	vst v63  }
0x76: {  	s13 =	simm.s32 $0x2900  }
0x77: {  	[tilespmem:s13], [sflag:$0x2] =	stream.indirect.gather [hbm4b:s7+s28], $0x10, s1, s28, $0xb8;
	[tilespmem:$0x1D520] =	vst v63  }
0x78: {  	s15 =	simm.s32 $0x2D00;
	s17 =	simm.s32 $0xA0  }
0x79: {  	[tilespmem:s15], [sflag:$0x2] =	stream.indirect.gather [hbm4b:s8+s28], $0x10, s10, s28, $0xb8;
	[tilespmem:$0x1D520] =	vst v63  }
0x7a: {  	s18 =	simm.s32 $0x4A0;
	v1 =	vld [tilespmem:s17+$0x10]  }
0x7b: {  	v2 =	vld [tilespmem:s18+$0x10];
	_ =	sdelay $0x4  }
0x7c: {  	v1 =	vadd.f32 v2, v1;
	_ =	sdelay $0x1  }
0x7d: {  	v2 =	vmul.f32 $2.000000030e-01, v1  }
0x7e: {  	v4 =	vld [tilespmem:s17+$0xFFFFFFF0]  }
0x7f: {  	v1 =	vmax.f32 v1, v2;
	v2 =	vld [tilespmem:s18+$0xFFFFFFF0]  }
0x80: {  	v5 =	vld [tilespmem:s17+$0x0];
	v1 =	vmul.f32 $1.442695020e+00, v1  }
0x81: {  	v6 =	vld [tilespmem:s18+$0x0]  }
0x82: {  	(erf) = vpow2.f32 v1  }
0x83: {  	v3 =	vld [tilespmem:s18+$0xFFFFFFE0]  }
0x84: {  	v1 =	vld [tilespmem:s17+$0xFFFFFFE0];
	v2 =	vadd.f32 v2, v4;
	_ =	sdelay $0x1  }
0x85: {  	v4 =	vadd.f32 v6, v5;
	v5 =	vmul.f32 $2.000000030e-01, v2;
	_ =	sdelay $0x1  }
0x86: {  	v2 =	vmax.f32 v2, v5  }
0x87: {  	v1 =	vadd.f32 v3, v1  }
0x88: {  	v3 =	vmul.f32 $2.000000030e-01, v4  }
0x89: {  	s17 =	simm.s32 $0x5220;
	v5 =	vmul.f32 $2.000000030e-01, v1;
	v6 =	vmul.f32 $1.442695020e+00, v2;
	v2 =	vpop (erf)  }
0x8a: {  	s24 =	simm.s32 $0x980;
	v3 =	vmax.f32 v4, v3;
	[tilespmem:s17+$0x110] =	vst v2  }
0x8b: {  	v3 =	vmul.f32 $1.442695020e+00, v3;
	v1 =	vmax.f32 v1, v5;
	v4 =	vld [tilespmem:s24+$0x80]  }
0x8c: {  	(erf) = vpow2.f32 v6;
	v1 =	vmul.f32 $1.442695020e+00, v1  }
0x8d: {  	(erf) = vpow2.f32 v3  }
0x8e: {  	(erf) = vpow2.f32 v1;
	v1 =	vbroadcast v2, $0x0;
	_ =	sdelay $0x1  }
0x8f: {  	s23 =	simm.s32 $0x120;
	v1 =	vmul.f32 v1, v4  }
0x90: {  	s12 =	simm.s32 $0x520;
	v30 =	vld [tilespmem:s23+$0x10]  }
0x91: {  	v33 =	vld [tilespmem:s12+$0x10];
	[tilespmem:s17+$0x90] =	vst v1  }
0x92: {  	v3 =	vld [tilespmem:s24+$0x90]  }
0x93: {  	s20 =	simm.s32 $0x4E0  }
0x94: {  	s19 =	simm.s32 $0xE0;
	v10 =	vld [tilespmem:s20+$0x10];
	v5 =	vpop (erf)  }
0x95: {  	v13 =	vld [tilespmem:s19+$0xFFFFFFF0];
	v7 =	vbroadcast v2, $0x1;
	[tilespmem:s17+$0xFFFFFFF0] =	vst v5;
	v4 =	vpop (erf)  }
0x96: {  	v6 =	vld [tilespmem:s24+$0xFFFFFF80];
	[tilespmem:s17+$0x80] =	vst v4  }
0x97: {  	v30 =	vadd.f32 v33, v30;
	v8 =	vld [tilespmem:s24+$0x0];
	v3 =	vmul.f32 v7, v3  }
0x98: {  	v7 =	vld [tilespmem:s19+$0x10]  }
0x99: {  	v14 =	vld [tilespmem:s20+$0x0];
	v57 =	vmul.f32 $2.000000030e-01, v30;
	v1 =	vpop (erf);
	[tilespmem:s17+$0xA0] =	vst v3;
	v3 =	vbroadcast v5, $0x0  }
0x9a: {  	v17 =	vbroadcast v5, $0x1;
	v25 =	vbroadcast v5, $0x7;
	[tilespmem:s17+$0xFFFFFF60] =	vst v1;
	v11 =	vld [tilespmem:s24+$0xA0]  }
0x9b: {  	v12 =	vbroadcast v4, $0x0;
	v9 =	vld [tilespmem:s24+$0xFFFFFF00];
	v3 =	vmul.f32 v3, v6  }
0x9c: {  	v19 =	vbroadcast v4, $0x1;
	v21 =	vbroadcast v4, $0x4;
	v6 =	vld [tilespmem:s20+$0xFFFFFFF0]  }
0x9d: {  	v8 =	vmul.f32 v12, v8;
	v12 =	vld [tilespmem:s19+$0x0];
	v7 =	vadd.f32 v10, v7;
	[tilespmem:s17+$0xFFFFFF70] =	vst v3;
	v3 =	vbroadcast v2, $0x2  }
0x9e: {  	v26 =	vbroadcast v4, $0x7;
	v10 =	vbroadcast v1, $0x0;
	v15 =	vld [tilespmem:s24+$0xFFFFFF90]  }
0x9f: {  	v18 =	vld [tilespmem:s20+$0xFFFFFFE0];
	v3 =	vmul.f32 v3, v11;
	v11 =	vmul.f32 $2.000000030e-01, v7  }
0xa0: {  	v20 =	vld [tilespmem:s19+$0xFFFFFFE0];
	v16 =	vbroadcast v1, $0x1;
	v23 =	vbroadcast v1, $0x6;
	[tilespmem:s17+$0x0] =	vst v8  }
0xa1: {  	v8 =	vld [tilespmem:s24+$0x10];
	[tilespmem:s17+$0xB0] =	vst v3;
	v3 =	vadd.f32 v6, v13;
	v6 =	vmax.f32 v7, v11;
	v7 =	vmul.f32 v10, v9  }
0xa2: {  	v10 =	vadd.f32 v14, v12;
	v14 =	vbroadcast v5, $0x3;
	v6 =	vmul.f32 $1.442695020e+00, v6  }
0xa3: {  	v11 =	vmul.f32 v17, v15;
	v12 =	vmul.f32 $2.000000030e-01, v3  }
0xa4: {  	v9 =	vld [tilespmem:s24+$0xB0];
	[tilespmem:s17+$0xFFFFFEE0] =	vst v7;
	v7 =	vmul.f32 $2.000000030e-01, v10;
	v15 =	vbroadcast v1, $0x3  }
0xa5: {  	v17 =	vbroadcast v4, $0x3;
	(erf) = vpow2.f32 v6  }
0xa6: {  	v13 =	vadd.f32 v18, v20;
	v6 =	vmul.f32 v19, v8;
	v8 =	vld [tilespmem:s24+$0xFFFFFF10];
	v19 =	vbroadcast v5, $0x4  }
0xa7: {  	[tilespmem:s17+$0xFFFFFF80] =	vst v11;
	v11 =	vbroadcast v2, $0x3;
	v3 =	vmax.f32 v3, v12;
	v7 =	vmax.f32 v10, v7  }
0xa8: {  	v12 =	vld [tilespmem:s24+$0xFFFFFFA0];
	v3 =	vmul.f32 $1.442695020e+00, v3;
	v7 =	vmul.f32 $1.442695020e+00, v7  }
0xa9: {  	[tilespmem:s17+$0x10] =	vst v6;
	v6 =	vmul.f32 $2.000000030e-01, v13;
	v9 =	vmul.f32 v9, v11  }
0xaa: {  	v11 =	vld [tilespmem:s24+$0x20];
	(erf) = vpow2.f32 v3;
	v3 =	vbroadcast v5, $0x2  }
0xab: {  	v6 =	vmax.f32 v13, v6;
	(erf) = vpow2.f32 v7;
	v7 =	vmul.f32 v16, v8  }
0xac: {  	[tilespmem:s17+$0xC0] =	vst v9;
	v6 =	vmul.f32 $1.442695020e+00, v6;
	v9 =	vbroadcast v1, $0x2  }
0xad: {  	v8 =	vld [tilespmem:s24+$0xC0];
	v3 =	vmul.f32 v3, v12;
	v12 =	vbroadcast v4, $0x2;
	[tilespmem:s17+$0xFFFFFEF0] =	vst v7  }
0xae: {  	(erf) = vpow2.f32 v6;
	v7 =	vbroadcast v1, $0x4;
	v13 =	vld [tilespmem:s24+$0xFFFFFF20]  }
0xaf: {  	v37 =	vld [tilespmem:s12+$0xFFFFFFE0];
	s18 =	simm.s32 $0x5460;
	[tilespmem:s17+$0xFFFFFF90] =	vst v3;
	v3 =	vbroadcast v2, $0x4;
	v10 =	vpop (erf);
	v6 =	vmul.f32 v12, v11  }
0xb0: {  	s19 =	simm.s32 $0xB80;
	v12 =	vbroadcast v1, $0x5;
	v1 =	vbroadcast v1, $0x7;
	v11 =	vld [tilespmem:s24+$0xFFFFFFB0];
	[tilespmem:s18+$0x110] =	vst v10  }
0xb1: {  	v40 =	vbroadcast v10, $0x2;
	v59 =	vbroadcast v10, $0x3;
	v16 =	vld [tilespmem:s19+$0x80]  }
0xb2: {  	v39 =	vld [tilespmem:s23+$0xFFFFFFF0];
	v48 =	vbroadcast v10, $0x5;
	v3 =	vmul.f32 v8, v3  }
0xb3: {  	v41 =	vld [tilespmem:s12+$0xFFFFFFF0];
	[tilespmem:s17+$0x20] =	vst v6;
	v8 =	vbroadcast v5, $0x5;
	v6 =	vpop (erf);
	v9 =	vmul.f32 v9, v13  }
0xb4: {  	v18 =	vld [tilespmem:s24+$0x30];
	[tilespmem:s17+$0xD0] =	vst v3;
	v13 =	vbroadcast v10, $0x0;
	v31 =	vbroadcast v6, $0x1  }
0xb5: {  	v56 =	vld [tilespmem:s23+$0xFFFFFFE0];
	[tilespmem:s18+$0xFFFFFFF0] =	vst v6;
	v38 =	vbroadcast v6, $0x3;
	v11 =	vmul.f32 v11, v14  }
0xb6: {  	v22 =	vld [tilespmem:s24+$0xD0];
	v3 =	vpop (erf);
	[tilespmem:s17+$0xFFFFFF00] =	vst v9;
	v16 =	vmul.f32 v13, v16;
	v13 =	vbroadcast v4, $0x5  }
0xb7: {  	v14 =	vld [tilespmem:s19+$0xFFFFFF80];
	[tilespmem:s18+$0x80] =	vst v3;
	v32 =	vbroadcast v3, $0x1;
	v36 =	vbroadcast v3, $0x2  }
0xb8: {  	v20 =	vpop (erf);
	v42 =	vbroadcast v3, $0x3;
	v9 =	vld [tilespmem:s19+$0x0];
	[tilespmem:s17+$0xFFFFFFA0] =	vst v11;
	v11 =	vbroadcast v2, $0x5  }
0xb9: {  	v24 =	vld [tilespmem:s24+$0xFFFFFF30];
	v17 =	vmul.f32 v18, v17;
	v18 =	vbroadcast v6, $0x0;
	[tilespmem:s18+$0xFFFFFF60] =	vst v20  }
0xba: {  	v34 =	vbroadcast v20, $0x2;
	v27 =	vld [tilespmem:s24+$0xFFFFFFC0];
	[tilespmem:s18+$0x90] =	vst v16;
	v16 =	vbroadcast v3, $0x0  }
0xbb: {  	v11 =	vmul.f32 v22, v11;
	v22 =	vld [tilespmem:s19+$0x90];
	[tilespmem:s17+$0x30] =	vst v17;
	v17 =	vbroadcast v5, $0x6  }
0xbc: {  	v28 =	vld [tilespmem:s19+$0xFFFFFF00];
	v18 =	vmul.f32 v18, v14;
	v14 =	vbroadcast v4, $0x6  }
0xbd: {  	v29 =	vld [tilespmem:s24+$0x40];
	[tilespmem:s17+$0xE0] =	vst v11;
	v11 =	vbroadcast v10, $0x1;
	v9 =	vmul.f32 v16, v9  }
0xbe: {  	v24 =	vmul.f32 v24, v15;
	v15 =	vbroadcast v3, $0x4;
	v16 =	vld [tilespmem:s24+$0xE0];
	[tilespmem:s18+$0xFFFFFF70] =	vst v18  }
0xbf: {  	v18 =	vbroadcast v20, $0x0;
	v5 =	vld [tilespmem:s19+$0xFFFFFF90];
	v19 =	vmul.f32 v27, v19;
	[tilespmem:s18+$0x0] =	vst v9  }
0xc0: {  	v9 =	vmul.f32 v11, v22;
	v22 =	vbroadcast v20, $0x1;
	v4 =	vld [tilespmem:s19+$0x10]  }
0xc1: {  	v43 =	vld [tilespmem:s23+$0x0];
	v11 =	vbroadcast v20, $0x3;
	v28 =	vmul.f32 v18, v28  }
0xc2: {  	v55 =	vld [tilespmem:s12+$0x0];
	v18 =	vbroadcast v2, $0x6;
	v2 =	vbroadcast v2, $0x7;
	[tilespmem:s18+$0xA0] =	vst v9  }
0xc3: {  	v21 =	vmul.f32 v29, v21;
	v29 =	vmax.f32 v30, v57;
	v9 =	vbroadcast v6, $0x2;
	v35 =	vld [tilespmem:s19+$0xA0]  }
0xc4: {  	v58 =	vadd.f32 v37, v56;
	[tilespmem:s17+$0xFFFFFF10] =	vst v24;
	v29 =	vmul.f32 $1.442695020e+00, v29;
	v5 =	vmul.f32 v31, v5  }
0xc5: {  	v61 =	vld [tilespmem:s24+$0xFFFFFF40];
	[tilespmem:s18+$0xFFFFFEE0] =	vst v28;
	v28 =	vadd.f32 v41, v39;
	v44 =	vmul.f32 v16, v18;
	v4 =	vmul.f32 v32, v4  }
0xc6: {  	v30 =	vld [tilespmem:s19+$0xFFFFFF10];
	(erf) = vpow2.f32 v29;
	v29 =	vmul.f32 $2.000000030e-01, v58;
	[tilespmem:s18+$0xFFFFFF80] =	vst v5  }
0xc7: {  	v16 =	vbroadcast v20, $0x4;
	v5 =	vmul.f32 $2.000000030e-01, v28;
	[tilespmem:s18+$0x10] =	vst v4;
	v4 =	vld [tilespmem:s19+$0xFFFFFFA0]  }
0xc8: {  	[tilespmem:s17+$0xFFFFFFB0] =	vst v19;
	v31 =	vadd.f32 v55, v43;
	v29 =	vmax.f32 v58, v29;
	v35 =	vmul.f32 v40, v35;
	v24 =	vld [tilespmem:s19+$0x20]  }
0xc9: {  	v18 =	vbroadcast v6, $0x4;
	[tilespmem:s17+$0xF0] =	vst v44;
	v19 =	vmul.f32 $1.442695020e+00, v29;
	v29 =	vld [tilespmem:s24+$0xFFFFFFD0];
	v28 =	vmax.f32 v28, v5  }
0xca: {  	v60 =	vmul.f32 $2.000000030e-01, v31;
	v62 =	vld [tilespmem:s24+$0xF0];
	v28 =	vmul.f32 $1.442695020e+00, v28;
	[tilespmem:s18+$0xB0] =	vst v35  }
0xcb: {  	s15 =	simm.s32 $0x560;
	v5 =	vbroadcast v20, $0x5;
	v22 =	vmul.f32 v22, v30;
	v27 =	vld [tilespmem:s19+$0xB0]  }
0xcc: {  	[tilespmem:s17+$0x40] =	vst v21;
	v44 =	vld [tilespmem:s15+$0xFFFFFFE0];
	v31 =	vmax.f32 v31, v60;
	(erf) = vpow2.f32 v28;
	v4 =	vmul.f32 v9, v4  }
0xcd: {  	v30 =	vmul.f32 $1.442695020e+00, v31;
	[tilespmem:s18+$0xFFFFFEF0] =	vst v22;
	v22 =	vld [tilespmem:s24+$0x50];
	v9 =	vmul.f32 v36, v24  }
0xce: {  	v60 =	vld [tilespmem:s15+$0xFFFFFFF0];
	v28 =	vbroadcast v3, $0x5;
	v24 =	vmul.f32 v29, v8;
	[tilespmem:s18+$0xFFFFFF90] =	vst v4  }
0xcf: {  	v21 =	vld [tilespmem:s19+$0xFFFFFF20];
	(erf) = vpow2.f32 v30;
	v4 =	vmul.f32 v61, v7;
	[tilespmem:s18+$0x20] =	vst v9  }
0xd0: {  	v63 =	vmul.f32 v62, v2;
	v27 =	vmul.f32 v27, v59;
	v30 =	vld [tilespmem:s19+$0xFFFFFFB0];
	[tilespmem:s17+$0xFFFFFFC0] =	vst v24  }
0xd1: {  	v2 =	vbroadcast v20, $0x7;
	(erf) = vpow2.f32 v19;
	[tilespmem:s17+$0xFFFFFF20] =	vst v4;
	v36 =	vld [tilespmem:s24+$0xFFFFFFE0]  }
0xd2: {  	s20 =	simm.s32 $0x56A0;
	v19 =	vbroadcast v6, $0x5;
	v13 =	vmul.f32 v22, v13;
	[tilespmem:s18+$0xC0] =	vst v27;
	v9 =	vpop (erf);
	v32 =	vld [tilespmem:s24+$0xFFFFFF50]  }
0xd3: {  	s23 =	simm.s32 $0xD80;
	v8 =	vbroadcast v6, $0x6;
	v6 =	vbroadcast v6, $0x7;
	v27 =	vld [tilespmem:s19+$0xC0];
	[tilespmem:s20+$0x110] =	vst v9  }
0xd4: {  	v7 =	vbroadcast v10, $0x4;
	v21 =	vmul.f32 v34, v21;
	[tilespmem:s17+$0x50] =	vst v13;
	v45 =	vld [tilespmem:s23+$0x80]  }
0xd5: {  	v4 =	vbroadcast v20, $0x6;
	v43 =	vld [tilespmem:s24+$0x60];
	v24 =	vpop (erf);
	v20 =	vmul.f32 v30, v38  }
0xd6: {  	s13 =	simm.s32 $0x160;
	v31 =	vld [tilespmem:s19+$0x30];
	v30 =	vbroadcast v9, $0x0;
	v50 =	vbroadcast v24, $0x0  }
0xd7: {  	v62 =	vld [tilespmem:s13+$0x0];
	[tilespmem:s18+$0xFFFFFF00] =	vst v21;
	v34 =	vbroadcast v24, $0x2;
	v39 =	vbroadcast v24, $0x3  }
0xd8: {  	v21 =	vld [tilespmem:s19+$0xFFFFFF30];
	[tilespmem:s20+$0xFFFFFFF0] =	vst v24;
	v17 =	vmul.f32 v36, v17;
	v7 =	vmul.f32 v27, v7;
	v27 =	vpop (erf)  }
0xd9: {  	v47 =	vld [tilespmem:s23+$0xFFFFFF80];
	v32 =	vmul.f32 v32, v12;
	[tilespmem:s20+$0x80] =	vst v27;
	v22 =	vmul.f32 v30, v45  }
0xda: {  	[tilespmem:s18+$0xFFFFFFA0] =	vst v20;
	v12 =	vbroadcast v24, $0x6;
	v14 =	vmul.f32 v43, v14;
	v20 =	vld [tilespmem:s23+$0x0]  }
0xdb: {  	v30 =	vmul.f32 v31, v42;
	v31 =	vld [tilespmem:s19+$0xFFFFFFC0];
	v51 =	vbroadcast v27, $0x0;
	[tilespmem:s20+$0x90] =	vst v22  }
0xdc: {  	v29 =	vpop (erf);
	v56 =	vbroadcast v27, $0x1;
	v45 =	vbroadcast v27, $0x2;
	[tilespmem:s18+$0xD0] =	vst v7;
	v53 =	vld [tilespmem:s23+$0x90]  }
0xdd: {  	v7 =	vbroadcast v3, $0x6;
	v3 =	vbroadcast v3, $0x7;
	[tilespmem:s20+$0xFFFFFF60] =	vst v29;
	v46 =	vld [tilespmem:s19+$0xD0]  }
0xde: {  	v40 =	vbroadcast v29, $0x1;
	v52 =	vld [tilespmem:s23+$0xFFFFFF00];
	v54 =	vmul.f32 v50, v47  }
0xdf: {  	[tilespmem:s18+$0x30] =	vst v30;
	v47 =	vld [tilespmem:s13+$0x10];
	v13 =	vmul.f32 v51, v20;
	v20 =	vbroadcast v9, $0x1  }
0xe0: {  	[tilespmem:s17+$0x60] =	vst v14;
	v38 =	vbroadcast v29, $0x2;
	v14 =	vbroadcast v29, $0x7;
	v57 =	vld [tilespmem:s19+$0x40]  }
0xe1: {  	v22 =	vbroadcast v29, $0x0;
	[tilespmem:s20+$0xFFFFFF70] =	vst v54;
	v54 =	vld [tilespmem:s15+$0x0];
	v41 =	vmul.f32 v20, v53  }
0xe2: {  	v30 =	vbroadcast v24, $0x1;
	v58 =	vld [tilespmem:s23+$0xFFFFFF90];
	v49 =	vmul.f32 v46, v48  }
0xe3: {  	v31 =	vmul.f32 v31, v18;
	v18 =	vbroadcast v24, $0x5;
	v48 =	vld [tilespmem:s15+$0x10];
	[tilespmem:s20+$0xA0] =	vst v41  }
0xe4: {  	v59 =	vmul.f32 v22, v52;
	v22 =	vbroadcast v27, $0x4;
	[tilespmem:s18+$0xE0] =	vst v49;
	v50 =	vld [tilespmem:s23+$0xA0]  }
0xe5: {  	[tilespmem:s20+$0x0] =	vst v13;
	v13 =	vbroadcast v10, $0x6;
	v20 =	vbroadcast v29, $0x3;
	v55 =	vld [tilespmem:s19+$0xE0]  }
0xe6: {  	[tilespmem:s17+$0x100] =	vst v63;
	v52 =	vld [tilespmem:s13+$0xFFFFFFF0];
	v42 =	vmul.f32 v57, v15;
	v15 =	vbroadcast v9, $0x2  }
0xe7: {  	v10 =	vbroadcast v10, $0x7;
	v46 =	vld [tilespmem:s23+$0x10];
	v49 =	vmul.f32 v21, v11;
	[tilespmem:s20+$0xFFFFFEE0] =	vst v59  }
0xe8: {  	[tilespmem:s18+$0xFFFFFFB0] =	vst v31;
	v21 =	vbroadcast v24, $0x4;
	v30 =	vmul.f32 v30, v58;
	v58 =	vld [tilespmem:s23+$0xFFFFFF10]  }
0xe9: {  	v31 =	vadd.f32 v54, v62;
	[tilespmem:s18+$0xFFFFFF10] =	vst v49;
	v49 =	vld [tilespmem:s19+$0xFFFFFFD0];
	v63 =	vadd.f32 v48, v47;
	v61 =	vmul.f32 v15, v50  }
0xea: {  	v11 =	vbroadcast v29, $0x5;
	[tilespmem:s20+$0xFFFFFF80] =	vst v30;
	v13 =	vmul.f32 v55, v13;
	v55 =	vld [tilespmem:s13+$0xFFFFFFE0]  }
0xeb: {  	v59 =	vadd.f32 v60, v52;
	v47 =	vmul.f32 $2.000000030e-01, v31;
	v60 =	vld [tilespmem:s23+$0xFFFFFFA0];
	v57 =	vmul.f32 $2.000000030e-01, v63;
	[tilespmem:s20+$0xB0] =	vst v61  }
0xec: {  	v41 =	vbroadcast v27, $0x3;
	v37 =	vmul.f32 v56, v46;
	[tilespmem:s18+$0xF0] =	vst v13;
	v30 =	vld [tilespmem:s23+$0xB0]  }
0xed: {  	[tilespmem:s17+$0xFFFFFFD0] =	vst v17;
	v31 =	vmax.f32 v31, v47;
	v54 =	vmul.f32 v40, v58;
	v33 =	vmax.f32 v63, v57;
	v51 =	vld [tilespmem:s19+$0xF0]  }
0xee: {  	[tilespmem:s17+$0xFFFFFF30] =	vst v32;
	v48 =	vld [tilespmem:s19+$0xFFFFFF40];
	v31 =	vmul.f32 $1.442695020e+00, v31;
	v33 =	vmul.f32 $1.442695020e+00, v33  }
0xef: {  	[tilespmem:s20+$0x10] =	vst v37;
	v63 =	vbroadcast v9, $0x3;
	v61 =	vmul.f32 $2.000000030e-01, v59;
	v62 =	vadd.f32 v44, v55  }
0xf0: {  	[tilespmem:s18+$0x40] =	vst v42;
	v37 =	vld [tilespmem:s23+$0x20];
	v34 =	vmul.f32 v34, v60;
	(erf) = vpow2.f32 v33  }
0xf1: {  	v53 =	vld [tilespmem:s19+$0x50];
	[tilespmem:s20+$0xFFFFFEF0] =	vst v54;
	v50 =	vmax.f32 v59, v61;
	v52 =	vmul.f32 $2.000000030e-01, v62;
	v30 =	vmul.f32 v30, v63  }
0xf2: {  	v55 =	vld [tilespmem:s24+$0xFFFFFF60];
	[tilespmem:s20+$0xFFFFFF90] =	vst v34;
	v17 =	vmul.f32 $1.442695020e+00, v50;
	v56 =	vmul.f32 v51, v10  }
0xf3: {  	v16 =	vmul.f32 v48, v16;
	v33 =	vmul.f32 v49, v19;
	v59 =	vld [tilespmem:s24+$0x70];
	v36 =	vmax.f32 v62, v52;
	[tilespmem:s20+$0xC0] =	vst v30  }
0xf4: {  	(erf) = vpow2.f32 v17;
	[tilespmem:s18+$0x100] =	vst v56;
	v56 =	vmul.f32 $1.442695020e+00, v36;
	v17 =	vld [tilespmem:s23+$0xC0]  }
0xf5: {  	[tilespmem:s18+$0xFFFFFF20] =	vst v16;
	v34 =	vld [tilespmem:s23+$0xFFFFFFB0];
	v57 =	vmul.f32 v45, v37;
	(erf) = vpow2.f32 v31  }
0xf6: {  	[tilespmem:s18+$0xFFFFFFC0] =	vst v33;
	v37 =	vmul.f32 v53, v28;
	v31 =	vld [tilespmem:s23+$0xFFFFFF20];
	(erf) = vpow2.f32 v56  }
0xf7: {  	v58 =	vbroadcast v9, $0x4;
	[tilespmem:s20+$0x20] =	vst v57;
	v62 =	vmul.f32 v55, v23;
	v30 =	vld [tilespmem:s24+$0xFFFFFFF0]  }
0xf8: {  	v13 =	vbroadcast v29, $0x4;
	v10 =	vbroadcast v29, $0x6;
	v29 =	vld [tilespmem:s19+$0xFFFFFF50];
	[tilespmem:s18+$0x50] =	vst v37  }
0xf9: {  	s9 =	simm.s32 $0x58E0;
	v16 =	vbroadcast v24, $0x7;
	v60 =	vld [tilespmem:s23+$0x30];
	[tilespmem:s17+$0xFFFFFF40] =	vst v62;
	v24 =	vpop (erf);
	v32 =	vmul.f32 v17, v58  }
0xfa: {  	s11 =	simm.s32 $0xF80;
	v15 =	vbroadcast v27, $0x5;
	v37 =	vld [tilespmem:s19+$0x60];
	v61 =	vmul.f32 v34, v39;
	[tilespmem:s9+$0x110] =	vst v24  }
0xfb: {  	v48 =	vbroadcast v9, $0x6;
	v31 =	vmul.f32 v38, v31;
	v28 =	vld [tilespmem:s11+$0x80];
	[tilespmem:s20+$0xD0] =	vst v32  }
0xfc: {  	v19 =	vbroadcast v27, $0x6;
	[tilespmem:s20+$0xFFFFFFA0] =	vst v61;
	v38 =	vmul.f32 v30, v25;
	v30 =	vld [tilespmem:s23+$0xD0]  }
0xfd: {  	v57 =	vbroadcast v9, $0x5;
	v36 =	vld [tilespmem:s24+$0xFFFFFF70];
	v54 =	vbroadcast v24, $0x0;
	[tilespmem:s20+$0xFFFFFF00] =	vst v31;
	v23 =	vpop (erf)  }
0xfe: {  	v40 =	vld [tilespmem:s23+$0xFFFFFFC0];
	v31 =	vmul.f32 v60, v41;
	v17 =	vbroadcast v27, $0x7;
	[tilespmem:s9+$0xFFFFFFF0] =	vst v23;
	v25 =	vpop (erf)  }
0xff: {  	v63 =	vbroadcast v23, $0x0;
	v32 =	vmul.f32 v59, v26;
	v55 =	vld [tilespmem:s11+$0xFFFFFF80];
	[tilespmem:s9+$0x80] =	vst v25;
	v26 =	vpop (erf)  }
0x100: {  	v44 =	vbroadcast v23, $0x1;
	v59 =	vld [tilespmem:s11+$0x0];
	v28 =	vmul.f32 v54, v28;
	[tilespmem:s9+$0xFFFFFF60] =	vst v26  }
0x101: {  	[tilespmem:s20+$0x30] =	vst v31;
	v34 =	vbroadcast v23, $0x2;
	v60 =	vld [tilespmem:s11+$0xFFFFFF00];
	v30 =	vmul.f32 v30, v57  }
0x102: {  	v39 =	vld [tilespmem:s23+$0xFFFFFF30];
	v31 =	vbroadcast v23, $0x3;
	v56 =	vbroadcast v25, $0x0;
	[tilespmem:s9+$0x90] =	vst v28  }
0x103: {  	v43 =	vbroadcast v25, $0x1;
	v33 =	vbroadcast v25, $0x2;
	v61 =	vld [tilespmem:s11+$0x90];
	[tilespmem:s20+$0xE0] =	vst v30  }
0x104: {  	v58 =	vbroadcast v26, $0x0;
	v30 =	vmul.f32 v63, v55;
	v45 =	vld [tilespmem:s23+$0xE0]  }
0x105: {  	v27 =	vld [tilespmem:s19+$0xFFFFFFE0];
	v35 =	vbroadcast v26, $0x1;
	v47 =	vmul.f32 v56, v59  }
0x106: {  	v41 =	vld [tilespmem:s23+$0x40];
	v63 =	vbroadcast v24, $0x1;
	v62 =	vmul.f32 v58, v60;
	[tilespmem:s9+$0xFFFFFF70] =	vst v30  }
0x107: {  	v28 =	vbroadcast v26, $0x2;
	v42 =	vbroadcast v26, $0x3;
	[tilespmem:s9+$0x0] =	vst v47;
	v46 =	vld [tilespmem:s11+$0xFFFFFF90]  }
0x108: {  	s12 =	simm.s32 $0xC;
	s13 =	simm.s32 $0x1A0;
	s24 =	simm.s32 $0xF80;
	v47 =	vld [tilespmem:s11+$0x10];
	v30 =	vbroadcast v25, $0x3;
	v49 =	vmul.f32 v63, v61;
	[tilespmem:s9+$0xFFFFFEE0] =	vst v62  }
.LBB2_5:
0x109: {  	v50 =	vld [tilespmem:s13+$0x10];
	s15 =	sadd.s32 $0x40, s15;
	v39 =	vmul.f32 v39, v20;
	v45 =	vmul.f32 v45, v48;
	[tilespmem:s17+$0xFFFFFFE0] =	vst v38;
	v20 =	vmov v42  }
0x10a: {  	v42 =	vbroadcast v26, $0x4;
	v48 =	vbroadcast v23, $0x4;
	v38 =	vld [tilespmem:s15+$0x10];
	[tilespmem:s9+$0xA0] =	vst v49  }
0x10b: {  	v40 =	vmul.f32 v40, v21;
	v49 =	vbroadcast v25, $0x4;
	v51 =	vld [tilespmem:s11+$0xA0];
	[tilespmem:s20+$0xF0] =	vst v45  }
0x10c: {  	v21 =	vmov v48;
	v44 =	vmul.f32 v44, v46;
	[tilespmem:s20+$0xFFFFFF10] =	vst v39;
	v39 =	vmul.f32 v41, v22;
	v41 =	vld [tilespmem:s23+$0xF0]  }
0x10d: {  	s12 =	sadd.s32 $0x4, s12;
	v46 =	vbroadcast v26, $0x5;
	v22 =	vmov v49;
	v45 =	vld [tilespmem:s15+$0xFFFFFFE0];
	v43 =	vmul.f32 v43, v47;
	[tilespmem:s20+$0xFFFFFFB0] =	vst v40  }
0x10e: {  	p0 =	slt.u32 s12, $0x3C;
	v47 =	vbroadcast v24, $0x2;
	v40 =	vld [tilespmem:s13+$0xFFFFFFF0];
	[tilespmem:s9+$0xFFFFFF80] =	vst v44;
	v44 =	vbroadcast v23, $0x5  }
0x10f: {  	v49 =	vbroadcast v9, $0x7;
	v9 =	vmov v24;
	v48 =	vld [tilespmem:s15+$0xFFFFFFF0];
	[tilespmem:s9+$0x10] =	vst v43;
	v43 =	vbroadcast v25, $0x5  }
0x110: {  	v29 =	vmul.f32 v29, v5;
	v5 =	vmovc v11;
	v11 =	vmov v46;
	v24 =	vld [tilespmem:s13+$0x0];
	v47 =	vmul.f32 v47, v51;
	[tilespmem:s20+$0x40] =	vst v39  }
0x111: {  	v46 =	vbroadcast v26, $0x6;
	v38 =	vadd.f32 v38, v50;
	v39 =	vld [tilespmem:s15+$0x0];
	v41 =	vmul.f32 v41, v49;
	[tilespmem:s17+$0x70] =	vst v32  }
0x112: {  	v50 =	vbroadcast v25, $0x6;
	v49 =	vbroadcast v23, $0x6;
	v32 =	vld [tilespmem:s13+$0xFFFFFFE0];
	[tilespmem:s9+$0xB0] =	vst v47  }
0x113: {  	v27 =	vmul.f32 v27, v8;
	v8 =	vmov v12;
	v47 =	vmul.f32 $2.000000030e-01, v38;
	v51 =	vld [tilespmem:s11+$0xFFFFFF10];
	[tilespmem:s20+$0x100] =	vst v41  }
0x114: {  	v26 =	vbroadcast v26, $0x7;
	v12 =	vmovc v49;
	v40 =	vadd.f32 v48, v40;
	v41 =	vld [tilespmem:s11+$0xB0];
	[tilespmem:s18+$0xFFFFFF30] =	vst v29;
	v29 =	vmul.f32 v37, v7  }
0x115: {  	v25 =	vbroadcast v25, $0x7;
	v23 =	vbroadcast v23, $0x7;
	v37 =	vmax.f32 v38, v47;
	v7 =	vmovc v19;
	v19 =	vmovc v50;
	v38 =	vld [tilespmem:s11+$0xFFFFFFA0];
	[tilespmem:s18+$0xFFFFFFD0] =	vst v27  }
0x116: {  	v37 =	vmul.f32 $1.442695020e+00, v37;
	v27 =	vmul.f32 $2.000000030e-01, v40;
	v24 =	vadd.f32 v39, v24;
	v39 =	vld [tilespmem:s11+$0x20];
	[tilespmem:s18+$0x60] =	vst v29  }
0x117: {  	v36 =	vmul.f32 v36, v1;
	v1 =	vmovc v2;
	v2 =	vmovc v14;
	v29 =	vadd.f32 v45, v32;
	v32 =	vbroadcast v9, $0x3;
	v45 =	vld [tilespmem:s23+$0xFFFFFF40]  }
0x118: {  	v14 =	vmovc v26;
	v27 =	vmax.f32 v40, v27;
	v40 =	vmul.f32 $2.000000030e-01, v24;
	(erf) = vpow2.f32 v37;
	v37 =	vld [tilespmem:s23+$0xFFFFFFD0]  }
0x119: {  	v26 =	vmul.f32 $2.000000030e-01, v29;
	v32 =	vmul.f32 v41, v32;
	v41 =	vld [tilespmem:s23+$0x50];
	[tilespmem:s17+$0xFFFFFF50] =	vst v36;
	s17 =	smov.u32 s18;
	s18 =	smov.u32 s20;
	s20 =	smov.u32 s9  }
0x11a: {  	v35 =	vmul.f32 v35, v51;
	v27 =	vmul.f32 $1.442695020e+00, v27;
	v24 =	vmax.f32 v24, v40;
	v36 =	vld [tilespmem:s19+$0xFFFFFF60]  }
0x11b: {  	v26 =	vmax.f32 v29, v26;
	v24 =	vmul.f32 $1.442695020e+00, v24;
	v29 =	vmul.f32 v34, v38;
	[tilespmem:s9+$0xC0] =	vst v32;
	v32 =	vld [tilespmem:s19+$0xFFFFFFF0]  }
0x11c: {  	v26 =	vmul.f32 $1.442695020e+00, v26;
	(erf) = vpow2.f32 v27;
	[tilespmem:s9+$0xFFFFFEF0] =	vst v35;
	v27 =	vld [tilespmem:s11+$0xC0]  }
0x11d: {  	(erf) = vpow2.f32 v24;
	v34 =	vld [tilespmem:s11+$0xFFFFFF20];
	[tilespmem:s9+$0xFFFFFF90] =	vst v29;
	v24 =	vmul.f32 v33, v39  }
0x11e: {  	v29 =	vmul.f32 v45, v13;
	v13 =	vmov v42;
	(erf) = vpow2.f32 v26;
	v26 =	vld [tilespmem:s11+$0xFFFFFFB0]  }
0x11f: {  	v33 =	vbroadcast v9, $0x4;
	v35 =	vmul.f32 v37, v18;
	v18 =	vmov v44;
	[tilespmem:s9+$0x20] =	vst v24;
	v37 =	vld [tilespmem:s19+$0x70]  }
0x120: {  	v42 =	vmul.f32 v41, v15;
	v15 =	vmovc v43;
	v36 =	vmul.f32 v36, v4;
	v4 =	vmov v10;
	v40 =	vld [tilespmem:s11+$0x30];
	[tilespmem:s18+$0xFFFFFF20] =	vst v29  }
0x121: {  	s9 =	sadd.s32 $0x240, s9;
	v10 =	vmov v46;
	v38 =	vmul.f32 v32, v6;
	v24 =	vpop (erf);
	v33 =	vmul.f32 v27, v33;
	v29 =	vld [tilespmem:s23+$0xFFFFFF50];
	[tilespmem:s18+$0xFFFFFFC0] =	vst v35  }
0x122: {  	s11 =	sadd.s32 $0x200, s11;
	v6 =	vmov v16;
	v16 =	vmov v23;
	[tilespmem:s9+$0x110] =	vst v24;
	v28 =	vmul.f32 v28, v34;
	v27 =	vld [tilespmem:s23+$0xFFFFFFE0]  }
0x123: {  	v34 =	vld [tilespmem:s11+$0x80];
	v26 =	vmul.f32 v26, v31;
	[tilespmem:s20+$0xD0] =	vst v33  }
0x124: {  	[tilespmem:s20+$0xFFFFFF00] =	vst v28;
	v28 =	vld [tilespmem:s24+$0xD0];
	v32 =	vmul.f32 v37, v3;
	v3 =	vmov v17;
	v17 =	vmov v25  }
0x125: {  	v23 =	vpop (erf);
	v39 =	vld [tilespmem:s24+$0xFFFFFF30];
	[tilespmem:s20+$0xFFFFFFA0] =	vst v26;
	v30 =	vmul.f32 v40, v30  }
0x126: {  	v33 =	vbroadcast v24, $0x0;
	[tilespmem:s9+$0xFFFFFFF0] =	vst v23;
	v31 =	vbroadcast v23, $0x0;
	v25 =	vpop (erf);
	v40 =	vld [tilespmem:s24+$0xFFFFFFC0]  }
0x127: {  	v41 =	vbroadcast v9, $0x5;
	v37 =	vld [tilespmem:s11+$0xFFFFFF80];
	[tilespmem:s9+$0x80] =	vst v25;
	v46 =	vbroadcast v25, $0x0;
	v26 =	vpop (erf)  }
0x128: {  	[tilespmem:s9+$0xFFFFFF60] =	vst v26;
	v47 =	vbroadcast v26, $0x0;
	v48 =	vld [tilespmem:s11+$0x0];
	v33 =	vmul.f32 v33, v34  }
0x129: {  	v35 =	vbroadcast v26, $0x1;
	v49 =	vld [tilespmem:s11+$0xFFFFFF00];
	[tilespmem:s20+$0x30] =	vst v30;
	v30 =	vmul.f32 v28, v41  }
0x12a: {  	v44 =	vbroadcast v23, $0x1;
	v43 =	vbroadcast v25, $0x1;
	[tilespmem:s9+$0x90] =	vst v33;
	v41 =	vld [tilespmem:s24+$0x40]  }
0x12b: {  	v34 =	vbroadcast v23, $0x2;
	v28 =	vbroadcast v26, $0x2;
	v50 =	vld [tilespmem:s11+$0x90];
	[tilespmem:s20+$0xE0] =	vst v30  }
.Ltmp1:
0x12c: {  	v33 =	vbroadcast v25, $0x2;
	v30 =	vmul.f32 v31, v37;
	v45 =	vld [tilespmem:s24+$0xE0];
	[tilespmem:s18+$0x50] =	vst v42;
	(pc) =	sbr.rel @p0 .LBB2_5-.Ltmp1, $4  }
0x12d: {  	v42 =	vbroadcast v26, $0x3;
	v48 =	vmul.f32 v46, v48;
	v37 =	vld [tilespmem:s23+$0x60];
	[tilespmem:s17+$0xFFFFFF40] =	vst v36  }
0x12e: {  	v47 =	vmul.f32 v47, v49;
	[tilespmem:s9+$0xFFFFFF70] =	vst v30;
	v49 =	vbroadcast v24, $0x1;
	v36 =	vld [tilespmem:s19+$0xFFFFFF70];
	s19 =	smov.u32 s23;
	s23 =	smov.u32 s24;
	s24 =	smov.u32 s11  }
0x12f: {  	v31 =	vbroadcast v23, $0x3;
	v46 =	vld [tilespmem:s11+$0xFFFFFF90];
	[tilespmem:s9+$0x0] =	vst v48;
	v48 =	vbroadcast v9, $0x6  }
0x130: {  	s13 =	sadd.s32 $0x40, s13;
	v30 =	vbroadcast v25, $0x3;
	[tilespmem:s9+$0xFFFFFEE0] =	vst v47;
	v47 =	vld [tilespmem:s11+$0x10];
	v49 =	vmul.f32 v49, v50  }
0x131: {  	_ = 	snop  }
0x132: {  	v57 =	vld [tilespmem:s11+$0xFFFFFF10];
	[tilespmem:s9+$0xA0] =	vst v49  }
0x133: {  	v50 =	vld [tilespmem:s11+$0xA0];
	_ =	sdelay $0x1  }
0x134: {  	v44 =	vmul.f32 v44, v46  }
0x135: {  	[tilespmem:s17+$0xFFFFFFE0] =	vst v38;
	v59 =	vbroadcast v24, $0x2;
	v58 =	vmul.f32 v43, v47  }
0x136: {  	[tilespmem:s9+$0xFFFFFF80] =	vst v44;
	v35 =	vmul.f32 v35, v57  }
0x137: {  	[tilespmem:s9+$0x10] =	vst v58;
	v61 =	vld [tilespmem:s11+$0xFFFFFFA0];
	v60 =	vmul.f32 v59, v50  }
0x138: {  	v62 =	vmul.f32 v45, v48;
	v63 =	vld [tilespmem:s11+$0x20];
	[tilespmem:s9+$0xFFFFFEF0] =	vst v35  }
0x139: {  	v20 =	vmul.f32 v39, v20;
	v35 =	vld [tilespmem:s11+$0xFFFFFF20];
	[tilespmem:s9+$0xB0] =	vst v60  }
0x13a: {  	v21 =	vmul.f32 v40, v21;
	[tilespmem:s20+$0xF0] =	vst v62;
	v38 =	vld [tilespmem:s11+$0xB0]  }
0x13b: {  	[tilespmem:s20+$0xFFFFFF10] =	vst v20;
	v20 =	vmul.f32 v41, v22  }
0x13c: {  	[tilespmem:s20+$0xFFFFFFB0] =	vst v21;
	v21 =	vmul.f32 v34, v61  }
0x13d: {  	[tilespmem:s20+$0x40] =	vst v20;
	v20 =	vbroadcast v24, $0x3;
	v33 =	vmul.f32 v33, v63  }
0x13e: {  	v22 =	vld [tilespmem:s23+$0xF0];
	[tilespmem:s9+$0xFFFFFF90] =	vst v21;
	v21 =	vmul.f32 v28, v35  }
0x13f: {  	v28 =	vld [tilespmem:s11+$0xFFFFFFB0];
	[tilespmem:s9+$0x20] =	vst v33;
	v20 =	vmul.f32 v38, v20  }
0x140: {  	v33 =	vld [tilespmem:s11+$0x30];
	[tilespmem:s9+$0xFFFFFF00] =	vst v21  }
0x141: {  	v9 =	vbroadcast v9, $0x7;
	v5 =	vmul.f32 v29, v5;
	[tilespmem:s9+$0xC0] =	vst v20;
	v20 =	vld [tilespmem:s24+$0xFFFFFF30]  }
0x142: {  	[tilespmem:s17+$0x70] =	vst v32;
	v8 =	vmul.f32 v27, v8;
	v21 =	vld [tilespmem:s11+$0xC0]  }
0x143: {  	[tilespmem:s18+$0xFFFFFF30] =	vst v5;
	v9 =	vmul.f32 v22, v9  }
0x144: {  	[tilespmem:s18+$0xFFFFFFD0] =	vst v8;
	v5 =	vmul.f32 v28, v31  }
0x145: {  	v8 =	vld [tilespmem:s23+$0xFFFFFF40];
	[tilespmem:s20+$0x100] =	vst v9;
	v9 =	vbroadcast v24, $0x4;
	v22 =	vmul.f32 v33, v30  }
0x146: {  	v27 =	vld [tilespmem:s23+$0xFFFFFFD0];
	[tilespmem:s9+$0xFFFFFFA0] =	vst v5;
	v5 =	vmul.f32 v20, v42  }
0x147: {  	v20 =	vld [tilespmem:s24+$0xFFFFFFC0];
	[tilespmem:s9+$0x30] =	vst v22;
	v9 =	vmul.f32 v21, v9  }
0x148: {  	v7 =	vmul.f32 v37, v7;
	v21 =	vld [tilespmem:s24+$0x40];
	[tilespmem:s9+$0xFFFFFF10] =	vst v5  }
0x149: {  	v1 =	vmul.f32 v36, v1;
	[tilespmem:s9+$0xD0] =	vst v9;
	v5 =	vld [tilespmem:s24+$0xFFFFFF40]  }
0x14a: {  	[tilespmem:s18+$0x60] =	vst v7;
	v7 =	vmul.f32 v8, v13;
	v9 =	vbroadcast v23, $0x4;
	v8 =	vld [tilespmem:s24+$0xD0]  }
0x14b: {  	[tilespmem:s17+$0xFFFFFF50] =	vst v1;
	v13 =	vbroadcast v25, $0x4;
	v1 =	vmul.f32 v27, v18;
	v27 =	vld [tilespmem:s19+$0xFFFFFF60]  }
0x14c: {  	v18 =	vbroadcast v26, $0x4;
	[tilespmem:s20+$0xFFFFFF20] =	vst v7;
	v22 =	vld [tilespmem:s23+$0x50];
	v7 =	vmul.f32 v20, v9  }
0x14d: {  	[tilespmem:s20+$0xFFFFFFC0] =	vst v1;
	v1 =	vbroadcast v24, $0x5;
	v9 =	vld [tilespmem:s19+$0xFFFFFFF0];
	v13 =	vmul.f32 v21, v13  }
0x14e: {  	v20 =	vld [tilespmem:s23+$0xFFFFFF50];
	[tilespmem:s9+$0xFFFFFFB0] =	vst v7;
	v5 =	vmul.f32 v5, v18  }
0x14f: {  	[tilespmem:s9+$0x40] =	vst v13;
	v7 =	vld [tilespmem:s24+$0xFFFFFFD0];
	v1 =	vmul.f32 v8, v1  }
0x150: {  	v4 =	vmul.f32 v27, v4;
	v13 =	vld [tilespmem:s24+$0x50];
	[tilespmem:s9+$0xFFFFFF20] =	vst v5  }
0x151: {  	v8 =	vmul.f32 v22, v15;
	[tilespmem:s9+$0xE0] =	vst v1;
	v1 =	vld [tilespmem:s24+$0xFFFFFF50]  }
0x152: {  	[tilespmem:s18+$0xFFFFFF40] =	vst v4;
	v5 =	vbroadcast v23, $0x5;
	v6 =	vmul.f32 v9, v6;
	v9 =	vld [tilespmem:s24+$0xE0]  }
0x153: {  	v15 =	vld [tilespmem:s19+$0x70];
	v4 =	vmul.f32 v20, v11;
	[tilespmem:s20+$0x50] =	vst v8;
	v8 =	vbroadcast v25, $0x5  }
0x154: {  	v18 =	vld [tilespmem:s23+$0xFFFFFFE0];
	v11 =	vbroadcast v26, $0x5;
	[tilespmem:s18+$0xFFFFFFE0] =	vst v6;
	v5 =	vmul.f32 v7, v5  }
0x155: {  	v6 =	vld [tilespmem:s23+$0x60];
	[tilespmem:s20+$0xFFFFFF30] =	vst v4;
	v7 =	vbroadcast v24, $0x6;
	v4 =	vmul.f32 v13, v8  }
0x156: {  	v8 =	vld [tilespmem:s23+$0xFFFFFF60];
	[tilespmem:s9+$0xFFFFFFC0] =	vst v5;
	v1 =	vmul.f32 v1, v11  }
0x157: {  	[tilespmem:s9+$0x50] =	vst v4;
	v5 =	vmul.f32 v9, v7;
	v7 =	vld [tilespmem:s24+$0xFFFFFFE0]  }
0x158: {  	v3 =	vmul.f32 v15, v3;
	v4 =	vld [tilespmem:s24+$0x60];
	[tilespmem:s9+$0xFFFFFF30] =	vst v1  }
0x159: {  	v1 =	vmul.f32 v18, v12;
	[tilespmem:s9+$0xF0] =	vst v5;
	v5 =	vld [tilespmem:s24+$0xFFFFFF60]  }
0x15a: {  	[tilespmem:s18+$0x70] =	vst v3;
	v9 =	vbroadcast v23, $0x6;
	v3 =	vmul.f32 v6, v19;
	v12 =	vld [tilespmem:s19+$0xFFFFFF70]  }
0x15b: {  	v6 =	vbroadcast v25, $0x6;
	v11 =	vld [tilespmem:s24+$0xF0];
	[tilespmem:s20+$0xFFFFFFD0] =	vst v1;
	v1 =	vmul.f32 v8, v10  }
0x15c: {  	[tilespmem:s20+$0x60] =	vst v3;
	v8 =	vbroadcast v26, $0x6;
	v3 =	vld [tilespmem:s23+$0xFFFFFFF0];
	v7 =	vmul.f32 v7, v9  }
0x15d: {  	v10 =	vld [tilespmem:s23+$0x70];
	[tilespmem:s20+$0xFFFFFF40] =	vst v1;
	v1 =	vmul.f32 v4, v6  }
0x15e: {  	v9 =	vbroadcast v24, $0x7;
	v4 =	vld [tilespmem:s23+$0xFFFFFF70];
	[tilespmem:s9+$0xFFFFFFD0] =	vst v7;
	v5 =	vmul.f32 v5, v8  }
0x15f: {  	v2 =	vmul.f32 v12, v2;
	[tilespmem:s9+$0x60] =	vst v1;
	v1 =	vld [tilespmem:s24+$0xFFFFFFF0]  }
0x160: {  	v6 =	vmul.f32 v11, v9;
	v7 =	vld [tilespmem:s24+$0x70];
	[tilespmem:s9+$0xFFFFFF40] =	vst v5  }
0x161: {  	[tilespmem:s18+$0xFFFFFF50] =	vst v2;
	v3 =	vmul.f32 v3, v16;
	v5 =	vld [tilespmem:s24+$0xFFFFFF70]  }
0x162: {  	v2 =	vmul.f32 v10, v17;
	[tilespmem:s9+$0x100] =	vst v6;
	v6 =	vbroadcast v23, $0x7  }
0x163: {  	v8 =	vbroadcast v25, $0x7;
	[tilespmem:s20+$0xFFFFFFE0] =	vst v3;
	v3 =	vmul.f32 v4, v14  }
0x164: {  	[tilespmem:s20+$0x70] =	vst v2;
	v4 =	vbroadcast v26, $0x7;
	v1 =	vmul.f32 v1, v6  }
0x165: {  	[tilespmem:s20+$0xFFFFFF50] =	vst v3;
	v2 =	vmul.f32 v7, v8  }
0x166: {  	[tilespmem:s9+$0xFFFFFFE0] =	vst v1;
	v1 =	vmul.f32 v5, v4  }
0x167: {  	[tilespmem:s9+$0x70] =	vst v2  }
0x168: {  	[tilespmem:s9+$0xFFFFFF50] =	vst v1  }
0x169: {  	[spmem:s3] =	stream.indirect.scatter.add.f32 [tilespmem:s25], [sflag:$0x3], $0x90, s4, s28, $0xb8;
	[tilespmem:$0x1D520] =	vst v63  }
0x16a: {  	_ =	swait.ge [sflag:s26], $0x2400  }
0x16b: {  	[sflag:s26] =	ssyncset.done $0x0  }
0x16c: {  	[sflag:s26] =	ssyncadd.s32 $0xFFFFDC00  }
0x16d: {  	_ =	swait.ge [sflag:s14], $0x2000  }
0x16e: {  	[sflag:s14] =	ssyncset.done $0x0  }
0x16f: {  	[sflag:s14] =	ssyncadd.s32 $0xFFFFE000  }
0x170: {  	s13 =	sshll.u32 s16, $0x1;
	_ =	swait.ge [sflag:s14], $0x400  }
0x171: {  	s9 =	smin.u32 s13, $0x9F;
	[sflag:s14] =	ssyncset.done $0x0  }
0x172: {  	s9 =	sshll.u32 s9, $0x6;
	[sflag:s14] =	ssyncadd.s32 $0xFFFFFC00  }
0x173: {  	s9 =	sadd.s32 s9, s22;
	_ =	swait.ge [sflag:s14], $0x400  }
0x174: {  	s9 =	sshrl.u32 s9, $0x3;
	[sflag:s14] =	ssyncset.done $0x0  }
0x175: {  	s15 =	sadd.s32 s5, s9;
	[sflag:s14] =	ssyncadd.s32 $0xFFFFFC00  }
0x176: {  	[tilespmem:s4], [sflag:$0x3] =	stream.linear.gather [hbm4b:s15+s4], $0x40, $0x38;
	[tilespmem:$0x1D520] =	vst v63  }
0x177: {  	_ =	swait.ge [sflag:s26], $0x40  }
0x178: {  	[sflag:s26] =	ssyncset.done $0x0  }
0x179: {  	s9 =	sadd.s32 s6, s9;
	[sflag:s26] =	ssyncadd.s32 $0xFFFFFFC0  }
0x17a: {  	[tilespmem:s28], [sflag:$0x3] =	stream.linear.gather [hbm4b:s9+s4], $0x40, $0x38;
	[tilespmem:$0x1D520] =	vst v63  }
0x17b: {  	_ =	swait.ge [sflag:s26], $0x40  }
0x17c: {  	[sflag:s26] =	ssyncset.done $0x0  }
0x17d: {  	[sflag:s26] =	ssyncadd.s32 $0xFFFFFFC0  }
0x17e: {  	[tilespmem:s29], [sflag:$0x1] =	stream.indirect.gather [hbm4b:s2+s28], $0x80, s28, s28, $0xb8;
	[tilespmem:$0x1D520] =	vst v63  }
0x17f: {  	_ = 	snop  }
0x180: {  	[tilespmem:s30], [sflag:$0x1] =	stream.indirect.gather [hbm4b:s7+s28], $0x10, s4, s28, $0xb8;
	[tilespmem:$0x1D520] =	vst v63  }
0x181: {  	s17 =	simm.s32 $0x2920  }
0x182: {  	[tilespmem:s31], [sflag:$0x1] =	stream.indirect.gather [hbm4b:s8+s28], $0x10, s28, s28, $0xb8;
	[tilespmem:$0x1D520] =	vst v63  }
0x183: {  	s18 =	simm.s32 $0x2D20;
	v1 =	vld [tilespmem:s17+$0x10]  }
0x184: {  	v2 =	vld [tilespmem:s18+$0x10];
	_ =	sdelay $0x4  }
0x185: {  	v1 =	vadd.f32 v2, v1;
	_ =	sdelay $0x1  }
0x186: {  	v2 =	vmul.f32 $2.000000030e-01, v1  }
0x187: {  	v4 =	vld [tilespmem:s17+$0xFFFFFFF0]  }
0x188: {  	v1 =	vmax.f32 v1, v2;
	v2 =	vld [tilespmem:s18+$0xFFFFFFF0]  }
0x189: {  	v5 =	vld [tilespmem:s17+$0x0];
	v1 =	vmul.f32 $1.442695020e+00, v1  }
0x18a: {  	v6 =	vld [tilespmem:s18+$0x0]  }
0x18b: {  	(erf) = vpow2.f32 v1  }
0x18c: {  	v3 =	vld [tilespmem:s18+$0xFFFFFFE0]  }
0x18d: {  	v1 =	vld [tilespmem:s17+$0xFFFFFFE0];
	v2 =	vadd.f32 v2, v4;
	_ =	sdelay $0x1  }
0x18e: {  	v4 =	vadd.f32 v6, v5;
	v5 =	vmul.f32 $2.000000030e-01, v2;
	_ =	sdelay $0x1  }
0x18f: {  	v2 =	vmax.f32 v2, v5  }
0x190: {  	v1 =	vadd.f32 v3, v1  }
0x191: {  	v3 =	vmul.f32 $2.000000030e-01, v4  }
0x192: {  	s17 =	simm.s32 $0x5220;
	v5 =	vmul.f32 $2.000000030e-01, v1;
	v6 =	vmul.f32 $1.442695020e+00, v2;
	v2 =	vpop (erf)  }
0x193: {  	s24 =	simm.s32 $0x3200;
	v3 =	vmax.f32 v4, v3;
	[tilespmem:s17+$0x110] =	vst v2  }
0x194: {  	v3 =	vmul.f32 $1.442695020e+00, v3;
	v1 =	vmax.f32 v1, v5;
	v4 =	vld [tilespmem:s24+$0x80]  }
0x195: {  	(erf) = vpow2.f32 v6;
	v1 =	vmul.f32 $1.442695020e+00, v1  }
0x196: {  	(erf) = vpow2.f32 v3  }
0x197: {  	(erf) = vpow2.f32 v1;
	v1 =	vbroadcast v2, $0x0;
	_ =	sdelay $0x1  }
0x198: {  	s20 =	simm.s32 $0x2D60;
	v1 =	vmul.f32 v1, v4  }
0x199: {  	s19 =	simm.s32 $0x2960;
	v10 =	vld [tilespmem:s20+$0x10]  }
0x19a: {  	v13 =	vld [tilespmem:s19+$0xFFFFFFF0];
	[tilespmem:s17+$0x90] =	vst v1  }
0x19b: {  	v3 =	vld [tilespmem:s24+$0x90]  }
0x19c: {  	s23 =	simm.s32 $0x29A0;
	v14 =	vld [tilespmem:s20+$0x0]  }
0x19d: {  	s12 =	simm.s32 $0x2DA0;
	v30 =	vld [tilespmem:s23+$0x10];
	v5 =	vpop (erf)  }
0x19e: {  	v49 =	vld [tilespmem:s12+$0x10];
	v7 =	vbroadcast v2, $0x1;
	[tilespmem:s17+$0xFFFFFFF0] =	vst v5  }
0x19f: {  	v4 =	vpop (erf);
	v6 =	vld [tilespmem:s24+$0xFFFFFF80]  }
0x1a0: {  	v18 =	vld [tilespmem:s20+$0xFFFFFFE0];
	[tilespmem:s17+$0x80] =	vst v4;
	v3 =	vmul.f32 v7, v3  }
0x1a1: {  	v8 =	vld [tilespmem:s24+$0x0]  }
0x1a2: {  	v1 =	vpop (erf);
	v7 =	vld [tilespmem:s19+$0x10];
	[tilespmem:s17+$0xA0] =	vst v3;
	v3 =	vbroadcast v5, $0x0  }
0x1a3: {  	v30 =	vadd.f32 v49, v30;
	[tilespmem:s17+$0xFFFFFF60] =	vst v1;
	v11 =	vld [tilespmem:s24+$0xA0]  }
0x1a4: {  	v12 =	vbroadcast v4, $0x0;
	v9 =	vld [tilespmem:s24+$0xFFFFFF00];
	v3 =	vmul.f32 v3, v6  }
0x1a5: {  	v63 =	vmul.f32 $2.000000030e-01, v30;
	v6 =	vld [tilespmem:s20+$0xFFFFFFF0]  }
0x1a6: {  	v8 =	vmul.f32 v12, v8;
	v12 =	vld [tilespmem:s19+$0x0];
	[tilespmem:s17+$0xFFFFFF70] =	vst v3;
	v3 =	vbroadcast v2, $0x2  }
0x1a7: {  	v17 =	vbroadcast v5, $0x1;
	v25 =	vbroadcast v5, $0x7;
	v7 =	vadd.f32 v10, v7;
	v15 =	vld [tilespmem:s24+$0xFFFFFF90]  }
0x1a8: {  	v20 =	vld [tilespmem:s19+$0xFFFFFFE0];
	v19 =	vbroadcast v4, $0x1;
	[tilespmem:s17+$0x0] =	vst v8;
	v3 =	vmul.f32 v3, v11  }
0x1a9: {  	v10 =	vbroadcast v1, $0x0;
	v8 =	vld [tilespmem:s24+$0x10];
	v11 =	vmul.f32 $2.000000030e-01, v7  }
0x1aa: {  	v21 =	vbroadcast v4, $0x4;
	v16 =	vbroadcast v1, $0x1;
	[tilespmem:s17+$0xB0] =	vst v3;
	v3 =	vadd.f32 v6, v13  }
0x1ab: {  	v6 =	vmax.f32 v7, v11;
	v7 =	vmul.f32 v10, v9;
	v10 =	vadd.f32 v14, v12  }
0x1ac: {  	v9 =	vld [tilespmem:s24+$0xB0];
	v6 =	vmul.f32 $1.442695020e+00, v6;
	v11 =	vmul.f32 v17, v15  }
0x1ad: {  	v12 =	vmul.f32 $2.000000030e-01, v3;
	[tilespmem:s17+$0xFFFFFEE0] =	vst v7;
	v7 =	vmul.f32 $2.000000030e-01, v10  }
0x1ae: {  	v13 =	vadd.f32 v18, v20;
	(erf) = vpow2.f32 v6;
	v6 =	vmul.f32 v19, v8;
	v8 =	vld [tilespmem:s24+$0xFFFFFF10]  }
0x1af: {  	[tilespmem:s17+$0xFFFFFF80] =	vst v11;
	v11 =	vbroadcast v2, $0x3;
	v3 =	vmax.f32 v3, v12;
	v7 =	vmax.f32 v10, v7  }
0x1b0: {  	v12 =	vld [tilespmem:s24+$0xFFFFFFA0];
	v3 =	vmul.f32 $1.442695020e+00, v3;
	v7 =	vmul.f32 $1.442695020e+00, v7  }
0x1b1: {  	[tilespmem:s17+$0x10] =	vst v6;
	v6 =	vmul.f32 $2.000000030e-01, v13;
	v9 =	vmul.f32 v9, v11  }
0x1b2: {  	(erf) = vpow2.f32 v3;
	v3 =	vbroadcast v5, $0x2  }
0x1b3: {  	v11 =	vld [tilespmem:s24+$0x20];
	[tilespmem:s17+$0xC0] =	vst v9;
	(erf) = vpow2.f32 v7;
	v7 =	vmul.f32 v16, v8  }
0x1b4: {  	v26 =	vbroadcast v4, $0x7;
	v23 =	vbroadcast v1, $0x6;
	v8 =	vld [tilespmem:s24+$0xC0]  }
0x1b5: {  	v14 =	vbroadcast v5, $0x3;
	v6 =	vmax.f32 v13, v6;
	v3 =	vmul.f32 v3, v12;
	[tilespmem:s17+$0xFFFFFEF0] =	vst v7  }
0x1b6: {  	v6 =	vmul.f32 $1.442695020e+00, v6;
	v12 =	vbroadcast v4, $0x2;
	v13 =	vld [tilespmem:s24+$0xFFFFFF20]  }
0x1b7: {  	s18 =	simm.s32 $0x5460;
	v15 =	vbroadcast v1, $0x3;
	[tilespmem:s17+$0xFFFFFF90] =	vst v3;
	v3 =	vbroadcast v2, $0x4;
	v10 =	vpop (erf)  }
0x1b8: {  	s19 =	simm.s32 $0x3400;
	(erf) = vpow2.f32 v6;
	v6 =	vmul.f32 v12, v11;
	v11 =	vld [tilespmem:s24+$0xFFFFFFB0];
	[tilespmem:s18+$0x110] =	vst v10  }
0x1b9: {  	v9 =	vbroadcast v1, $0x2;
	v3 =	vmul.f32 v8, v3;
	v16 =	vld [tilespmem:s19+$0x80]  }
0x1ba: {  	v53 =	vld [tilespmem:s12+$0xFFFFFFE0];
	v17 =	vbroadcast v4, $0x3;
	v19 =	vbroadcast v5, $0x4  }
0x1bb: {  	v55 =	vld [tilespmem:s23+$0xFFFFFFF0];
	v7 =	vbroadcast v1, $0x4;
	[tilespmem:s17+$0xD0] =	vst v3;
	v9 =	vmul.f32 v9, v13  }
0x1bc: {  	v12 =	vbroadcast v1, $0x5;
	[tilespmem:s17+$0x20] =	vst v6;
	v6 =	vpop (erf);
	v13 =	vbroadcast v10, $0x0;
	v22 =	vld [tilespmem:s24+$0xD0]  }
0x1bd: {  	v57 =	vld [tilespmem:s12+$0xFFFFFFF0];
	v1 =	vbroadcast v1, $0x7;
	v3 =	vpop (erf);
	v11 =	vmul.f32 v11, v14;
	[tilespmem:s17+$0xFFFFFF00] =	vst v9  }
0x1be: {  	v56 =	vbroadcast v10, $0x2;
	v18 =	vld [tilespmem:s24+$0x30];
	[tilespmem:s18+$0x80] =	vst v3;
	v16 =	vmul.f32 v13, v16  }
0x1bf: {  	v45 =	vbroadcast v10, $0x3;
	v9 =	vld [tilespmem:s19+$0x0];
	[tilespmem:s17+$0xFFFFFFA0] =	vst v11;
	v11 =	vbroadcast v2, $0x5  }
0x1c0: {  	v59 =	vld [tilespmem:s23+$0x0];
	v8 =	vbroadcast v5, $0x5;
	v31 =	vbroadcast v6, $0x1;
	[tilespmem:s18+$0x90] =	vst v16  }
0x1c1: {  	[tilespmem:s18+$0xFFFFFFF0] =	vst v6;
	v54 =	vbroadcast v6, $0x3;
	v11 =	vmul.f32 v22, v11;
	v22 =	vld [tilespmem:s19+$0x90]  }
0x1c2: {  	v14 =	vld [tilespmem:s19+$0xFFFFFF80];
	v13 =	vbroadcast v4, $0x5;
	v20 =	vpop (erf);
	v16 =	vbroadcast v3, $0x0  }
0x1c3: {  	v62 =	vld [tilespmem:s23+$0xFFFFFFE0];
	v48 =	vbroadcast v3, $0x1;
	v17 =	vmul.f32 v18, v17;
	[tilespmem:s18+$0xFFFFFF60] =	vst v20  }
0x1c4: {  	v24 =	vld [tilespmem:s24+$0xFFFFFF30];
	[tilespmem:s17+$0xE0] =	vst v11;
	v11 =	vbroadcast v10, $0x1;
	v9 =	vmul.f32 v16, v9  }
0x1c5: {  	v52 =	vbroadcast v3, $0x2;
	v18 =	vbroadcast v6, $0x0;
	v27 =	vld [tilespmem:s24+$0xFFFFFFC0];
	[tilespmem:s17+$0x30] =	vst v17  }
0x1c6: {  	v58 =	vbroadcast v3, $0x3;
	v28 =	vld [tilespmem:s19+$0xFFFFFF00];
	[tilespmem:s18+$0x0] =	vst v9;
	v9 =	vmul.f32 v11, v22  }
0x1c7: {  	v50 =	vbroadcast v20, $0x2;
	v18 =	vmul.f32 v18, v14;
	v29 =	vld [tilespmem:s24+$0x40]  }
0x1c8: {  	v17 =	vbroadcast v5, $0x6;
	v14 =	vbroadcast v4, $0x6;
	v16 =	vld [tilespmem:s24+$0xE0];
	[tilespmem:s18+$0xA0] =	vst v9  }
0x1c9: {  	v24 =	vmul.f32 v24, v15;
	v15 =	vbroadcast v3, $0x4;
	[tilespmem:s18+$0xFFFFFF70] =	vst v18;
	v51 =	vld [tilespmem:s19+$0xA0]  }
0x1ca: {  	v18 =	vbroadcast v20, $0x0;
	v5 =	vld [tilespmem:s19+$0xFFFFFF90];
	v19 =	vmul.f32 v27, v19  }
0x1cb: {  	v22 =	vbroadcast v20, $0x1;
	v11 =	vbroadcast v20, $0x3;
	v4 =	vld [tilespmem:s19+$0x10]  }
0x1cc: {  	v61 =	vld [tilespmem:s12+$0x0];
	v28 =	vmul.f32 v18, v28;
	v18 =	vbroadcast v2, $0x6  }
0x1cd: {  	s15 =	simm.s32 $0x2DE0;
	v2 =	vbroadcast v2, $0x7;
	v21 =	vmul.f32 v29, v21  }
0x1ce: {  	v44 =	vld [tilespmem:s15+$0xFFFFFFE0];
	[tilespmem:s17+$0xFFFFFF10] =	vst v24;
	v29 =	vmax.f32 v30, v63;
	v9 =	vbroadcast v6, $0x2;
	v35 =	vmul.f32 v56, v51  }
0x1cf: {  	v43 =	vadd.f32 v53, v62;
	v47 =	vld [tilespmem:s24+$0xFFFFFF40];
	[tilespmem:s18+$0xFFFFFEE0] =	vst v28;
	v29 =	vmul.f32 $1.442695020e+00, v29;
	v5 =	vmul.f32 v31, v5  }
0x1d0: {  	v28 =	vadd.f32 v57, v55;
	v60 =	vmul.f32 v16, v18;
	v30 =	vld [tilespmem:s19+$0xFFFFFF10];
	v4 =	vmul.f32 v48, v4;
	[tilespmem:s18+$0xB0] =	vst v35  }
0x1d1: {  	v31 =	vadd.f32 v61, v59;
	(erf) = vpow2.f32 v29;
	v29 =	vmul.f32 $2.000000030e-01, v43;
	[tilespmem:s18+$0xFFFFFF80] =	vst v5;
	v27 =	vld [tilespmem:s19+$0xB0]  }
0x1d2: {  	v16 =	vbroadcast v20, $0x4;
	v5 =	vmul.f32 $2.000000030e-01, v28;
	[tilespmem:s18+$0x10] =	vst v4;
	v4 =	vld [tilespmem:s19+$0xFFFFFFA0]  }
0x1d3: {  	[tilespmem:s17+$0xFFFFFFB0] =	vst v19;
	v18 =	vbroadcast v6, $0x4;
	v46 =	vmul.f32 $2.000000030e-01, v31;
	v29 =	vmax.f32 v43, v29;
	v24 =	vld [tilespmem:s19+$0x20]  }
0x1d4: {  	s13 =	simm.s32 $0x29E0;
	v19 =	vmul.f32 $1.442695020e+00, v29;
	v29 =	vld [tilespmem:s24+$0xFFFFFFD0];
	v28 =	vmax.f32 v28, v5;
	v5 =	vbroadcast v20, $0x5  }
0x1d5: {  	v63 =	vld [tilespmem:s13+$0x10];
	[tilespmem:s17+$0xF0] =	vst v60;
	v31 =	vmax.f32 v31, v46;
	v22 =	vmul.f32 v22, v30;
	v28 =	vmul.f32 $1.442695020e+00, v28  }
0x1d6: {  	[tilespmem:s17+$0x40] =	vst v21;
	v48 =	vld [tilespmem:s24+$0xF0];
	v30 =	vmul.f32 $1.442695020e+00, v31;
	v27 =	vmul.f32 v27, v45  }
0x1d7: {  	[tilespmem:s18+$0xFFFFFEF0] =	vst v22;
	v22 =	vld [tilespmem:s24+$0x50];
	(erf) = vpow2.f32 v28;
	v4 =	vmul.f32 v9, v4  }
0x1d8: {  	v21 =	vld [tilespmem:s19+$0xFFFFFF20];
	v28 =	vbroadcast v3, $0x5;
	v9 =	vmul.f32 v52, v24;
	[tilespmem:s18+$0xC0] =	vst v27  }
0x1d9: {  	(erf) = vpow2.f32 v30;
	v24 =	vmul.f32 v29, v8;
	[tilespmem:s18+$0xFFFFFF90] =	vst v4;
	v27 =	vld [tilespmem:s19+$0xC0]  }
0x1da: {  	(erf) = vpow2.f32 v19;
	v4 =	vmul.f32 v47, v7;
	v30 =	vld [tilespmem:s19+$0xFFFFFFB0];
	[tilespmem:s18+$0x20] =	vst v9  }
0x1db: {  	v33 =	vmul.f32 v48, v2;
	v2 =	vbroadcast v20, $0x7;
	[tilespmem:s17+$0xFFFFFFC0] =	vst v24;
	v31 =	vld [tilespmem:s19+$0x30]  }
0x1dc: {  	s20 =	simm.s32 $0x56A0;
	v7 =	vbroadcast v10, $0x4;
	v13 =	vmul.f32 v22, v13;
	[tilespmem:s17+$0xFFFFFF20] =	vst v4;
	v36 =	vld [tilespmem:s24+$0xFFFFFFE0];
	v9 =	vpop (erf)  }
0x1dd: {  	s23 =	simm.s32 $0x3600;
	v19 =	vbroadcast v6, $0x5;
	v21 =	vmul.f32 v50, v21;
	v32 =	vld [tilespmem:s24+$0xFFFFFF50];
	[tilespmem:s20+$0x110] =	vst v9  }
0x1de: {  	v8 =	vbroadcast v6, $0x6;
	[tilespmem:s17+$0x50] =	vst v13;
	v49 =	vld [tilespmem:s23+$0x80];
	v7 =	vmul.f32 v27, v7  }
0x1df: {  	v6 =	vbroadcast v6, $0x7;
	v52 =	vbroadcast v10, $0x5;
	[tilespmem:s18+$0xFFFFFF00] =	vst v21;
	v43 =	vld [tilespmem:s24+$0x60]  }
0x1e0: {  	v4 =	vbroadcast v20, $0x6;
	v21 =	vld [tilespmem:s19+$0xFFFFFF30];
	v24 =	vpop (erf);
	v20 =	vmul.f32 v30, v54;
	[tilespmem:s18+$0xD0] =	vst v7  }
0x1e1: {  	[tilespmem:s20+$0xFFFFFFF0] =	vst v24;
	v30 =	vbroadcast v9, $0x0;
	v54 =	vbroadcast v24, $0x0;
	v50 =	vld [tilespmem:s19+$0xD0]  }
0x1e2: {  	v34 =	vbroadcast v24, $0x2;
	v39 =	vbroadcast v24, $0x3;
	v51 =	vld [tilespmem:s23+$0xFFFFFF80];
	[tilespmem:s18+$0xFFFFFFA0] =	vst v20;
	v27 =	vpop (erf)  }
0x1e3: {  	[tilespmem:s20+$0x80] =	vst v27;
	v29 =	vpop (erf);
	v22 =	vmul.f32 v30, v49;
	v30 =	vmul.f32 v31, v58;
	v31 =	vld [tilespmem:s19+$0xFFFFFFC0]  }
0x1e4: {  	v17 =	vmul.f32 v36, v17;
	v32 =	vmul.f32 v32, v12;
	v20 =	vld [tilespmem:s23+$0x0];
	[tilespmem:s20+$0xFFFFFF60] =	vst v29  }
0x1e5: {  	v12 =	vbroadcast v24, $0x6;
	v14 =	vmul.f32 v43, v14;
	v56 =	vld [tilespmem:s23+$0xFFFFFF00];
	[tilespmem:s20+$0x90] =	vst v22  }
0x1e6: {  	v55 =	vbroadcast v27, $0x0;
	v57 =	vld [tilespmem:s23+$0x90];
	v53 =	vmul.f32 v50, v52  }
0x1e7: {  	v37 =	vbroadcast v27, $0x1;
	[tilespmem:s18+$0x30] =	vst v30;
	v58 =	vmul.f32 v54, v51;
	v54 =	vld [tilespmem:s15+$0x0]  }
0x1e8: {  	v45 =	vbroadcast v27, $0x2;
	v7 =	vbroadcast v3, $0x6;
	v60 =	vld [tilespmem:s19+$0x40];
	[tilespmem:s18+$0xE0] =	vst v53  }
0x1e9: {  	[tilespmem:s20+$0xFFFFFF70] =	vst v58;
	v13 =	vmul.f32 v55, v20;
	v20 =	vbroadcast v9, $0x1;
	v59 =	vld [tilespmem:s19+$0xE0]  }
0x1ea: {  	v3 =	vbroadcast v3, $0x7;
	v40 =	vbroadcast v29, $0x1;
	v61 =	vld [tilespmem:s23+$0xFFFFFF90]  }
0x1eb: {  	[tilespmem:s17+$0x60] =	vst v14;
	v38 =	vbroadcast v29, $0x2;
	v55 =	vld [tilespmem:s13+$0xFFFFFFE0];
	v41 =	vmul.f32 v20, v57  }
0x1ec: {  	v14 =	vbroadcast v29, $0x7;
	[tilespmem:s20+$0x0] =	vst v13;
	v13 =	vbroadcast v10, $0x6;
	v57 =	vld [tilespmem:s15+$0x10]  }
0x1ed: {  	v22 =	vbroadcast v29, $0x0;
	v58 =	vmul.f32 v21, v11;
	v62 =	vld [tilespmem:s23+$0x10];
	[tilespmem:s20+$0xA0] =	vst v41  }
0x1ee: {  	v30 =	vbroadcast v24, $0x1;
	v13 =	vmul.f32 v59, v13;
	v59 =	vld [tilespmem:s23+$0xA0]  }
0x1ef: {  	v21 =	vbroadcast v24, $0x4;
	v11 =	vbroadcast v29, $0x5;
	[tilespmem:s18+$0xFFFFFF10] =	vst v58;
	v52 =	vld [tilespmem:s13+$0xFFFFFFF0]  }
0x1f0: {  	v31 =	vmul.f32 v31, v18;
	v56 =	vmul.f32 v22, v56;
	v48 =	vld [tilespmem:s19+$0xFFFFFF40]  }
0x1f1: {  	[tilespmem:s17+$0x100] =	vst v33;
	v42 =	vmul.f32 v60, v15;
	v15 =	vbroadcast v9, $0x2;
	v60 =	vld [tilespmem:s15+$0xFFFFFFF0];
	v63 =	vadd.f32 v57, v63  }
0x1f2: {  	[tilespmem:s20+$0xFFFFFEE0] =	vst v56;
	v30 =	vmul.f32 v30, v61;
	v37 =	vmul.f32 v37, v62;
	v62 =	vld [tilespmem:s13+$0x0]  }
0x1f3: {  	[tilespmem:s18+$0xFFFFFFB0] =	vst v31;
	v58 =	vld [tilespmem:s23+$0xFFFFFF10];
	v57 =	vmul.f32 $2.000000030e-01, v63;
	v61 =	vmul.f32 v15, v59  }
0x1f4: {  	v18 =	vbroadcast v24, $0x5;
	v20 =	vbroadcast v29, $0x3;
	v49 =	vld [tilespmem:s19+$0xFFFFFFD0];
	[tilespmem:s18+$0xF0] =	vst v13  }
0x1f5: {  	v10 =	vbroadcast v10, $0x7;
	v16 =	vmul.f32 v48, v16;
	v33 =	vmax.f32 v63, v57;
	v51 =	vld [tilespmem:s19+$0xF0];
	[tilespmem:s20+$0xB0] =	vst v61  }
0x1f6: {  	[tilespmem:s20+$0xFFFFFF80] =	vst v30;
	v13 =	vbroadcast v29, $0x4;
	v33 =	vmul.f32 $1.442695020e+00, v33;
	v30 =	vld [tilespmem:s23+$0xB0]  }
0x1f7: {  	[tilespmem:s17+$0xFFFFFFD0] =	vst v17;
	v63 =	vbroadcast v9, $0x3;
	v31 =	vadd.f32 v54, v62;
	v59 =	vadd.f32 v60, v52  }
0x1f8: {  	[tilespmem:s17+$0xFFFFFF30] =	vst v32;
	v62 =	vadd.f32 v44, v55;
	v54 =	vmul.f32 v40, v58;
	v60 =	vld [tilespmem:s23+$0xFFFFFFA0];
	(erf) = vpow2.f32 v33  }
0x1f9: {  	[tilespmem:s20+$0x10] =	vst v37;
	v33 =	vmul.f32 v49, v19;
	v61 =	vmul.f32 $2.000000030e-01, v59  }
0x1fa: {  	[tilespmem:s18+$0x40] =	vst v42;
	v37 =	vld [tilespmem:s23+$0x20];
	v47 =	vmul.f32 $2.000000030e-01, v31;
	v52 =	vmul.f32 $2.000000030e-01, v62  }
0x1fb: {  	v53 =	vld [tilespmem:s19+$0x50];
	[tilespmem:s18+$0xFFFFFF20] =	vst v16;
	v56 =	vmul.f32 v51, v10;
	v50 =	vmax.f32 v59, v61;
	v30 =	vmul.f32 v30, v63  }
0x1fc: {  	v55 =	vld [tilespmem:s24+$0xFFFFFF60];
	[tilespmem:s20+$0xFFFFFEF0] =	vst v54;
	v10 =	vbroadcast v29, $0x6;
	v31 =	vmax.f32 v31, v47;
	v17 =	vmul.f32 $1.442695020e+00, v50  }
0x1fd: {  	v36 =	vmax.f32 v62, v52;
	v29 =	vld [tilespmem:s19+$0xFFFFFF50];
	v31 =	vmul.f32 $1.442695020e+00, v31;
	v34 =	vmul.f32 v34, v60;
	[tilespmem:s20+$0xC0] =	vst v30  }
0x1fe: {  	[tilespmem:s18+$0x100] =	vst v56;
	v56 =	vmul.f32 $1.442695020e+00, v36;
	(erf) = vpow2.f32 v17;
	v17 =	vld [tilespmem:s23+$0xC0]  }
0x1ff: {  	v57 =	vmul.f32 v45, v37;
	[tilespmem:s20+$0xFFFFFF90] =	vst v34;
	(erf) = vpow2.f32 v31;
	v31 =	vld [tilespmem:s23+$0xFFFFFF20]  }
0x200: {  	[tilespmem:s18+$0xFFFFFFC0] =	vst v33;
	v37 =	vmul.f32 v53, v28;
	v34 =	vld [tilespmem:s23+$0xFFFFFFB0];
	(erf) = vpow2.f32 v56  }
0x201: {  	v22 =	vbroadcast v27, $0x4;
	v58 =	vbroadcast v9, $0x4;
	[tilespmem:s20+$0x20] =	vst v57;
	v30 =	vld [tilespmem:s24+$0xFFFFFFF0]  }
0x202: {  	s9 =	simm.s32 $0x58E0;
	v16 =	vbroadcast v24, $0x7;
	v59 =	vld [tilespmem:s24+$0x70];
	v62 =	vmul.f32 v55, v23;
	[tilespmem:s18+$0x50] =	vst v37;
	v24 =	vpop (erf)  }
0x203: {  	s11 =	simm.s32 $0x3800;
	v41 =	vbroadcast v27, $0x3;
	v60 =	vld [tilespmem:s23+$0x30];
	[tilespmem:s9+$0x110] =	vst v24;
	v32 =	vmul.f32 v17, v58  }
0x204: {  	v48 =	vbroadcast v9, $0x6;
	[tilespmem:s17+$0xFFFFFF40] =	vst v62;
	v28 =	vld [tilespmem:s11+$0x80];
	v31 =	vmul.f32 v38, v31  }
0x205: {  	v15 =	vbroadcast v27, $0x5;
	v37 =	vld [tilespmem:s19+$0x60];
	v61 =	vmul.f32 v34, v39;
	[tilespmem:s20+$0xD0] =	vst v32  }
0x206: {  	v19 =	vbroadcast v27, $0x6;
	v38 =	vmul.f32 v30, v25;
	[tilespmem:s20+$0xFFFFFF00] =	vst v31;
	v30 =	vld [tilespmem:s23+$0xD0]  }
0x207: {  	v57 =	vbroadcast v9, $0x5;
	v36 =	vld [tilespmem:s24+$0xFFFFFF70];
	v54 =	vbroadcast v24, $0x0;
	[tilespmem:s20+$0xFFFFFFA0] =	vst v61;
	v23 =	vpop (erf)  }
0x208: {  	v31 =	vmul.f32 v60, v41;
	v17 =	vbroadcast v27, $0x7;
	v27 =	vld [tilespmem:s19+$0xFFFFFFE0];
	[tilespmem:s9+$0xFFFFFFF0] =	vst v23;
	v25 =	vpop (erf)  }
0x209: {  	v28 =	vmul.f32 v54, v28;
	v32 =	vmul.f32 v59, v26;
	v55 =	vld [tilespmem:s11+$0xFFFFFF80];
	[tilespmem:s9+$0x80] =	vst v25;
	v26 =	vpop (erf)  }
0x20a: {  	v63 =	vbroadcast v23, $0x0;
	v44 =	vbroadcast v23, $0x1;
	[tilespmem:s9+$0xFFFFFF60] =	vst v26;
	v59 =	vld [tilespmem:s11+$0x0]  }
0x20b: {  	[tilespmem:s20+$0x30] =	vst v31;
	v34 =	vbroadcast v23, $0x2;
	v60 =	vld [tilespmem:s11+$0xFFFFFF00];
	v30 =	vmul.f32 v30, v57  }
0x20c: {  	v39 =	vld [tilespmem:s23+$0xFFFFFF30];
	v31 =	vbroadcast v23, $0x3;
	v56 =	vbroadcast v25, $0x0;
	[tilespmem:s9+$0x90] =	vst v28  }
0x20d: {  	v43 =	vbroadcast v25, $0x1;
	v33 =	vbroadcast v25, $0x2;
	v61 =	vld [tilespmem:s11+$0x90];
	[tilespmem:s20+$0xE0] =	vst v30  }
0x20e: {  	v58 =	vbroadcast v26, $0x0;
	v30 =	vmul.f32 v63, v55;
	v45 =	vld [tilespmem:s23+$0xE0]  }
0x20f: {  	v40 =	vld [tilespmem:s23+$0xFFFFFFC0];
	v35 =	vbroadcast v26, $0x1;
	v47 =	vmul.f32 v56, v59  }
0x210: {  	v41 =	vld [tilespmem:s23+$0x40];
	v62 =	vmul.f32 v58, v60;
	v63 =	vbroadcast v24, $0x1;
	[tilespmem:s9+$0xFFFFFF70] =	vst v30  }
0x211: {  	v28 =	vbroadcast v26, $0x2;
	v42 =	vbroadcast v26, $0x3;
	[tilespmem:s9+$0x0] =	vst v47;
	v46 =	vld [tilespmem:s11+$0xFFFFFF90]  }
0x212: {  	s12 =	simm.s32 $0xC;
	s13 =	simm.s32 $0x2A20;
	s24 =	simm.s32 $0x3800;
	[tilespmem:s9+$0xFFFFFEE0] =	vst v62;
	v47 =	vld [tilespmem:s11+$0x10];
	v30 =	vbroadcast v25, $0x3;
	v49 =	vmul.f32 v63, v61  }
.LBB2_7:
0x213: {  	v50 =	vld [tilespmem:s13+$0x10];
	s15 =	sadd.s32 $0x40, s15;
	v39 =	vmul.f32 v39, v20;
	v45 =	vmul.f32 v45, v48;
	[tilespmem:s17+$0xFFFFFFE0] =	vst v38;
	v20 =	vmov v42  }
0x214: {  	v42 =	vbroadcast v26, $0x4;
	v48 =	vbroadcast v23, $0x4;
	v38 =	vld [tilespmem:s15+$0x10];
	[tilespmem:s9+$0xA0] =	vst v49  }
0x215: {  	v40 =	vmul.f32 v40, v21;
	v49 =	vbroadcast v25, $0x4;
	v51 =	vld [tilespmem:s11+$0xA0];
	[tilespmem:s20+$0xF0] =	vst v45  }
0x216: {  	v21 =	vmov v48;
	v44 =	vmul.f32 v44, v46;
	[tilespmem:s20+$0xFFFFFF10] =	vst v39;
	v39 =	vmul.f32 v41, v22;
	v41 =	vld [tilespmem:s23+$0xF0]  }
0x217: {  	s12 =	sadd.s32 $0x4, s12;
	v46 =	vbroadcast v26, $0x5;
	v22 =	vmov v49;
	v45 =	vld [tilespmem:s15+$0xFFFFFFE0];
	v43 =	vmul.f32 v43, v47;
	[tilespmem:s20+$0xFFFFFFB0] =	vst v40  }
0x218: {  	p0 =	slt.u32 s12, $0x3C;
	v47 =	vbroadcast v24, $0x2;
	v40 =	vld [tilespmem:s13+$0xFFFFFFF0];
	[tilespmem:s9+$0xFFFFFF80] =	vst v44;
	v44 =	vbroadcast v23, $0x5  }
0x219: {  	v49 =	vbroadcast v9, $0x7;
	v9 =	vmov v24;
	v48 =	vld [tilespmem:s15+$0xFFFFFFF0];
	[tilespmem:s9+$0x10] =	vst v43;
	v43 =	vbroadcast v25, $0x5  }
0x21a: {  	v29 =	vmul.f32 v29, v5;
	v5 =	vmovc v11;
	v11 =	vmov v46;
	v24 =	vld [tilespmem:s13+$0x0];
	v47 =	vmul.f32 v47, v51;
	[tilespmem:s20+$0x40] =	vst v39  }
0x21b: {  	v46 =	vbroadcast v26, $0x6;
	v38 =	vadd.f32 v38, v50;
	v39 =	vld [tilespmem:s15+$0x0];
	v41 =	vmul.f32 v41, v49;
	[tilespmem:s17+$0x70] =	vst v32  }
0x21c: {  	v50 =	vbroadcast v25, $0x6;
	v49 =	vbroadcast v23, $0x6;
	v32 =	vld [tilespmem:s13+$0xFFFFFFE0];
	[tilespmem:s9+$0xB0] =	vst v47  }
0x21d: {  	v27 =	vmul.f32 v27, v8;
	v8 =	vmov v12;
	v47 =	vmul.f32 $2.000000030e-01, v38;
	v51 =	vld [tilespmem:s11+$0xFFFFFF10];
	[tilespmem:s20+$0x100] =	vst v41  }
0x21e: {  	v26 =	vbroadcast v26, $0x7;
	v12 =	vmovc v49;
	v40 =	vadd.f32 v48, v40;
	v41 =	vld [tilespmem:s11+$0xB0];
	[tilespmem:s18+$0xFFFFFF30] =	vst v29;
	v29 =	vmul.f32 v37, v7  }
0x21f: {  	v25 =	vbroadcast v25, $0x7;
	v23 =	vbroadcast v23, $0x7;
	v37 =	vmax.f32 v38, v47;
	v7 =	vmovc v19;
	v19 =	vmovc v50;
	v38 =	vld [tilespmem:s11+$0xFFFFFFA0];
	[tilespmem:s18+$0xFFFFFFD0] =	vst v27  }
0x220: {  	v37 =	vmul.f32 $1.442695020e+00, v37;
	v27 =	vmul.f32 $2.000000030e-01, v40;
	v24 =	vadd.f32 v39, v24;
	v39 =	vld [tilespmem:s11+$0x20];
	[tilespmem:s18+$0x60] =	vst v29  }
0x221: {  	v36 =	vmul.f32 v36, v1;
	v1 =	vmovc v2;
	v2 =	vmovc v14;
	v29 =	vadd.f32 v45, v32;
	v32 =	vbroadcast v9, $0x3;
	v45 =	vld [tilespmem:s23+$0xFFFFFF40]  }
0x222: {  	v14 =	vmovc v26;
	v27 =	vmax.f32 v40, v27;
	v40 =	vmul.f32 $2.000000030e-01, v24;
	(erf) = vpow2.f32 v37;
	v37 =	vld [tilespmem:s23+$0xFFFFFFD0]  }
0x223: {  	v26 =	vmul.f32 $2.000000030e-01, v29;
	v32 =	vmul.f32 v41, v32;
	v41 =	vld [tilespmem:s23+$0x50];
	[tilespmem:s17+$0xFFFFFF50] =	vst v36;
	s17 =	smov.u32 s18;
	s18 =	smov.u32 s20;
	s20 =	smov.u32 s9  }
0x224: {  	v35 =	vmul.f32 v35, v51;
	v27 =	vmul.f32 $1.442695020e+00, v27;
	v24 =	vmax.f32 v24, v40;
	v36 =	vld [tilespmem:s19+$0xFFFFFF60]  }
0x225: {  	v26 =	vmax.f32 v29, v26;
	v24 =	vmul.f32 $1.442695020e+00, v24;
	v29 =	vmul.f32 v34, v38;
	[tilespmem:s9+$0xC0] =	vst v32;
	v32 =	vld [tilespmem:s19+$0xFFFFFFF0]  }
0x226: {  	v26 =	vmul.f32 $1.442695020e+00, v26;
	(erf) = vpow2.f32 v27;
	[tilespmem:s9+$0xFFFFFEF0] =	vst v35;
	v27 =	vld [tilespmem:s11+$0xC0]  }
0x227: {  	(erf) = vpow2.f32 v24;
	v34 =	vld [tilespmem:s11+$0xFFFFFF20];
	[tilespmem:s9+$0xFFFFFF90] =	vst v29;
	v24 =	vmul.f32 v33, v39  }
0x228: {  	v29 =	vmul.f32 v45, v13;
	v13 =	vmov v42;
	(erf) = vpow2.f32 v26;
	v26 =	vld [tilespmem:s11+$0xFFFFFFB0]  }
0x229: {  	v33 =	vbroadcast v9, $0x4;
	v35 =	vmul.f32 v37, v18;
	v18 =	vmov v44;
	[tilespmem:s9+$0x20] =	vst v24;
	v37 =	vld [tilespmem:s19+$0x70]  }
0x22a: {  	v42 =	vmul.f32 v41, v15;
	v15 =	vmovc v43;
	v36 =	vmul.f32 v36, v4;
	v4 =	vmov v10;
	v40 =	vld [tilespmem:s11+$0x30];
	[tilespmem:s18+$0xFFFFFF20] =	vst v29  }
0x22b: {  	s9 =	sadd.s32 $0x240, s9;
	v10 =	vmov v46;
	v38 =	vmul.f32 v32, v6;
	v24 =	vpop (erf);
	v33 =	vmul.f32 v27, v33;
	v29 =	vld [tilespmem:s23+$0xFFFFFF50];
	[tilespmem:s18+$0xFFFFFFC0] =	vst v35  }
0x22c: {  	s11 =	sadd.s32 $0x200, s11;
	v6 =	vmov v16;
	v16 =	vmov v23;
	[tilespmem:s9+$0x110] =	vst v24;
	v28 =	vmul.f32 v28, v34;
	v27 =	vld [tilespmem:s23+$0xFFFFFFE0]  }
0x22d: {  	v34 =	vld [tilespmem:s11+$0x80];
	v26 =	vmul.f32 v26, v31;
	[tilespmem:s20+$0xD0] =	vst v33  }
0x22e: {  	[tilespmem:s20+$0xFFFFFF00] =	vst v28;
	v28 =	vld [tilespmem:s24+$0xD0];
	v32 =	vmul.f32 v37, v3;
	v3 =	vmov v17;
	v17 =	vmov v25  }
0x22f: {  	v23 =	vpop (erf);
	v39 =	vld [tilespmem:s24+$0xFFFFFF30];
	[tilespmem:s20+$0xFFFFFFA0] =	vst v26;
	v30 =	vmul.f32 v40, v30  }
0x230: {  	v33 =	vbroadcast v24, $0x0;
	[tilespmem:s9+$0xFFFFFFF0] =	vst v23;
	v31 =	vbroadcast v23, $0x0;
	v25 =	vpop (erf);
	v40 =	vld [tilespmem:s24+$0xFFFFFFC0]  }
0x231: {  	v41 =	vbroadcast v9, $0x5;
	v37 =	vld [tilespmem:s11+$0xFFFFFF80];
	[tilespmem:s9+$0x80] =	vst v25;
	v46 =	vbroadcast v25, $0x0;
	v26 =	vpop (erf)  }
0x232: {  	[tilespmem:s9+$0xFFFFFF60] =	vst v26;
	v47 =	vbroadcast v26, $0x0;
	v48 =	vld [tilespmem:s11+$0x0];
	v33 =	vmul.f32 v33, v34  }
0x233: {  	v35 =	vbroadcast v26, $0x1;
	v49 =	vld [tilespmem:s11+$0xFFFFFF00];
	[tilespmem:s20+$0x30] =	vst v30;
	v30 =	vmul.f32 v28, v41  }
0x234: {  	v44 =	vbroadcast v23, $0x1;
	v43 =	vbroadcast v25, $0x1;
	[tilespmem:s9+$0x90] =	vst v33;
	v41 =	vld [tilespmem:s24+$0x40]  }
0x235: {  	v34 =	vbroadcast v23, $0x2;
	v28 =	vbroadcast v26, $0x2;
	v50 =	vld [tilespmem:s11+$0x90];
	[tilespmem:s20+$0xE0] =	vst v30  }
.Ltmp2:
0x236: {  	v33 =	vbroadcast v25, $0x2;
	v30 =	vmul.f32 v31, v37;
	v45 =	vld [tilespmem:s24+$0xE0];
	[tilespmem:s18+$0x50] =	vst v42;
	(pc) =	sbr.rel @p0 .LBB2_7-.Ltmp2, $4  }
0x237: {  	v42 =	vbroadcast v26, $0x3;
	v48 =	vmul.f32 v46, v48;
	v37 =	vld [tilespmem:s23+$0x60];
	[tilespmem:s17+$0xFFFFFF40] =	vst v36  }
0x238: {  	v47 =	vmul.f32 v47, v49;
	[tilespmem:s9+$0xFFFFFF70] =	vst v30;
	v49 =	vbroadcast v24, $0x1;
	v36 =	vld [tilespmem:s19+$0xFFFFFF70];
	s19 =	smov.u32 s23;
	s23 =	smov.u32 s24;
	s24 =	smov.u32 s11  }
0x239: {  	v31 =	vbroadcast v23, $0x3;
	v46 =	vld [tilespmem:s11+$0xFFFFFF90];
	[tilespmem:s9+$0x0] =	vst v48;
	v48 =	vbroadcast v9, $0x6  }
0x23a: {  	s13 =	sadd.s32 $0x40, s13;
	v30 =	vbroadcast v25, $0x3;
	[tilespmem:s9+$0xFFFFFEE0] =	vst v47;
	v47 =	vld [tilespmem:s11+$0x10];
	v49 =	vmul.f32 v49, v50  }
0x23b: {  	_ = 	snop  }
0x23c: {  	v57 =	vld [tilespmem:s11+$0xFFFFFF10];
	[tilespmem:s9+$0xA0] =	vst v49  }
0x23d: {  	v50 =	vld [tilespmem:s11+$0xA0];
	_ =	sdelay $0x1  }
0x23e: {  	v44 =	vmul.f32 v44, v46  }
0x23f: {  	[tilespmem:s17+$0xFFFFFFE0] =	vst v38;
	v59 =	vbroadcast v24, $0x2;
	v58 =	vmul.f32 v43, v47  }
0x240: {  	[tilespmem:s9+$0xFFFFFF80] =	vst v44;
	v35 =	vmul.f32 v35, v57  }
0x241: {  	[tilespmem:s9+$0x10] =	vst v58;
	v61 =	vld [tilespmem:s11+$0xFFFFFFA0];
	v60 =	vmul.f32 v59, v50  }
0x242: {  	v63 =	vld [tilespmem:s11+$0x20];
	[tilespmem:s9+$0xFFFFFEF0] =	vst v35  }
0x243: {  	v62 =	vmul.f32 v45, v48;
	v35 =	vld [tilespmem:s11+$0xFFFFFF20];
	[tilespmem:s9+$0xB0] =	vst v60  }
0x244: {  	v20 =	vmul.f32 v39, v20;
	[tilespmem:s17+$0x70] =	vst v32;
	v38 =	vld [tilespmem:s11+$0xB0]  }
0x245: {  	v21 =	vmul.f32 v40, v21;
	[tilespmem:s20+$0xF0] =	vst v62  }
0x246: {  	[tilespmem:s20+$0xFFFFFF10] =	vst v20;
	v46 =	vmul.f32 v34, v61  }
0x247: {  	[tilespmem:s20+$0xFFFFFFB0] =	vst v21;
	v47 =	vbroadcast v24, $0x3;
	v33 =	vmul.f32 v33, v63  }
0x248: {  	v44 =	vld [tilespmem:s23+$0xF0];
	[tilespmem:s9+$0xFFFFFF90] =	vst v46;
	v48 =	vmul.f32 v28, v35  }
0x249: {  	v49 =	vld [tilespmem:s11+$0xFFFFFFB0];
	[tilespmem:s9+$0x20] =	vst v33;
	v20 =	vmul.f32 v38, v47  }
0x24a: {  	v41 =	vmul.f32 v41, v22;
	v33 =	vld [tilespmem:s11+$0x30];
	[tilespmem:s9+$0xFFFFFF00] =	vst v48  }
0x24b: {  	v9 =	vbroadcast v9, $0x7;
	v5 =	vmul.f32 v29, v5;
	v50 =	vld [tilespmem:s24+$0xFFFFFF30];
	[tilespmem:s9+$0xC0] =	vst v20  }
0x24c: {  	[tilespmem:s20+$0x40] =	vst v41;
	v1 =	vmul.f32 v36, v1;
	v51 =	vld [tilespmem:s11+$0xC0]  }
0x24d: {  	[tilespmem:s18+$0xFFFFFF30] =	vst v5;
	v9 =	vmul.f32 v44, v9  }
0x24e: {  	v56 =	vld [tilespmem:s23+$0xFFFFFFD0];
	[tilespmem:s17+$0xFFFFFF50] =	vst v1;
	v52 =	vmul.f32 v49, v31  }
0x24f: {  	v54 =	vbroadcast v24, $0x4;
	v32 =	vld [tilespmem:s19+$0xFFFFFF60];
	[tilespmem:s20+$0x100] =	vst v9;
	v55 =	vmul.f32 v33, v30  }
0x250: {  	v53 =	vld [tilespmem:s23+$0xFFFFFF40];
	[tilespmem:s9+$0xFFFFFFA0] =	vst v52;
	v57 =	vmul.f32 v50, v42  }
0x251: {  	v58 =	vld [tilespmem:s24+$0xFFFFFFC0];
	[tilespmem:s9+$0x30] =	vst v55;
	v9 =	vmul.f32 v51, v54  }
0x252: {  	v7 =	vmul.f32 v37, v7;
	v59 =	vld [tilespmem:s24+$0x40];
	[tilespmem:s9+$0xFFFFFF10] =	vst v57  }
0x253: {  	v1 =	vmul.f32 v56, v18;
	v5 =	vld [tilespmem:s24+$0xFFFFFF40];
	[tilespmem:s9+$0xD0] =	vst v9  }
0x254: {  	[tilespmem:s18+$0x60] =	vst v7;
	v4 =	vmul.f32 v32, v4;
	v60 =	vbroadcast v23, $0x4;
	v62 =	vld [tilespmem:s24+$0xD0]  }
0x255: {  	[tilespmem:s20+$0xFFFFFFC0] =	vst v1;
	v61 =	vmul.f32 v53, v13;
	v63 =	vbroadcast v25, $0x4;
	v30 =	vld [tilespmem:s23+$0x50]  }
0x256: {  	[tilespmem:s18+$0xFFFFFF40] =	vst v4;
	v31 =	vbroadcast v26, $0x4;
	v33 =	vmul.f32 v58, v60  }
0x257: {  	v40 =	vld [tilespmem:s19+$0x70];
	v1 =	vbroadcast v24, $0x5;
	[tilespmem:s20+$0xFFFFFF20] =	vst v61;
	v13 =	vmul.f32 v59, v63  }
0x258: {  	v35 =	vld [tilespmem:s23+$0xFFFFFF50];
	[tilespmem:s9+$0xFFFFFFB0] =	vst v33;
	v5 =	vmul.f32 v5, v31  }
0x259: {  	[tilespmem:s9+$0x40] =	vst v13;
	v7 =	vld [tilespmem:s24+$0xFFFFFFD0];
	v1 =	vmul.f32 v62, v1  }
0x25a: {  	v36 =	vmul.f32 v30, v15;
	v13 =	vld [tilespmem:s24+$0x50];
	[tilespmem:s9+$0xFFFFFF20] =	vst v5  }
0x25b: {  	v8 =	vmul.f32 v27, v8;
	[tilespmem:s9+$0xE0] =	vst v1;
	v1 =	vld [tilespmem:s24+$0xFFFFFF50]  }
0x25c: {  	v37 =	vbroadcast v23, $0x5;
	v3 =	vmul.f32 v40, v3;
	v54 =	vld [tilespmem:s19+$0xFFFFFF70];
	[tilespmem:s20+$0x50] =	vst v36  }
0x25d: {  	v39 =	vbroadcast v25, $0x5;
	[tilespmem:s18+$0xFFFFFFD0] =	vst v8;
	v41 =	vmul.f32 v35, v11;
	v44 =	vld [tilespmem:s23+$0x60]  }
0x25e: {  	v43 =	vld [tilespmem:s23+$0xFFFFFFE0];
	[tilespmem:s18+$0x70] =	vst v3;
	v42 =	vbroadcast v26, $0x5;
	v5 =	vmul.f32 v7, v37  }
0x25f: {  	[tilespmem:s20+$0xFFFFFF30] =	vst v41;
	v38 =	vld [tilespmem:s24+$0xE0];
	v46 =	vmul.f32 v13, v39  }
0x260: {  	v47 =	vld [tilespmem:s23+$0xFFFFFF60];
	[tilespmem:s9+$0xFFFFFFC0] =	vst v5;
	v1 =	vmul.f32 v1, v42  }
0x261: {  	v2 =	vmul.f32 v54, v2;
	v49 =	vld [tilespmem:s24+$0xFFFFFFE0];
	[tilespmem:s9+$0x50] =	vst v46  }
0x262: {  	v45 =	vbroadcast v24, $0x6;
	v3 =	vmul.f32 v44, v19;
	v4 =	vld [tilespmem:s24+$0x60];
	[tilespmem:s9+$0xFFFFFF30] =	vst v1  }
0x263: {  	[tilespmem:s18+$0xFFFFFF50] =	vst v2;
	v1 =	vmul.f32 v43, v12;
	v50 =	vld [tilespmem:s24+$0xFFFFFF60]  }
0x264: {  	v34 =	vld [tilespmem:s19+$0xFFFFFFF0];
	v51 =	vbroadcast v23, $0x6;
	[tilespmem:s20+$0x60] =	vst v3;
	v48 =	vmul.f32 v38, v45  }
0x265: {  	v53 =	vbroadcast v25, $0x6;
	v57 =	vld [tilespmem:s23+$0x70];
	[tilespmem:s20+$0xFFFFFFD0] =	vst v1;
	v1 =	vmul.f32 v47, v10  }
0x266: {  	v55 =	vbroadcast v26, $0x6;
	[tilespmem:s9+$0xF0] =	vst v48;
	v3 =	vld [tilespmem:s23+$0xFFFFFFF0];
	v7 =	vmul.f32 v49, v51  }
0x267: {  	v52 =	vld [tilespmem:s24+$0xF0];
	[tilespmem:s20+$0xFFFFFF40] =	vst v1;
	v1 =	vmul.f32 v4, v53  }
0x268: {  	v58 =	vld [tilespmem:s23+$0xFFFFFF70];
	[tilespmem:s9+$0xFFFFFFD0] =	vst v7;
	v5 =	vmul.f32 v50, v55  }
0x269: {  	v6 =	vmul.f32 v34, v6;
	[tilespmem:s9+$0x60] =	vst v1;
	v1 =	vld [tilespmem:s24+$0xFFFFFFF0]  }
0x26a: {  	v56 =	vbroadcast v24, $0x7;
	v2 =	vmul.f32 v57, v17;
	v60 =	vld [tilespmem:s24+$0x70];
	[tilespmem:s9+$0xFFFFFF40] =	vst v5  }
0x26b: {  	[tilespmem:s18+$0xFFFFFFE0] =	vst v6;
	v3 =	vmul.f32 v3, v16;
	v5 =	vld [tilespmem:s24+$0xFFFFFF70]  }
0x26c: {  	v61 =	vbroadcast v23, $0x7;
	[tilespmem:s20+$0x70] =	vst v2;
	v59 =	vmul.f32 v52, v56  }
0x26d: {  	v62 =	vbroadcast v25, $0x7;
	[tilespmem:s20+$0xFFFFFFE0] =	vst v3;
	v3 =	vmul.f32 v58, v14  }
0x26e: {  	v63 =	vbroadcast v26, $0x7;
	[tilespmem:s9+$0x100] =	vst v59;
	v1 =	vmul.f32 v1, v61  }
0x26f: {  	[tilespmem:s20+$0xFFFFFF50] =	vst v3;
	v2 =	vmul.f32 v60, v62  }
0x270: {  	s16 =	sadd.s32 $0x1, s16;
	[tilespmem:s9+$0xFFFFFFE0] =	vst v1;
	v1 =	vmul.f32 v5, v63  }
0x271: {  	p0 =	sne.s32 s16, $0x51;
	[tilespmem:s9+$0x70] =	vst v2  }
.Ltmp3:
0x272: {  	[tilespmem:s9+$0xFFFFFF50] =	vst v1;
	(pc) =	sbr.rel @p0 .LBB2_4-.Ltmp3, $4  }
0x273: {  	[spmem:s3] =	stream.indirect.scatter.add.f32 [tilespmem:s25], [sflag:$0x3], $0x90, s1, s28, $0xb8;
	[tilespmem:$0x1D520] =	vst v63  }
0x274: {  	_ =	swait.ge [sflag:s26], $0x2400  }
0x275: {  	[sflag:s26] =	ssyncset.done $0x0  }
0x276: {  	[sflag:s26] =	ssyncadd.s32 $0xFFFFDC00  }
0x277: {  	_ =	swait.ge [sflag:s0], $0x2000  }
0x278: {  	[sflag:s0] =	ssyncset.done $0x0  }
0x279: {  	[sflag:s0] =	ssyncadd.s32 $0xFFFFE000  }
0x27a: {  	_ =	swait.ge [sflag:s0], $0x400  }
0x27b: {  	[sflag:s0] =	ssyncset.done $0x0  }
0x27c: {  	[sflag:s0] =	ssyncadd.s32 $0xFFFFFC00  }
0x27d: {  	_ =	swait.ge [sflag:s0], $0x400  }
0x27e: {  	[sflag:s0] =	ssyncset.done $0x0  }
0x27f: {  	[sflag:s0] =	ssyncadd.s32 $0xFFFFFC00  }
0x280: {  	s9 =	stileid.u32;
	[bflag:$0x0] =	sbarrier.arrive $0xFFFF  }
0x281: {  	s9 =	sshll.u32 s9, $0x6;
	s12 =	rddreg [dreg:$0x4]  }
0x282: {  	s9 =	sor.u32 $0x1C03, s9;
	s13 =	rddreg [dreg:$0x10];
	s11 =	sshrl.u32 s12, $0x3  }
0x283: {  	[hbm:s13], [sflag:s9] =	dma.local [spmem:s11], $0x2C04  }
0x284: {  	_ =	swait.ge [sflag:s26], $0x2C04  }
0x285: {  	s23 =	rddreg [dreg:$0x12]  }
0x286: {  	s24 =	rddreg [dreg:$0x11];
	s11 =	sadd.s32 $0x1, s23  }
0x287: {  	p0 =	sne.s32 s11, s24  }
.Ltmp4:
0x288: {  	_ = 	snop;
	(pc) =	sbr.rel @p0 .LBB2_1-.Ltmp4, $3  }
0x289: {  	_ =	sdelay $0x1  }
0x28a: {  	[sflag:s26] =	ssyncset.done $0x0  }
0x28b: {  	[sflag:s26] =	ssyncadd.s32 $0xFFFFD3FC  }
0x28c: {  	_ =	sfence.sel $0x180000  }
0x28d: {  	[bflag:$0x0] =	sbarrier.arrive $0xFFFF  }
0x28e: {  	_ =	strace $0x90000047  }
0x28f: {  	s0 =	stileid.u32;
	[bflag:$0x2] =	sbarrier.arrive $0xFFFF  }
0x290: {  	p0 =	sne.s32 s0, $0x0;
	s0 =	rddreg [dreg:$0x3]  }
0x291: {  	s0 =	sadd.s32 @!p0 $0x100000, s0  }
0x292: {  	[sflag:s0] =	ssyncadd.tile.s32 @!p0 $0x1;
	_ =	shalt  }
.Lfunc_end2:
_tile_overlayer_lowered:
.L_overlay_start_2:
0x293: {  	(tag) =	ssettag $0x2  }
0x294: {  	s0 =	rddreg [dreg:$0x0];
	s2 =	stileid.u32  }
0x295: {  	s1 =	rddreg [dreg:$0x1];
	p0 =	sne.s32 s2, $0x0  }
0x296: {  	s3 =	rddreg [dreg:$0x2];
	[bflag:$0x3] =	sbarrier.arrive $0xFFFF;
	s2 =	simm.s32 @!p0 $0x1C03  }
0x297: {  	[timem:s3], [sflag:s2] =	dma.local @!p0 [hbm:s0], s1  }
0x298: {  	s0 =	simm.s32 @!p0 $0x3  }
0x299: {  	_ =	swait.ge @!p0 [sflag:s0], s1  }
0x29a: {  	s1 =	ssub.s32 @!p0 $0x0, s1;
	[sflag:s0] =	ssyncset.done @!p0 $0x0  }
0x29b: {  	[sflag:s0] =	ssyncadd.s32 @!p0 s1  }
0x29c: {  	[bflag:$0x3] =	sbarrier.arrive $0xFFFF  }
0x29d: {  	_ =	shalt  }

</sc_bundles>
